<compile_context>
chip_gen: v7x
topology: tpu7x:2x2x1
jax: 0.10.2.dev20260603
libtpu: 0.0.44.dev20260713+nightly
codegen_flags: <defaults>
</compile_context>

<pallas_src>
import functools

import jax
import jax.numpy as jnp
import numpy as np
from jax import lax
from jax.experimental import pallas as pl
from jax.experimental.pallas import tpu as pltpu
from jax.experimental.pallas import tpu_sc as plsc

_NF = 26
_VOCAB = 100000
_D = 8
_AF = 4
_B = 4096
_P = _NF * (_NF - 1) // 2

_NC = 2
_NS = 16
_NW = _NC * _NS
_CHUNK = 128
_PER_W = (_NF * _B) // _NW
_N_CH = _PER_W // _CHUNK

_OFF = np.concatenate([[0], np.cumsum([_NF - 1 - r for r in range(_NF - 1)])])

_BT = 256


def _sc_gather(xt, ffm3, lin_tables):
    mesh = plsc.VectorSubcoreMesh(core_axis_name="c", subcore_axis_name="s")

    @functools.partial(
        pl.kernel,
        mesh=mesh,
        compiler_params=pltpu.CompilerParams(use_tc_tiling_on_sc=False),
        out_type=[
            jax.ShapeDtypeStruct((_D, _NF, _B), jnp.float32),
            jax.ShapeDtypeStruct((_NF * _B,), jnp.float32),
        ],
        scratch_types=[
            pltpu.VMEM((2, _CHUNK), jnp.int32),
            pltpu.VMEM((2, _D, 1, _CHUNK), jnp.float32),
            pltpu.VMEM((2, _CHUNK), jnp.float32),
            pltpu.SemaphoreType.DMA,
            pltpu.SemaphoreType.DMA,
            pltpu.SemaphoreType.DMA,
        ],
    )
    def k(xt_hbm, ffm_hbm, lin_hbm, emb_out, lin_out, idx_v, rows_v, ln_v,
          semg, seml, semw):
        wid = lax.axis_index("s") * _NC + lax.axis_index("c")
        base0 = wid * _PER_W

        def body(jj, carry):
            cps, infos = [], []
            for t in range(2):
                j = 2 * jj + t
                base = pl.multiple_of(base0 + j * _CHUNK, _CHUNK)
                f = base // _B
                bb = pl.multiple_of(base - f * _B, _CHUNK)
                pltpu.sync_copy(xt_hbm.at[pl.ds(base, _CHUNK)], idx_v.at[t])
                cps.append([
                    pltpu.async_copy(ffm_hbm.at[f, d].at[idx_v.at[t]],
                                     rows_v.at[t, d, 0], semg)
                    for d in range(_D)
                ] + [
                    pltpu.async_copy(lin_hbm.at[f].at[idx_v.at[t]],
                                     ln_v.at[t], seml)
                ])
                infos.append((f, bb, base))
            wcps = []
            for t in range(2):
                for cp in cps[t]:
                    cp.wait()
                f, bb, base = infos[t]
                wcps.append(pltpu.async_copy(
                    rows_v.at[t],
                    emb_out.at[:, pl.ds(f, 1), pl.ds(bb, _CHUNK)], semw))
                wcps.append(pltpu.async_copy(
                    ln_v.at[t], lin_out.at[pl.ds(base, _CHUNK)], semw))
            for cp in wcps:
                cp.wait()
            return carry

        lax.fori_loop(0, _N_CH // 2, body, 0)

    return k(xt, ffm3, lin_tables)


def _dense_body(emb_ref, lin_ref, wint_ref, watt_ref, batt_ref, hatt_ref,
                wlin_ref, w1_ref, b1_ref, w2_ref, b2_ref, w3_ref, b3_ref,
                wo_ref, bo_ref, out_ref, bi_ref):
    e = emb_ref[...]
    wint = wint_ref[...]
    G = lax.dot_general(wint, wint, (((1,), (1,)), ((), ())),
                        preferred_element_type=jnp.float32)

    for r in range(_NF - 1):
        kk = _NF - 1 - r
        er = e[:, r:r + 1, :]
        ec = e[:, r + 1:, :]
        g = G[r + 1:, r:r + 1]
        bi_ref[:, _OFF[r]:_OFF[r] + kk, :] = er * ec * g[None, :, :]

    s = None
    for a in range(_AF):
        acc = jnp.full((_P, bi_ref.shape[2]), batt_ref[a], jnp.float32)
        for dd in range(_D):
            acc = acc + bi_ref[dd] * watt_ref[dd, a]
        term = jnp.maximum(acc, 0.0) * hatt_ref[a, 0]
        s = term if s is None else s + term

    m = jnp.max(s, axis=0, keepdims=True)
    ex = jnp.exp(s - m)
    attn = ex / jnp.sum(ex, axis=0, keepdims=True)

    ffm = jnp.concatenate(
        [jnp.sum(attn * bi_ref[dd], axis=0, keepdims=True) for dd in range(_D)],
        axis=0)

    cdim = (((0,), (0,)), ((), ()))
    h = jnp.maximum(lax.dot_general(w1_ref[...], ffm, cdim,
                                    preferred_element_type=jnp.float32)
                    + b1_ref[...], 0.0)
    h = jnp.maximum(lax.dot_general(w2_ref[...], h, cdim,
                                    preferred_element_type=jnp.float32)
                    + b2_ref[...], 0.0)
    h = jnp.maximum(lax.dot_general(w3_ref[...], h, cdim,
                                    preferred_element_type=jnp.float32)
                    + b3_ref[...], 0.0)
    dnn = lax.dot_general(wo_ref[...], h, cdim,
                          preferred_element_type=jnp.float32) + bo_ref[...]
    logits = lax.dot_general(wlin_ref[...], lin_ref[...], cdim,
                             preferred_element_type=jnp.float32)
    out_ref[...] = jax.nn.sigmoid(logits + dnn)


def _dense(emb_t, lin_t, W_int, W_att, b_att, H_att, W_lin,
           W1, b1, W2, b2, W3, b3, Wo, bo):
    grid = (_B // _BT,)
    smem = pl.BlockSpec(memory_space=pltpu.MemorySpace.SMEM)
    return pl.pallas_call(
        _dense_body,
        grid=grid,
        in_specs=[
            pl.BlockSpec((_D, _NF, _BT), lambda i: (0, 0, i)),
            pl.BlockSpec((_NF, _BT), lambda i: (0, i)),
            pl.BlockSpec((_NF, _AF), lambda i: (0, 0)),
            smem,
            smem,
            smem,
            pl.BlockSpec((_NF, 1), lambda i: (0, 0)),
            pl.BlockSpec((_D, 208), lambda i: (0, 0)),
            pl.BlockSpec((208, 1), lambda i: (0, 0)),
            pl.BlockSpec((208, 128), lambda i: (0, 0)),
            pl.BlockSpec((128, 1), lambda i: (0, 0)),
            pl.BlockSpec((128, 64), lambda i: (0, 0)),
            pl.BlockSpec((64, 1), lambda i: (0, 0)),
            pl.BlockSpec((64, 1), lambda i: (0, 0)),
            pl.BlockSpec((1, 1), lambda i: (0, 0)),
        ],
        out_specs=pl.BlockSpec((1, _BT), lambda i: (0, i)),
        out_shape=jax.ShapeDtypeStruct((1, _B), jnp.float32),
        scratch_shapes=[pltpu.VMEM((_D, _P, _BT), jnp.float32)],

    )(emb_t, lin_t, W_int, W_att, b_att, H_att, W_lin,
      W1, b1, W2, b2, W3, b3, Wo, bo)


def kernel(x, lin_tables, W_lin, ffm_tables, W_int, W_att, b_att, H_att,
           W1, b1, W2, b2, W3, b3, Wo, bo):
    x = x.astype(jnp.int32)
    xt = x.T.reshape(_NF * _B)
    ffm3 = jnp.swapaxes(ffm_tables, 1, 2)

    emb_t, lin_e = _sc_gather(xt, ffm3, lin_tables)
    lin_t = lin_e.reshape(_NF, _B)

    out = _dense(emb_t, lin_t, W_int, W_att, b_att, H_att, W_lin,
                 W1, b1.reshape(208, 1), W2, b2.reshape(128, 1),
                 W3, b3.reshape(64, 1), Wo, bo.reshape(1, 1))
    return out.reshape(_B, 1)

# --- scband reference (transcript-rebuilt; emitter-appended) ---
"""Pipeline reference for scband-fnfm-53996328845335 (READ-ONLY COPY).

The authoritative reference and input builder live on the scoring server;
editing this copy changes nothing except your own understanding.
"""

import jax, jax.numpy as jnp
import numpy as np
import itertools

N_FIELDS = 26
VOCAB = 100000
D = 8
AF = 4
B = 4096

_PAIRS = np.array(list(itertools.combinations(range(N_FIELDS), 2)))
RS = jnp.asarray(_PAIRS[:, 0])
CS = jnp.asarray(_PAIRS[:, 1])


def setup_inputs(seed: int = 0) -> dict:
    key = jax.random.key(seed)
    ks = jax.random.split(key, 16)
    x = jax.random.randint(ks[0], (B, N_FIELDS), 0, VOCAB)
    lin_tables = jax.random.uniform(ks[1], (N_FIELDS, VOCAB), minval=-0.05, maxval=0.05, dtype=jnp.float32)
    W_lin = jax.random.normal(ks[2], (N_FIELDS, 1), dtype=jnp.float32) * 0.05
    ffm_tables = jax.random.normal(ks[3], (N_FIELDS, VOCAB, D), dtype=jnp.float32) * 0.001
    W_int = jax.random.normal(ks[4], (N_FIELDS, AF), dtype=jnp.float32) * 0.2
    W_att = jax.random.normal(ks[5], (D, AF), dtype=jnp.float32) * 0.4
    b_att = jnp.zeros((AF,), dtype=jnp.float32)
    H_att = jax.random.normal(ks[6], (AF, 1), dtype=jnp.float32) * 0.4
    W1 = jax.random.normal(ks[7], (D, 208), dtype=jnp.float32) * 0.1
    b1 = jnp.zeros((208,), dtype=jnp.float32)
    W2 = jax.random.normal(ks[8], (208, 128), dtype=jnp.float32) * 0.1
    b2 = jnp.zeros((128,), dtype=jnp.float32)
    W3 = jax.random.normal(ks[9], (128, 64), dtype=jnp.float32) * 0.1
    b3 = jnp.zeros((64,), dtype=jnp.float32)
    Wo = jax.random.normal(ks[10], (64, 1), dtype=jnp.float32) * 0.1
    bo = jnp.zeros((1,), dtype=jnp.float32)
    return {"x": x, "lin_tables": lin_tables, "W_lin": W_lin, "ffm_tables": ffm_tables,
            "W_int": W_int, "W_att": W_att, "b_att": b_att, "H_att": H_att,
            "W1": W1, "b1": b1, "W2": W2, "b2": b2, "W3": W3, "b3": b3, "Wo": Wo, "bo": bo}


def reference(x, lin_tables, W_lin, ffm_tables, W_int, W_att, b_att, H_att,
              W1, b1, W2, b2, W3, b3, Wo, bo):
    f_idx = jnp.arange(N_FIELDS)[None, :]
    # linear part: per-field 1-dim embedding lookup -> linear
    lin_e = lin_tables[f_idx, x]                      # [B, F]
    logits = lin_e @ W_lin                            # [B, 1]
    # FFM embedding (space-optimized): per-field embedding lookup
    embed = ffm_tables[f_idx, x]                      # [B, F, D]
    # INT: pairwise field interactions scaled by learned field scores
    scores = jnp.sum(W_int[RS] * W_int[CS], axis=-1)  # [P]
    bi = embed[:, RS, :] * embed[:, CS, :] * scores[None, :, None]  # [B, P, D]
    # AttentionLayer reduction
    att_t = jax.nn.relu(jnp.tensordot(bi, W_att, axes=([-1], [0])) + b_att)  # [B, P, AF]
    att_s = jnp.tensordot(att_t, H_att, axes=([-1], [0]))                    # [B, P, 1]
    att_n = jax.nn.softmax(att_s, axis=1)
    ffm_out = jnp.sum(att_n * bi, axis=1)             # [B, D]
    # DNN: hidden units [F*D=208, 128, 64] then projection to 1 logit
    h = jax.nn.relu(ffm_out @ W1 + b1)
    h = jax.nn.relu(h @ W2 + b2)
    h = jax.nn.relu(h @ W3 + b3)
    dnn = h @ Wo + bo                                 # [B, 1]
    return jax.nn.sigmoid(logits + dnn)

if __name__ == "__main__":
    import jax
    _d = setup_inputs()
    print(jax.jit(kernel)(*tuple(_d.values())))

</pallas_src>

<mosaic_0001>
#map = affine_map<(d0, d1) -> (0)>
#map1 = affine_map<(d0, d1) -> (0, 0, 0)>
#map2 = affine_map<(d0, d1) -> (0, 0)>
module attributes {stable_mosaic.version = 14 : i64} {
  func.func @k(%arg0: i32, %arg1: i32, %arg2: memref<106496xi32, #tpu.memory_space<hbm>>, %arg3: memref<26x8x100000xf32, #tpu.memory_space<hbm>>, %arg4: memref<26x100000xf32, #tpu.memory_space<hbm>>, %arg5: memref<8x26x4096xf32, #tpu.memory_space<hbm>>, %arg6: memref<106496xf32, #tpu.memory_space<hbm>>, %arg7: memref<2x128xi32, #tpu.memory_space<vmem>>, %arg8: memref<2x8x1x128xf32, #tpu.memory_space<vmem>>, %arg9: memref<2x128xf32, #tpu.memory_space<vmem>>, %arg10: memref<!tpu.dma_semaphore, #tpu.memory_space<semaphore_mem>>, %arg11: memref<!tpu.dma_semaphore, #tpu.memory_space<semaphore_mem>>, %arg12: memref<!tpu.dma_semaphore, #tpu.memory_space<semaphore_mem>>) attributes {dimension_semantics = [#tpu.dimension_semantics<core_parallel>, #tpu.dimension_semantics<subcore_parallel>], iteration_bounds = array<i64: 2, 16>, scalar_prefetch = 0 : i64, scratch_operands = 6 : i64, tpu.core_type = #tpu.core_type<sc_vector_subcore>, window_params = [{transform_indices = #map}, {transform_indices = #map1}, {transform_indices = #map2}, {transform_indices = #map1}, {transform_indices = #map}]} {
    %mul3A = arith.constant 2 : i32
    %mul3A_0 = arith.muli %arg1, %mul3A : i32
    %add3A = arith.addi %mul3A_0, %arg0 : i32
    %mul3A_1 = arith.constant 3328 : i32
    %mul3A_2 = arith.muli %add3A, %mul3A_1 : i32
    %scan3A = arith.constant 0 : i32
    %scan3A_3 = arith.constant 0 : i32
    %scan3A_4 = arith.constant 13 : i32
    %scan3A_5 = arith.addi %scan3A_3, %scan3A_4 : i32
    %scan3A_6 = arith.constant 1 : i32
    scf.for %scan3A_8 = %scan3A_3 to %scan3A_5 step %scan3A_6  : i32 {
      %mul3A_9 = arith.constant 2 : i32
      %mul3A_10 = arith.muli %mul3A_9, %scan3A_8 : i32
      %add3A_11 = arith.constant 0 : i32
      %add3A_12 = arith.addi %mul3A_10, %add3A_11 : i32
      %mul3A_13 = arith.constant 128 : i32
      %mul3A_14 = arith.muli %add3A_12, %mul3A_13 : i32
      %add3A_15 = arith.addi %mul3A_2, %mul3A_14 : i32
      %multiple_of3A = tpu.assume_multiple %add3A_15, 128 : i32
      %jit3A = arith.constant 4096 : i32
      %div3A = arith.divsi %multiple_of3A, %jit3A : i32
      %sign3A = arith.constant 0 : i32
      %sign3A_16 = arith.cmpi sgt, %multiple_of3A, %sign3A : i32
      %sign3A_17 = arith.extui %sign3A_16 : i1 to i32
      %sign3A_18 = arith.constant 0 : i32
      %sign3A_19 = arith.cmpi slt, %multiple_of3A, %sign3A_18 : i32
      %sign3A_20 = arith.extui %sign3A_19 : i1 to i32
      %sign3A_21 = arith.subi %sign3A_17, %sign3A_20 : i32
      %sign3A_22 = arith.constant 0 : i32
      %sign3A_23 = arith.cmpi sgt, %jit3A, %sign3A_22 : i32
      %sign3A_24 = arith.extui %sign3A_23 : i1 to i32
      %sign3A_25 = arith.constant 0 : i32
      %sign3A_26 = arith.cmpi slt, %jit3A, %sign3A_25 : i32
      %sign3A_27 = arith.extui %sign3A_26 : i1 to i32
      %sign3A_28 = arith.subi %sign3A_24, %sign3A_27 : i32
      %ne3A = arith.cmpi ne, %sign3A_21, %sign3A_28 : i32
      %rem3A = arith.remsi %multiple_of3A, %jit3A : i32
      %ne3A_29 = arith.constant 0 : i32
      %ne3A_30 = arith.cmpi ne, %rem3A, %ne3A_29 : i32
      %and3A = arith.andi %ne3A, %ne3A_30 : i1
      %sub3A = arith.constant 1 : i32
      %sub3A_31 = arith.subi %div3A, %sub3A : i32
      %select_n3A = arith.select %and3A, %sub3A_31, %div3A : i32
      %mul3A_32 = arith.constant 4096 : i32
      %mul3A_33 = arith.muli %select_n3A, %mul3A_32 : i32
      %sub3A_34 = arith.subi %multiple_of3A, %mul3A_33 : i32
      %multiple_of3A_35 = tpu.assume_multiple %sub3A_34, 128 : i32
      %run_scoped3A = arith.constant 0 : i32
      "tpu.region"() ({
        %run_scoped3A_731 = tpu.sem_alloc : memref<!tpu.dma_semaphore, #tpu.memory_space<semaphore_mem>>
        %dma_start3A_732 = arith.constant 0 : i32
        %dma_start3A_733 = tpu.memref_slice %arg7[%run_scoped3A, %dma_start3A_732] : memref<2x128xi32, #tpu.memory_space<vmem>> -> memref<1x128xi32, #tpu.memory_space<vmem>>
        %dma_start3A_734 = tpu.memref_squeeze %dma_start3A_733 : memref<1x128xi32, #tpu.memory_space<vmem>> -> memref<128xi32, #tpu.memory_space<vmem>>
        %dma_start3A_735 = tpu.memref_slice %arg2[%multiple_of3A] : memref<106496xi32, #tpu.memory_space<hbm>> -> memref<128xi32, #tpu.memory_space<hbm>>
        %dma_start3A_736 = arith.constant 0 : i32
        %dma_start3A_737 = tpu.memref_slice %arg7[%run_scoped3A, %dma_start3A_736] : memref<2x128xi32, #tpu.memory_space<vmem>> -> memref<1x128xi32, #tpu.memory_space<vmem>>
        %dma_start3A_738 = tpu.memref_squeeze %dma_start3A_737 : memref<1x128xi32, #tpu.memory_space<vmem>> -> memref<128xi32, #tpu.memory_space<vmem>>
        %dma_start3A_739 = tpu.memref_slice %arg2[%multiple_of3A] : memref<106496xi32, #tpu.memory_space<hbm>> -> memref<128xi32, #tpu.memory_space<hbm>>
        tpu.enqueue_dma source(%dma_start3A_739 : memref<128xi32, #tpu.memory_space<hbm>>) target(%dma_start3A_738 : memref<128xi32, #tpu.memory_space<vmem>>) target_semaphore(%run_scoped3A_731 : memref<!tpu.dma_semaphore, #tpu.memory_space<semaphore_mem>>)
        %dma_wait3A_740 = arith.constant 0 : i32
        %dma_wait3A_741 = tpu.memref_slice %arg7[%run_scoped3A, %dma_wait3A_740] : memref<2x128xi32, #tpu.memory_space<vmem>> -> memref<1x128xi32, #tpu.memory_space<vmem>>
        %dma_wait3A_742 = tpu.memref_squeeze %dma_wait3A_741 : memref<1x128xi32, #tpu.memory_space<vmem>> -> memref<128xi32, #tpu.memory_space<vmem>>
        %dma_wait3A_743 = tpu.memref_slice %arg2[%multiple_of3A] : memref<106496xi32, #tpu.memory_space<hbm>> -> memref<128xi32, #tpu.memory_space<hbm>>
        %dma_wait3A_744 = arith.constant 0 : i32
        %dma_wait3A_745 = tpu.memref_slice %arg7[%run_scoped3A, %dma_wait3A_744] : memref<2x128xi32, #tpu.memory_space<vmem>> -> memref<1x128xi32, #tpu.memory_space<vmem>>
        %dma_wait3A_746 = tpu.memref_squeeze %dma_wait3A_745 : memref<1x128xi32, #tpu.memory_space<vmem>> -> memref<128xi32, #tpu.memory_space<vmem>>
        %dma_wait3A_747 = tpu.memref_slice %arg2[%multiple_of3A] : memref<106496xi32, #tpu.memory_space<hbm>> -> memref<128xi32, #tpu.memory_space<hbm>>
        tpu.wait_dma2 semaphore(%run_scoped3A_731 : memref<!tpu.dma_semaphore, #tpu.memory_space<semaphore_mem>>) src(%dma_wait3A_747 : memref<128xi32, #tpu.memory_space<hbm>>) dst(%dma_wait3A_746 : memref<128xi32, #tpu.memory_space<vmem>>)
        tpu.yield
      }) : () -> ()
      %dma_start3A = arith.constant 0 : i32
      %dma_start3A_36 = arith.constant 0 : i32
      %dma_start3A_37 = arith.constant 0 : i32
      %dma_start3A_38 = arith.constant 0 : i32
      %dma_start3A_39 = arith.constant 0 : i32
      %dma_start3A_40 = arith.constant 0 : i32
      %dma_start3A_41 = tpu.memref_slice %arg8[%dma_start3A_37, %dma_start3A_38, %dma_start3A_39, %dma_start3A_40] : memref<2x8x1x128xf32, #tpu.memory_space<vmem>> -> memref<1x1x1x128xf32, #tpu.memory_space<vmem>>
      %dma_start3A_42 = tpu.memref_squeeze %dma_start3A_41 : memref<1x1x1x128xf32, #tpu.memory_space<vmem>> -> memref<128xf32, #tpu.memory_space<vmem>>
      %dma_start3A_43 = arith.constant 0 : i32
      %dma_start3A_44 = tpu.memref_slice %arg7[%dma_start3A_36, %dma_start3A_43] : memref<2x128xi32, #tpu.memory_space<vmem>> -> memref<1x128xi32, #tpu.memory_space<vmem>>
      %dma_start3A_45 = tpu.memref_squeeze %dma_start3A_44 : memref<1x128xi32, #tpu.memory_space<vmem>> -> memref<128xi32, #tpu.memory_space<vmem>>
      %dma_start3A_46 = arith.constant 0 : i32
      %dma_start3A_47 = tpu.memref_slice %arg3[%select_n3A, %dma_start3A, %dma_start3A_46] : memref<26x8x100000xf32, #tpu.memory_space<hbm>> -> memref<1x1x100000xf32, #tpu.memory_space<hbm>>
      %dma_start3A_48 = tpu.memref_squeeze %dma_start3A_47 : memref<1x1x100000xf32, #tpu.memory_space<hbm>> -> memref<100000xf32, #tpu.memory_space<hbm>>
      %dma_start3A_49 = arith.constant 0 : i32
      %dma_start3A_50 = tpu.memref_slice %dma_start3A_48[%dma_start3A_49] : memref<100000xf32, #tpu.memory_space<hbm>> -> memref<100000xf32, #tpu.memory_space<hbm>>
      tpu.enqueue_indirect_dma source(%dma_start3A_50 : memref<100000xf32, #tpu.memory_space<hbm>>) target(%dma_start3A_42 : memref<128xf32, #tpu.memory_space<vmem>>) offsets(%dma_start3A_45 : memref<128xi32, #tpu.memory_space<vmem>>) semaphore(%arg10 : memref<!tpu.dma_semaphore, #tpu.memory_space<semaphore_mem>>)
      %dma_start3A_51 = arith.constant 1 : i32
      %dma_start3A_52 = arith.constant 0 : i32
      %dma_start3A_53 = arith.constant 0 : i32
      %dma_start3A_54 = arith.constant 1 : i32
      %dma_start3A_55 = arith.constant 0 : i32
      %dma_start3A_56 = arith.constant 0 : i32
      %dma_start3A_57 = tpu.memref_slice %arg8[%dma_start3A_53, %dma_start3A_54, %dma_start3A_55, %dma_start3A_56] : memref<2x8x1x128xf32, #tpu.memory_space<vmem>> -> memref<1x1x1x128xf32, #tpu.memory_space<vmem>>
      %dma_start3A_58 = tpu.memref_squeeze %dma_start3A_57 : memref<1x1x1x128xf32, #tpu.memory_space<vmem>> -> memref<128xf32, #tpu.memory_space<vmem>>
      %dma_start3A_59 = arith.constant 0 : i32
      %dma_start3A_60 = tpu.memref_slice %arg7[%dma_start3A_52, %dma_start3A_59] : memref<2x128xi32, #tpu.memory_space<vmem>> -> memref<1x128xi32, #tpu.memory_space<vmem>>
      %dma_start3A_61 = tpu.memref_squeeze %dma_start3A_60 : memref<1x128xi32, #tpu.memory_space<vmem>> -> memref<128xi32, #tpu.memory_space<vmem>>
      %dma_start3A_62 = arith.constant 0 : i32
      %dma_start3A_63 = tpu.memref_slice %arg3[%select_n3A, %dma_start3A_51, %dma_start3A_62] : memref<26x8x100000xf32, #tpu.memory_space<hbm>> -> memref<1x1x100000xf32, #tpu.memory_space<hbm>>
      %dma_start3A_64 = tpu.memref_squeeze %dma_start3A_63 : memref<1x1x100000xf32, #tpu.memory_space<hbm>> -> memref<100000xf32, #tpu.memory_space<hbm>>
      %dma_start3A_65 = arith.constant 0 : i32
      %dma_start3A_66 = tpu.memref_slice %dma_start3A_64[%dma_start3A_65] : memref<100000xf32, #tpu.memory_space<hbm>> -> memref<100000xf32, #tpu.memory_space<hbm>>
      tpu.enqueue_indirect_dma source(%dma_start3A_66 : memref<100000xf32, #tpu.memory_space<hbm>>) target(%dma_start3A_58 : memref<128xf32, #tpu.memory_space<vmem>>) offsets(%dma_start3A_61 : memref<128xi32, #tpu.memory_space<vmem>>) semaphore(%arg10 : memref<!tpu.dma_semaphore, #tpu.memory_space<semaphore_mem>>)
      %dma_start3A_67 = arith.constant 2 : i32
      %dma_start3A_68 = arith.constant 0 : i32
      %dma_start3A_69 = arith.constant 0 : i32
      %dma_start3A_70 = arith.constant 2 : i32
      %dma_start3A_71 = arith.constant 0 : i32
      %dma_start3A_72 = arith.constant 0 : i32
      %dma_start3A_73 = tpu.memref_slice %arg8[%dma_start3A_69, %dma_start3A_70, %dma_start3A_71, %dma_start3A_72] : memref<2x8x1x128xf32, #tpu.memory_space<vmem>> -> memref<1x1x1x128xf32, #tpu.memory_space<vmem>>
      %dma_start3A_74 = tpu.memref_squeeze %dma_start3A_73 : memref<1x1x1x128xf32, #tpu.memory_space<vmem>> -> memref<128xf32, #tpu.memory_space<vmem>>
      %dma_start3A_75 = arith.constant 0 : i32
      %dma_start3A_76 = tpu.memref_slice %arg7[%dma_start3A_68, %dma_start3A_75] : memref<2x128xi32, #tpu.memory_space<vmem>> -> memref<1x128xi32, #tpu.memory_space<vmem>>
      %dma_start3A_77 = tpu.memref_squeeze %dma_start3A_76 : memref<1x128xi32, #tpu.memory_space<vmem>> -> memref<128xi32, #tpu.memory_space<vmem>>
      %dma_start3A_78 = arith.constant 0 : i32
      %dma_start3A_79 = tpu.memref_slice %arg3[%select_n3A, %dma_start3A_67, %dma_start3A_78] : memref<26x8x100000xf32, #tpu.memory_space<hbm>> -> memref<1x1x100000xf32, #tpu.memory_space<hbm>>
      %dma_start3A_80 = tpu.memref_squeeze %dma_start3A_79 : memref<1x1x100000xf32, #tpu.memory_space<hbm>> -> memref<100000xf32, #tpu.memory_space<hbm>>
      %dma_start3A_81 = arith.constant 0 : i32
      %dma_start3A_82 = tpu.memref_slice %dma_start3A_80[%dma_start3A_81] : memref<100000xf32, #tpu.memory_space<hbm>> -> memref<100000xf32, #tpu.memory_space<hbm>>
      tpu.enqueue_indirect_dma source(%dma_start3A_82 : memref<100000xf32, #tpu.memory_space<hbm>>) target(%dma_start3A_74 : memref<128xf32, #tpu.memory_space<vmem>>) offsets(%dma_start3A_77 : memref<128xi32, #tpu.memory_space<vmem>>) semaphore(%arg10 : memref<!tpu.dma_semaphore, #tpu.memory_space<semaphore_mem>>)
      %dma_start3A_83 = arith.constant 3 : i32
      %dma_start3A_84 = arith.constant 0 : i32
      %dma_start3A_85 = arith.constant 0 : i32
      %dma_start3A_86 = arith.constant 3 : i32
      %dma_start3A_87 = arith.constant 0 : i32
      %dma_start3A_88 = arith.constant 0 : i32
      %dma_start3A_89 = tpu.memref_slice %arg8[%dma_start3A_85, %dma_start3A_86, %dma_start3A_87, %dma_start3A_88] : memref<2x8x1x128xf32, #tpu.memory_space<vmem>> -> memref<1x1x1x128xf32, #tpu.memory_space<vmem>>
      %dma_start3A_90 = tpu.memref_squeeze %dma_start3A_89 : memref<1x1x1x128xf32, #tpu.memory_space<vmem>> -> memref<128xf32, #tpu.memory_space<vmem>>
      %dma_start3A_91 = arith.constant 0 : i32
      %dma_start3A_92 = tpu.memref_slice %arg7[%dma_start3A_84, %dma_start3A_91] : memref<2x128xi32, #tpu.memory_space<vmem>> -> memref<1x128xi32, #tpu.memory_space<vmem>>
      %dma_start3A_93 = tpu.memref_squeeze %dma_start3A_92 : memref<1x128xi32, #tpu.memory_space<vmem>> -> memref<128xi32, #tpu.memory_space<vmem>>
      %dma_start3A_94 = arith.constant 0 : i32
      %dma_start3A_95 = tpu.memref_slice %arg3[%select_n3A, %dma_start3A_83, %dma_start3A_94] : memref<26x8x100000xf32, #tpu.memory_space<hbm>> -> memref<1x1x100000xf32, #tpu.memory_space<hbm>>
      %dma_start3A_96 = tpu.memref_squeeze %dma_start3A_95 : memref<1x1x100000xf32, #tpu.memory_space<hbm>> -> memref<100000xf32, #tpu.memory_space<hbm>>
      %dma_start3A_97 = arith.constant 0 : i32
      %dma_start3A_98 = tpu.memref_slice %dma_start3A_96[%dma_start3A_97] : memref<100000xf32, #tpu.memory_space<hbm>> -> memref<100000xf32, #tpu.memory_space<hbm>>
      tpu.enqueue_indirect_dma source(%dma_start3A_98 : memref<100000xf32, #tpu.memory_space<hbm>>) target(%dma_start3A_90 : memref<128xf32, #tpu.memory_space<vmem>>) offsets(%dma_start3A_93 : memref<128xi32, #tpu.memory_space<vmem>>) semaphore(%arg10 : memref<!tpu.dma_semaphore, #tpu.memory_space<semaphore_mem>>)
      %dma_start3A_99 = arith.constant 4 : i32
      %dma_start3A_100 = arith.constant 0 : i32
      %dma_start3A_101 = arith.constant 0 : i32
      %dma_start3A_102 = arith.constant 4 : i32
      %dma_start3A_103 = arith.constant 0 : i32
      %dma_start3A_104 = arith.constant 0 : i32
      %dma_start3A_105 = tpu.memref_slice %arg8[%dma_start3A_101, %dma_start3A_102, %dma_start3A_103, %dma_start3A_104] : memref<2x8x1x128xf32, #tpu.memory_space<vmem>> -> memref<1x1x1x128xf32, #tpu.memory_space<vmem>>
      %dma_start3A_106 = tpu.memref_squeeze %dma_start3A_105 : memref<1x1x1x128xf32, #tpu.memory_space<vmem>> -> memref<128xf32, #tpu.memory_space<vmem>>
      %dma_start3A_107 = arith.constant 0 : i32
      %dma_start3A_108 = tpu.memref_slice %arg7[%dma_start3A_100, %dma_start3A_107] : memref<2x128xi32, #tpu.memory_space<vmem>> -> memref<1x128xi32, #tpu.memory_space<vmem>>
      %dma_start3A_109 = tpu.memref_squeeze %dma_start3A_108 : memref<1x128xi32, #tpu.memory_space<vmem>> -> memref<128xi32, #tpu.memory_space<vmem>>
      %dma_start3A_110 = arith.constant 0 : i32
      %dma_start3A_111 = tpu.memref_slice %arg3[%select_n3A, %dma_start3A_99, %dma_start3A_110] : memref<26x8x100000xf32, #tpu.memory_space<hbm>> -> memref<1x1x100000xf32, #tpu.memory_space<hbm>>
      %dma_start3A_112 = tpu.memref_squeeze %dma_start3A_111 : memref<1x1x100000xf32, #tpu.memory_space<hbm>> -> memref<100000xf32, #tpu.memory_space<hbm>>
      %dma_start3A_113 = arith.constant 0 : i32
      %dma_start3A_114 = tpu.memref_slice %dma_start3A_112[%dma_start3A_113] : memref<100000xf32, #tpu.memory_space<hbm>> -> memref<100000xf32, #tpu.memory_space<hbm>>
      tpu.enqueue_indirect_dma source(%dma_start3A_114 : memref<100000xf32, #tpu.memory_space<hbm>>) target(%dma_start3A_106 : memref<128xf32, #tpu.memory_space<vmem>>) offsets(%dma_start3A_109 : memref<128xi32, #tpu.memory_space<vmem>>) semaphore(%arg10 : memref<!tpu.dma_semaphore, #tpu.memory_space<semaphore_mem>>)
      %dma_start3A_115 = arith.constant 5 : i32
      %dma_start3A_116 = arith.constant 0 : i32
      %dma_start3A_117 = arith.constant 0 : i32
      %dma_start3A_118 = arith.constant 5 : i32
      %dma_start3A_119 = arith.constant 0 : i32
      %dma_start3A_120 = arith.constant 0 : i32
      %dma_start3A_121 = tpu.memref_slice %arg8[%dma_start3A_117, %dma_start3A_118, %dma_start3A_119, %dma_start3A_120] : memref<2x8x1x128xf32, #tpu.memory_space<vmem>> -> memref<1x1x1x128xf32, #tpu.memory_space<vmem>>
      %dma_start3A_122 = tpu.memref_squeeze %dma_start3A_121 : memref<1x1x1x128xf32, #tpu.memory_space<vmem>> -> memref<128xf32, #tpu.memory_space<vmem>>
      %dma_start3A_123 = arith.constant 0 : i32
      %dma_start3A_124 = tpu.memref_slice %arg7[%dma_start3A_116, %dma_start3A_123] : memref<2x128xi32, #tpu.memory_space<vmem>> -> memref<1x128xi32, #tpu.memory_space<vmem>>
      %dma_start3A_125 = tpu.memref_squeeze %dma_start3A_124 : memref<1x128xi32, #tpu.memory_space<vmem>> -> memref<128xi32, #tpu.memory_space<vmem>>
      %dma_start3A_126 = arith.constant 0 : i32
      %dma_start3A_127 = tpu.memref_slice %arg3[%select_n3A, %dma_start3A_115, %dma_start3A_126] : memref<26x8x100000xf32, #tpu.memory_space<hbm>> -> memref<1x1x100000xf32, #tpu.memory_space<hbm>>
      %dma_start3A_128 = tpu.memref_squeeze %dma_start3A_127 : memref<1x1x100000xf32, #tpu.memory_space<hbm>> -> memref<100000xf32, #tpu.memory_space<hbm>>
      %dma_start3A_129 = arith.constant 0 : i32
      %dma_start3A_130 = tpu.memref_slice %dma_start3A_128[%dma_start3A_129] : memref<100000xf32, #tpu.memory_space<hbm>> -> memref<100000xf32, #tpu.memory_space<hbm>>
      tpu.enqueue_indirect_dma source(%dma_start3A_130 : memref<100000xf32, #tpu.memory_space<hbm>>) target(%dma_start3A_122 : memref<128xf32, #tpu.memory_space<vmem>>) offsets(%dma_start3A_125 : memref<128xi32, #tpu.memory_space<vmem>>) semaphore(%arg10 : memref<!tpu.dma_semaphore, #tpu.memory_space<semaphore_mem>>)
      %dma_start3A_131 = arith.constant 6 : i32
      %dma_start3A_132 = arith.constant 0 : i32
      %dma_start3A_133 = arith.constant 0 : i32
      %dma_start3A_134 = arith.constant 6 : i32
      %dma_start3A_135 = arith.constant 0 : i32
      %dma_start3A_136 = arith.constant 0 : i32
      %dma_start3A_137 = tpu.memref_slice %arg8[%dma_start3A_133, %dma_start3A_134, %dma_start3A_135, %dma_start3A_136] : memref<2x8x1x128xf32, #tpu.memory_space<vmem>> -> memref<1x1x1x128xf32, #tpu.memory_space<vmem>>
      %dma_start3A_138 = tpu.memref_squeeze %dma_start3A_137 : memref<1x1x1x128xf32, #tpu.memory_space<vmem>> -> memref<128xf32, #tpu.memory_space<vmem>>
      %dma_start3A_139 = arith.constant 0 : i32
      %dma_start3A_140 = tpu.memref_slice %arg7[%dma_start3A_132, %dma_start3A_139] : memref<2x128xi32, #tpu.memory_space<vmem>> -> memref<1x128xi32, #tpu.memory_space<vmem>>
      %dma_start3A_141 = tpu.memref_squeeze %dma_start3A_140 : memref<1x128xi32, #tpu.memory_space<vmem>> -> memref<128xi32, #tpu.memory_space<vmem>>
      %dma_start3A_142 = arith.constant 0 : i32
      %dma_start3A_143 = tpu.memref_slice %arg3[%select_n3A, %dma_start3A_131, %dma_start3A_142] : memref<26x8x100000xf32, #tpu.memory_space<hbm>> -> memref<1x1x100000xf32, #tpu.memory_space<hbm>>
      %dma_start3A_144 = tpu.memref_squeeze %dma_start3A_143 : memref<1x1x100000xf32, #tpu.memory_space<hbm>> -> memref<100000xf32, #tpu.memory_space<hbm>>
      %dma_start3A_145 = arith.constant 0 : i32
      %dma_start3A_146 = tpu.memref_slice %dma_start3A_144[%dma_start3A_145] : memref<100000xf32, #tpu.memory_space<hbm>> -> memref<100000xf32, #tpu.memory_space<hbm>>
      tpu.enqueue_indirect_dma source(%dma_start3A_146 : memref<100000xf32, #tpu.memory_space<hbm>>) target(%dma_start3A_138 : memref<128xf32, #tpu.memory_space<vmem>>) offsets(%dma_start3A_141 : memref<128xi32, #tpu.memory_space<vmem>>) semaphore(%arg10 : memref<!tpu.dma_semaphore, #tpu.memory_space<semaphore_mem>>)
      %dma_start3A_147 = arith.constant 7 : i32
      %dma_start3A_148 = arith.constant 0 : i32
      %dma_start3A_149 = arith.constant 0 : i32
      %dma_start3A_150 = arith.constant 7 : i32
      %dma_start3A_151 = arith.constant 0 : i32
      %dma_start3A_152 = arith.constant 0 : i32
      %dma_start3A_153 = tpu.memref_slice %arg8[%dma_start3A_149, %dma_start3A_150, %dma_start3A_151, %dma_start3A_152] : memref<2x8x1x128xf32, #tpu.memory_space<vmem>> -> memref<1x1x1x128xf32, #tpu.memory_space<vmem>>
      %dma_start3A_154 = tpu.memref_squeeze %dma_start3A_153 : memref<1x1x1x128xf32, #tpu.memory_space<vmem>> -> memref<128xf32, #tpu.memory_space<vmem>>
      %dma_start3A_155 = arith.constant 0 : i32
      %dma_start3A_156 = tpu.memref_slice %arg7[%dma_start3A_148, %dma_start3A_155] : memref<2x128xi32, #tpu.memory_space<vmem>> -> memref<1x128xi32, #tpu.memory_space<vmem>>
      %dma_start3A_157 = tpu.memref_squeeze %dma_start3A_156 : memref<1x128xi32, #tpu.memory_space<vmem>> -> memref<128xi32, #tpu.memory_space<vmem>>
      %dma_start3A_158 = arith.constant 0 : i32
      %dma_start3A_159 = tpu.memref_slice %arg3[%select_n3A, %dma_start3A_147, %dma_start3A_158] : memref<26x8x100000xf32, #tpu.memory_space<hbm>> -> memref<1x1x100000xf32, #tpu.memory_space<hbm>>
      %dma_start3A_160 = tpu.memref_squeeze %dma_start3A_159 : memref<1x1x100000xf32, #tpu.memory_space<hbm>> -> memref<100000xf32, #tpu.memory_space<hbm>>
      %dma_start3A_161 = arith.constant 0 : i32
      %dma_start3A_162 = tpu.memref_slice %dma_start3A_160[%dma_start3A_161] : memref<100000xf32, #tpu.memory_space<hbm>> -> memref<100000xf32, #tpu.memory_space<hbm>>
      tpu.enqueue_indirect_dma source(%dma_start3A_162 : memref<100000xf32, #tpu.memory_space<hbm>>) target(%dma_start3A_154 : memref<128xf32, #tpu.memory_space<vmem>>) offsets(%dma_start3A_157 : memref<128xi32, #tpu.memory_space<vmem>>) semaphore(%arg10 : memref<!tpu.dma_semaphore, #tpu.memory_space<semaphore_mem>>)
      %dma_start3A_163 = arith.constant 0 : i32
      %dma_start3A_164 = arith.constant 0 : i32
      %dma_start3A_165 = arith.constant 0 : i32
      %dma_start3A_166 = tpu.memref_slice %arg9[%dma_start3A_164, %dma_start3A_165] : memref<2x128xf32, #tpu.memory_space<vmem>> -> memref<1x128xf32, #tpu.memory_space<vmem>>
      %dma_start3A_167 = tpu.memref_squeeze %dma_start3A_166 : memref<1x128xf32, #tpu.memory_space<vmem>> -> memref<128xf32, #tpu.memory_space<vmem>>
      %dma_start3A_168 = arith.constant 0 : i32
      %dma_start3A_169 = tpu.memref_slice %arg7[%dma_start3A_163, %dma_start3A_168] : memref<2x128xi32, #tpu.memory_space<vmem>> -> memref<1x128xi32, #tpu.memory_space<vmem>>
      %dma_start3A_170 = tpu.memref_squeeze %dma_start3A_169 : memref<1x128xi32, #tpu.memory_space<vmem>> -> memref<128xi32, #tpu.memory_space<vmem>>
      %dma_start3A_171 = arith.constant 0 : i32
      %dma_start3A_172 = tpu.memref_slice %arg4[%select_n3A, %dma_start3A_171] : memref<26x100000xf32, #tpu.memory_space<hbm>> -> memref<1x100000xf32, #tpu.memory_space<hbm>>
      %dma_start3A_173 = tpu.memref_squeeze %dma_start3A_172 : memref<1x100000xf32, #tpu.memory_space<hbm>> -> memref<100000xf32, #tpu.memory_space<hbm>>
      %dma_start3A_174 = arith.constant 0 : i32
      %dma_start3A_175 = tpu.memref_slice %dma_start3A_173[%dma_start3A_174] : memref<100000xf32, #tpu.memory_space<hbm>> -> memref<100000xf32, #tpu.memory_space<hbm>>
      tpu.enqueue_indirect_dma source(%dma_start3A_175 : memref<100000xf32, #tpu.memory_space<hbm>>) target(%dma_start3A_167 : memref<128xf32, #tpu.memory_space<vmem>>) offsets(%dma_start3A_170 : memref<128xi32, #tpu.memory_space<vmem>>) semaphore(%arg11 : memref<!tpu.dma_semaphore, #tpu.memory_space<semaphore_mem>>)
      %mul3A_176 = arith.constant 2 : i32
      %mul3A_177 = arith.muli %mul3A_176, %scan3A_8 : i32
      %add3A_178 = arith.constant 1 : i32
      %add3A_179 = arith.addi %mul3A_177, %add3A_178 : i32
      %mul3A_180 = arith.constant 128 : i32
      %mul3A_181 = arith.muli %add3A_179, %mul3A_180 : i32
      %add3A_182 = arith.addi %mul3A_2, %mul3A_181 : i32
      %multiple_of3A_183 = tpu.assume_multiple %add3A_182, 128 : i32
      %jit3A_184 = arith.constant 4096 : i32
      %div3A_185 = arith.divsi %multiple_of3A_183, %jit3A_184 : i32
      %sign3A_186 = arith.constant 0 : i32
      %sign3A_187 = arith.cmpi sgt, %multiple_of3A_183, %sign3A_186 : i32
      %sign3A_188 = arith.extui %sign3A_187 : i1 to i32
      %sign3A_189 = arith.constant 0 : i32
      %sign3A_190 = arith.cmpi slt, %multiple_of3A_183, %sign3A_189 : i32
      %sign3A_191 = arith.extui %sign3A_190 : i1 to i32
      %sign3A_192 = arith.subi %sign3A_188, %sign3A_191 : i32
      %sign3A_193 = arith.constant 0 : i32
      %sign3A_194 = arith.cmpi sgt, %jit3A_184, %sign3A_193 : i32
      %sign3A_195 = arith.extui %sign3A_194 : i1 to i32
      %sign3A_196 = arith.constant 0 : i32
      %sign3A_197 = arith.cmpi slt, %jit3A_184, %sign3A_196 : i32
      %sign3A_198 = arith.extui %sign3A_197 : i1 to i32
      %sign3A_199 = arith.subi %sign3A_195, %sign3A_198 : i32
      %ne3A_200 = arith.cmpi ne, %sign3A_192, %sign3A_199 : i32
      %rem3A_201 = arith.remsi %multiple_of3A_183, %jit3A_184 : i32
      %ne3A_202 = arith.constant 0 : i32
      %ne3A_203 = arith.cmpi ne, %rem3A_201, %ne3A_202 : i32
      %and3A_204 = arith.andi %ne3A_200, %ne3A_203 : i1
      %sub3A_205 = arith.constant 1 : i32
      %sub3A_206 = arith.subi %div3A_185, %sub3A_205 : i32
      %select_n3A_207 = arith.select %and3A_204, %sub3A_206, %div3A_185 : i32
      %mul3A_208 = arith.constant 4096 : i32
      %mul3A_209 = arith.muli %select_n3A_207, %mul3A_208 : i32
      %sub3A_210 = arith.subi %multiple_of3A_183, %mul3A_209 : i32
      %multiple_of3A_211 = tpu.assume_multiple %sub3A_210, 128 : i32
      %run_scoped3A_212 = arith.constant 1 : i32
      "tpu.region"() ({
        %run_scoped3A_731 = tpu.sem_alloc : memref<!tpu.dma_semaphore, #tpu.memory_space<semaphore_mem>>
        %dma_start3A_732 = arith.constant 0 : i32
        %dma_start3A_733 = tpu.memref_slice %arg7[%run_scoped3A_212, %dma_start3A_732] : memref<2x128xi32, #tpu.memory_space<vmem>> -> memref<1x128xi32, #tpu.memory_space<vmem>>
        %dma_start3A_734 = tpu.memref_squeeze %dma_start3A_733 : memref<1x128xi32, #tpu.memory_space<vmem>> -> memref<128xi32, #tpu.memory_space<vmem>>
        %dma_start3A_735 = tpu.memref_slice %arg2[%multiple_of3A_183] : memref<106496xi32, #tpu.memory_space<hbm>> -> memref<128xi32, #tpu.memory_space<hbm>>
        %dma_start3A_736 = arith.constant 0 : i32
        %dma_start3A_737 = tpu.memref_slice %arg7[%run_scoped3A_212, %dma_start3A_736] : memref<2x128xi32, #tpu.memory_space<vmem>> -> memref<1x128xi32, #tpu.memory_space<vmem>>
        %dma_start3A_738 = tpu.memref_squeeze %dma_start3A_737 : memref<1x128xi32, #tpu.memory_space<vmem>> -> memref<128xi32, #tpu.memory_space<vmem>>
        %dma_start3A_739 = tpu.memref_slice %arg2[%multiple_of3A_183] : memref<106496xi32, #tpu.memory_space<hbm>> -> memref<128xi32, #tpu.memory_space<hbm>>
        tpu.enqueue_dma source(%dma_start3A_739 : memref<128xi32, #tpu.memory_space<hbm>>) target(%dma_start3A_738 : memref<128xi32, #tpu.memory_space<vmem>>) target_semaphore(%run_scoped3A_731 : memref<!tpu.dma_semaphore, #tpu.memory_space<semaphore_mem>>)
        %dma_wait3A_740 = arith.constant 0 : i32
        %dma_wait3A_741 = tpu.memref_slice %arg7[%run_scoped3A_212, %dma_wait3A_740] : memref<2x128xi32, #tpu.memory_space<vmem>> -> memref<1x128xi32, #tpu.memory_space<vmem>>
        %dma_wait3A_742 = tpu.memref_squeeze %dma_wait3A_741 : memref<1x128xi32, #tpu.memory_space<vmem>> -> memref<128xi32, #tpu.memory_space<vmem>>
        %dma_wait3A_743 = tpu.memref_slice %arg2[%multiple_of3A_183] : memref<106496xi32, #tpu.memory_space<hbm>> -> memref<128xi32, #tpu.memory_space<hbm>>
        %dma_wait3A_744 = arith.constant 0 : i32
        %dma_wait3A_745 = tpu.memref_slice %arg7[%run_scoped3A_212, %dma_wait3A_744] : memref<2x128xi32, #tpu.memory_space<vmem>> -> memref<1x128xi32, #tpu.memory_space<vmem>>
        %dma_wait3A_746 = tpu.memref_squeeze %dma_wait3A_745 : memref<1x128xi32, #tpu.memory_space<vmem>> -> memref<128xi32, #tpu.memory_space<vmem>>
        %dma_wait3A_747 = tpu.memref_slice %arg2[%multiple_of3A_183] : memref<106496xi32, #tpu.memory_space<hbm>> -> memref<128xi32, #tpu.memory_space<hbm>>
        tpu.wait_dma2 semaphore(%run_scoped3A_731 : memref<!tpu.dma_semaphore, #tpu.memory_space<semaphore_mem>>) src(%dma_wait3A_747 : memref<128xi32, #tpu.memory_space<hbm>>) dst(%dma_wait3A_746 : memref<128xi32, #tpu.memory_space<vmem>>)
        tpu.yield
      }) : () -> ()
      %dma_start3A_213 = arith.constant 0 : i32
      %dma_start3A_214 = arith.constant 1 : i32
      %dma_start3A_215 = arith.constant 1 : i32
      %dma_start3A_216 = arith.constant 0 : i32
      %dma_start3A_217 = arith.constant 0 : i32
      %dma_start3A_218 = arith.constant 0 : i32
      %dma_start3A_219 = tpu.memref_slice %arg8[%dma_start3A_215, %dma_start3A_216, %dma_start3A_217, %dma_start3A_218] : memref<2x8x1x128xf32, #tpu.memory_space<vmem>> -> memref<1x1x1x128xf32, #tpu.memory_space<vmem>>
      %dma_start3A_220 = tpu.memref_squeeze %dma_start3A_219 : memref<1x1x1x128xf32, #tpu.memory_space<vmem>> -> memref<128xf32, #tpu.memory_space<vmem>>
      %dma_start3A_221 = arith.constant 0 : i32
      %dma_start3A_222 = tpu.memref_slice %arg7[%dma_start3A_214, %dma_start3A_221] : memref<2x128xi32, #tpu.memory_space<vmem>> -> memref<1x128xi32, #tpu.memory_space<vmem>>
      %dma_start3A_223 = tpu.memref_squeeze %dma_start3A_222 : memref<1x128xi32, #tpu.memory_space<vmem>> -> memref<128xi32, #tpu.memory_space<vmem>>
      %dma_start3A_224 = arith.constant 0 : i32
      %dma_start3A_225 = tpu.memref_slice %arg3[%select_n3A_207, %dma_start3A_213, %dma_start3A_224] : memref<26x8x100000xf32, #tpu.memory_space<hbm>> -> memref<1x1x100000xf32, #tpu.memory_space<hbm>>
      %dma_start3A_226 = tpu.memref_squeeze %dma_start3A_225 : memref<1x1x100000xf32, #tpu.memory_space<hbm>> -> memref<100000xf32, #tpu.memory_space<hbm>>
      %dma_start3A_227 = arith.constant 0 : i32
      %dma_start3A_228 = tpu.memref_slice %dma_start3A_226[%dma_start3A_227] : memref<100000xf32, #tpu.memory_space<hbm>> -> memref<100000xf32, #tpu.memory_space<hbm>>
      tpu.enqueue_indirect_dma source(%dma_start3A_228 : memref<100000xf32, #tpu.memory_space<hbm>>) target(%dma_start3A_220 : memref<128xf32, #tpu.memory_space<vmem>>) offsets(%dma_start3A_223 : memref<128xi32, #tpu.memory_space<vmem>>) semaphore(%arg10 : memref<!tpu.dma_semaphore, #tpu.memory_space<semaphore_mem>>)
      %dma_start3A_229 = arith.constant 1 : i32
      %dma_start3A_230 = arith.constant 1 : i32
      %dma_start3A_231 = arith.constant 1 : i32
      %dma_start3A_232 = arith.constant 1 : i32
      %dma_start3A_233 = arith.constant 0 : i32
      %dma_start3A_234 = arith.constant 0 : i32
      %dma_start3A_235 = tpu.memref_slice %arg8[%dma_start3A_231, %dma_start3A_232, %dma_start3A_233, %dma_start3A_234] : memref<2x8x1x128xf32, #tpu.memory_space<vmem>> -> memref<1x1x1x128xf32, #tpu.memory_space<vmem>>
      %dma_start3A_236 = tpu.memref_squeeze %dma_start3A_235 : memref<1x1x1x128xf32, #tpu.memory_space<vmem>> -> memref<128xf32, #tpu.memory_space<vmem>>
      %dma_start3A_237 = arith.constant 0 : i32
      %dma_start3A_238 = tpu.memref_slice %arg7[%dma_start3A_230, %dma_start3A_237] : memref<2x128xi32, #tpu.memory_space<vmem>> -> memref<1x128xi32, #tpu.memory_space<vmem>>
      %dma_start3A_239 = tpu.memref_squeeze %dma_start3A_238 : memref<1x128xi32, #tpu.memory_space<vmem>> -> memref<128xi32, #tpu.memory_space<vmem>>
      %dma_start3A_240 = arith.constant 0 : i32
      %dma_start3A_241 = tpu.memref_slice %arg3[%select_n3A_207, %dma_start3A_229, %dma_start3A_240] : memref<26x8x100000xf32, #tpu.memory_space<hbm>> -> memref<1x1x100000xf32, #tpu.memory_space<hbm>>
      %dma_start3A_242 = tpu.memref_squeeze %dma_start3A_241 : memref<1x1x100000xf32, #tpu.memory_space<hbm>> -> memref<100000xf32, #tpu.memory_space<hbm>>
      %dma_start3A_243 = arith.constant 0 : i32
      %dma_start3A_244 = tpu.memref_slice %dma_start3A_242[%dma_start3A_243] : memref<100000xf32, #tpu.memory_space<hbm>> -> memref<100000xf32, #tpu.memory_space<hbm>>
      tpu.enqueue_indirect_dma source(%dma_start3A_244 : memref<100000xf32, #tpu.memory_space<hbm>>) target(%dma_start3A_236 : memref<128xf32, #tpu.memory_space<vmem>>) offsets(%dma_start3A_239 : memref<128xi32, #tpu.memory_space<vmem>>) semaphore(%arg10 : memref<!tpu.dma_semaphore, #tpu.memory_space<semaphore_mem>>)
      %dma_start3A_245 = arith.constant 2 : i32
      %dma_start3A_246 = arith.constant 1 : i32
      %dma_start3A_247 = arith.constant 1 : i32
      %dma_start3A_248 = arith.constant 2 : i32
      %dma_start3A_249 = arith.constant 0 : i32
      %dma_start3A_250 = arith.constant 0 : i32
      %dma_start3A_251 = tpu.memref_slice %arg8[%dma_start3A_247, %dma_start3A_248, %dma_start3A_249, %dma_start3A_250] : memref<2x8x1x128xf32, #tpu.memory_space<vmem>> -> memref<1x1x1x128xf32, #tpu.memory_space<vmem>>
      %dma_start3A_252 = tpu.memref_squeeze %dma_start3A_251 : memref<1x1x1x128xf32, #tpu.memory_space<vmem>> -> memref<128xf32, #tpu.memory_space<vmem>>
      %dma_start3A_253 = arith.constant 0 : i32
      %dma_start3A_254 = tpu.memref_slice %arg7[%dma_start3A_246, %dma_start3A_253] : memref<2x128xi32, #tpu.memory_space<vmem>> -> memref<1x128xi32, #tpu.memory_space<vmem>>
      %dma_start3A_255 = tpu.memref_squeeze %dma_start3A_254 : memref<1x128xi32, #tpu.memory_space<vmem>> -> memref<128xi32, #tpu.memory_space<vmem>>
      %dma_start3A_256 = arith.constant 0 : i32
      %dma_start3A_257 = tpu.memref_slice %arg3[%select_n3A_207, %dma_start3A_245, %dma_start3A_256] : memref<26x8x100000xf32, #tpu.memory_space<hbm>> -> memref<1x1x100000xf32, #tpu.memory_space<hbm>>
      %dma_start3A_258 = tpu.memref_squeeze %dma_start3A_257 : memref<1x1x100000xf32, #tpu.memory_space<hbm>> -> memref<100000xf32, #tpu.memory_space<hbm>>
      %dma_start3A_259 = arith.constant 0 : i32
      %dma_start3A_260 = tpu.memref_slice %dma_start3A_258[%dma_start3A_259] : memref<100000xf32, #tpu.memory_space<hbm>> -> memref<100000xf32, #tpu.memory_space<hbm>>
      tpu.enqueue_indirect_dma source(%dma_start3A_260 : memref<100000xf32, #tpu.memory_space<hbm>>) target(%dma_start3A_252 : memref<128xf32, #tpu.memory_space<vmem>>) offsets(%dma_start3A_255 : memref<128xi32, #tpu.memory_space<vmem>>) semaphore(%arg10 : memref<!tpu.dma_semaphore, #tpu.memory_space<semaphore_mem>>)
      %dma_start3A_261 = arith.constant 3 : i32
      %dma_start3A_262 = arith.constant 1 : i32
      %dma_start3A_263 = arith.constant 1 : i32
      %dma_start3A_264 = arith.constant 3 : i32
      %dma_start3A_265 = arith.constant 0 : i32
      %dma_start3A_266 = arith.constant 0 : i32
      %dma_start3A_267 = tpu.memref_slice %arg8[%dma_start3A_263, %dma_start3A_264, %dma_start3A_265, %dma_start3A_266] : memref<2x8x1x128xf32, #tpu.memory_space<vmem>> -> memref<1x1x1x128xf32, #tpu.memory_space<vmem>>
      %dma_start3A_268 = tpu.memref_squeeze %dma_start3A_267 : memref<1x1x1x128xf32, #tpu.memory_space<vmem>> -> memref<128xf32, #tpu.memory_space<vmem>>
      %dma_start3A_269 = arith.constant 0 : i32
      %dma_start3A_270 = tpu.memref_slice %arg7[%dma_start3A_262, %dma_start3A_269] : memref<2x128xi32, #tpu.memory_space<vmem>> -> memref<1x128xi32, #tpu.memory_space<vmem>>
      %dma_start3A_271 = tpu.memref_squeeze %dma_start3A_270 : memref<1x128xi32, #tpu.memory_space<vmem>> -> memref<128xi32, #tpu.memory_space<vmem>>
      %dma_start3A_272 = arith.constant 0 : i32
      %dma_start3A_273 = tpu.memref_slice %arg3[%select_n3A_207, %dma_start3A_261, %dma_start3A_272] : memref<26x8x100000xf32, #tpu.memory_space<hbm>> -> memref<1x1x100000xf32, #tpu.memory_space<hbm>>
      %dma_start3A_274 = tpu.memref_squeeze %dma_start3A_273 : memref<1x1x100000xf32, #tpu.memory_space<hbm>> -> memref<100000xf32, #tpu.memory_space<hbm>>
      %dma_start3A_275 = arith.constant 0 : i32
      %dma_start3A_276 = tpu.memref_slice %dma_start3A_274[%dma_start3A_275] : memref<100000xf32, #tpu.memory_space<hbm>> -> memref<100000xf32, #tpu.memory_space<hbm>>
      tpu.enqueue_indirect_dma source(%dma_start3A_276 : memref<100000xf32, #tpu.memory_space<hbm>>) target(%dma_start3A_268 : memref<128xf32, #tpu.memory_space<vmem>>) offsets(%dma_start3A_271 : memref<128xi32, #tpu.memory_space<vmem>>) semaphore(%arg10 : memref<!tpu.dma_semaphore, #tpu.memory_space<semaphore_mem>>)
      %dma_start3A_277 = arith.constant 4 : i32
      %dma_start3A_278 = arith.constant 1 : i32
      %dma_start3A_279 = arith.constant 1 : i32
      %dma_start3A_280 = arith.constant 4 : i32
      %dma_start3A_281 = arith.constant 0 : i32
      %dma_start3A_282 = arith.constant 0 : i32
      %dma_start3A_283 = tpu.memref_slice %arg8[%dma_start3A_279, %dma_start3A_280, %dma_start3A_281, %dma_start3A_282] : memref<2x8x1x128xf32, #tpu.memory_space<vmem>> -> memref<1x1x1x128xf32, #tpu.memory_space<vmem>>
      %dma_start3A_284 = tpu.memref_squeeze %dma_start3A_283 : memref<1x1x1x128xf32, #tpu.memory_space<vmem>> -> memref<128xf32, #tpu.memory_space<vmem>>
      %dma_start3A_285 = arith.constant 0 : i32
      %dma_start3A_286 = tpu.memref_slice %arg7[%dma_start3A_278, %dma_start3A_285] : memref<2x128xi32, #tpu.memory_space<vmem>> -> memref<1x128xi32, #tpu.memory_space<vmem>>
      %dma_start3A_287 = tpu.memref_squeeze %dma_start3A_286 : memref<1x128xi32, #tpu.memory_space<vmem>> -> memref<128xi32, #tpu.memory_space<vmem>>
      %dma_start3A_288 = arith.constant 0 : i32
      %dma_start3A_289 = tpu.memref_slice %arg3[%select_n3A_207, %dma_start3A_277, %dma_start3A_288] : memref<26x8x100000xf32, #tpu.memory_space<hbm>> -> memref<1x1x100000xf32, #tpu.memory_space<hbm>>
      %dma_start3A_290 = tpu.memref_squeeze %dma_start3A_289 : memref<1x1x100000xf32, #tpu.memory_space<hbm>> -> memref<100000xf32, #tpu.memory_space<hbm>>
      %dma_start3A_291 = arith.constant 0 : i32
      %dma_start3A_292 = tpu.memref_slice %dma_start3A_290[%dma_start3A_291] : memref<100000xf32, #tpu.memory_space<hbm>> -> memref<100000xf32, #tpu.memory_space<hbm>>
      tpu.enqueue_indirect_dma source(%dma_start3A_292 : memref<100000xf32, #tpu.memory_space<hbm>>) target(%dma_start3A_284 : memref<128xf32, #tpu.memory_space<vmem>>) offsets(%dma_start3A_287 : memref<128xi32, #tpu.memory_space<vmem>>) semaphore(%arg10 : memref<!tpu.dma_semaphore, #tpu.memory_space<semaphore_mem>>)
      %dma_start3A_293 = arith.constant 5 : i32
      %dma_start3A_294 = arith.constant 1 : i32
      %dma_start3A_295 = arith.constant 1 : i32
      %dma_start3A_296 = arith.constant 5 : i32
      %dma_start3A_297 = arith.constant 0 : i32
      %dma_start3A_298 = arith.constant 0 : i32
      %dma_start3A_299 = tpu.memref_slice %arg8[%dma_start3A_295, %dma_start3A_296, %dma_start3A_297, %dma_start3A_298] : memref<2x8x1x128xf32, #tpu.memory_space<vmem>> -> memref<1x1x1x128xf32, #tpu.memory_space<vmem>>
      %dma_start3A_300 = tpu.memref_squeeze %dma_start3A_299 : memref<1x1x1x128xf32, #tpu.memory_space<vmem>> -> memref<128xf32, #tpu.memory_space<vmem>>
      %dma_start3A_301 = arith.constant 0 : i32
      %dma_start3A_302 = tpu.memref_slice %arg7[%dma_start3A_294, %dma_start3A_301] : memref<2x128xi32, #tpu.memory_space<vmem>> -> memref<1x128xi32, #tpu.memory_space<vmem>>
      %dma_start3A_303 = tpu.memref_squeeze %dma_start3A_302 : memref<1x128xi32, #tpu.memory_space<vmem>> -> memref<128xi32, #tpu.memory_space<vmem>>
      %dma_start3A_304 = arith.constant 0 : i32
      %dma_start3A_305 = tpu.memref_slice %arg3[%select_n3A_207, %dma_start3A_293, %dma_start3A_304] : memref<26x8x100000xf32, #tpu.memory_space<hbm>> -> memref<1x1x100000xf32, #tpu.memory_space<hbm>>
      %dma_start3A_306 = tpu.memref_squeeze %dma_start3A_305 : memref<1x1x100000xf32, #tpu.memory_space<hbm>> -> memref<100000xf32, #tpu.memory_space<hbm>>
      %dma_start3A_307 = arith.constant 0 : i32
      %dma_start3A_308 = tpu.memref_slice %dma_start3A_306[%dma_start3A_307] : memref<100000xf32, #tpu.memory_space<hbm>> -> memref<100000xf32, #tpu.memory_space<hbm>>
      tpu.enqueue_indirect_dma source(%dma_start3A_308 : memref<100000xf32, #tpu.memory_space<hbm>>) target(%dma_start3A_300 : memref<128xf32, #tpu.memory_space<vmem>>) offsets(%dma_start3A_303 : memref<128xi32, #tpu.memory_space<vmem>>) semaphore(%arg10 : memref<!tpu.dma_semaphore, #tpu.memory_space<semaphore_mem>>)
      %dma_start3A_309 = arith.constant 6 : i32
      %dma_start3A_310 = arith.constant 1 : i32
      %dma_start3A_311 = arith.constant 1 : i32
      %dma_start3A_312 = arith.constant 6 : i32
      %dma_start3A_313 = arith.constant 0 : i32
      %dma_start3A_314 = arith.constant 0 : i32
      %dma_start3A_315 = tpu.memref_slice %arg8[%dma_start3A_311, %dma_start3A_312, %dma_start3A_313, %dma_start3A_314] : memref<2x8x1x128xf32, #tpu.memory_space<vmem>> -> memref<1x1x1x128xf32, #tpu.memory_space<vmem>>
      %dma_start3A_316 = tpu.memref_squeeze %dma_start3A_315 : memref<1x1x1x128xf32, #tpu.memory_space<vmem>> -> memref<128xf32, #tpu.memory_space<vmem>>
      %dma_start3A_317 = arith.constant 0 : i32
      %dma_start3A_318 = tpu.memref_slice %arg7[%dma_start3A_310, %dma_start3A_317] : memref<2x128xi32, #tpu.memory_space<vmem>> -> memref<1x128xi32, #tpu.memory_space<vmem>>
      %dma_start3A_319 = tpu.memref_squeeze %dma_start3A_318 : memref<1x128xi32, #tpu.memory_space<vmem>> -> memref<128xi32, #tpu.memory_space<vmem>>
      %dma_start3A_320 = arith.constant 0 : i32
      %dma_start3A_321 = tpu.memref_slice %arg3[%select_n3A_207, %dma_start3A_309, %dma_start3A_320] : memref<26x8x100000xf32, #tpu.memory_space<hbm>> -> memref<1x1x100000xf32, #tpu.memory_space<hbm>>
      %dma_start3A_322 = tpu.memref_squeeze %dma_start3A_321 : memref<1x1x100000xf32, #tpu.memory_space<hbm>> -> memref<100000xf32, #tpu.memory_space<hbm>>
      %dma_start3A_323 = arith.constant 0 : i32
      %dma_start3A_324 = tpu.memref_slice %dma_start3A_322[%dma_start3A_323] : memref<100000xf32, #tpu.memory_space<hbm>> -> memref<100000xf32, #tpu.memory_space<hbm>>
      tpu.enqueue_indirect_dma source(%dma_start3A_324 : memref<100000xf32, #tpu.memory_space<hbm>>) target(%dma_start3A_316 : memref<128xf32, #tpu.memory_space<vmem>>) offsets(%dma_start3A_319 : memref<128xi32, #tpu.memory_space<vmem>>) semaphore(%arg10 : memref<!tpu.dma_semaphore, #tpu.memory_space<semaphore_mem>>)
      %dma_start3A_325 = arith.constant 7 : i32
      %dma_start3A_326 = arith.constant 1 : i32
      %dma_start3A_327 = arith.constant 1 : i32
      %dma_start3A_328 = arith.constant 7 : i32
      %dma_start3A_329 = arith.constant 0 : i32
      %dma_start3A_330 = arith.constant 0 : i32
      %dma_start3A_331 = tpu.memref_slice %arg8[%dma_start3A_327, %dma_start3A_328, %dma_start3A_329, %dma_start3A_330] : memref<2x8x1x128xf32, #tpu.memory_space<vmem>> -> memref<1x1x1x128xf32, #tpu.memory_space<vmem>>
      %dma_start3A_332 = tpu.memref_squeeze %dma_start3A_331 : memref<1x1x1x128xf32, #tpu.memory_space<vmem>> -> memref<128xf32, #tpu.memory_space<vmem>>
      %dma_start3A_333 = arith.constant 0 : i32
      %dma_start3A_334 = tpu.memref_slice %arg7[%dma_start3A_326, %dma_start3A_333] : memref<2x128xi32, #tpu.memory_space<vmem>> -> memref<1x128xi32, #tpu.memory_space<vmem>>
      %dma_start3A_335 = tpu.memref_squeeze %dma_start3A_334 : memref<1x128xi32, #tpu.memory_space<vmem>> -> memref<128xi32, #tpu.memory_space<vmem>>
      %dma_start3A_336 = arith.constant 0 : i32
      %dma_start3A_337 = tpu.memref_slice %arg3[%select_n3A_207, %dma_start3A_325, %dma_start3A_336] : memref<26x8x100000xf32, #tpu.memory_space<hbm>> -> memref<1x1x100000xf32, #tpu.memory_space<hbm>>
      %dma_start3A_338 = tpu.memref_squeeze %dma_start3A_337 : memref<1x1x100000xf32, #tpu.memory_space<hbm>> -> memref<100000xf32, #tpu.memory_space<hbm>>
      %dma_start3A_339 = arith.constant 0 : i32
      %dma_start3A_340 = tpu.memref_slice %dma_start3A_338[%dma_start3A_339] : memref<100000xf32, #tpu.memory_space<hbm>> -> memref<100000xf32, #tpu.memory_space<hbm>>
      tpu.enqueue_indirect_dma source(%dma_start3A_340 : memref<100000xf32, #tpu.memory_space<hbm>>) target(%dma_start3A_332 : memref<128xf32, #tpu.memory_space<vmem>>) offsets(%dma_start3A_335 : memref<128xi32, #tpu.memory_space<vmem>>) semaphore(%arg10 : memref<!tpu.dma_semaphore, #tpu.memory_space<semaphore_mem>>)
      %dma_start3A_341 = arith.constant 1 : i32
      %dma_start3A_342 = arith.constant 1 : i32
      %dma_start3A_343 = arith.constant 0 : i32
      %dma_start3A_344 = tpu.memref_slice %arg9[%dma_start3A_342, %dma_start3A_343] : memref<2x128xf32, #tpu.memory_space<vmem>> -> memref<1x128xf32, #tpu.memory_space<vmem>>
      %dma_start3A_345 = tpu.memref_squeeze %dma_start3A_344 : memref<1x128xf32, #tpu.memory_space<vmem>> -> memref<128xf32, #tpu.memory_space<vmem>>
      %dma_start3A_346 = arith.constant 0 : i32
      %dma_start3A_347 = tpu.memref_slice %arg7[%dma_start3A_341, %dma_start3A_346] : memref<2x128xi32, #tpu.memory_space<vmem>> -> memref<1x128xi32, #tpu.memory_space<vmem>>
      %dma_start3A_348 = tpu.memref_squeeze %dma_start3A_347 : memref<1x128xi32, #tpu.memory_space<vmem>> -> memref<128xi32, #tpu.memory_space<vmem>>
      %dma_start3A_349 = arith.constant 0 : i32
      %dma_start3A_350 = tpu.memref_slice %arg4[%select_n3A_207, %dma_start3A_349] : memref<26x100000xf32, #tpu.memory_space<hbm>> -> memref<1x100000xf32, #tpu.memory_space<hbm>>
      %dma_start3A_351 = tpu.memref_squeeze %dma_start3A_350 : memref<1x100000xf32, #tpu.memory_space<hbm>> -> memref<100000xf32, #tpu.memory_space<hbm>>
      %dma_start3A_352 = arith.constant 0 : i32
      %dma_start3A_353 = tpu.memref_slice %dma_start3A_351[%dma_start3A_352] : memref<100000xf32, #tpu.memory_space<hbm>> -> memref<100000xf32, #tpu.memory_space<hbm>>
      tpu.enqueue_indirect_dma source(%dma_start3A_353 : memref<100000xf32, #tpu.memory_space<hbm>>) target(%dma_start3A_345 : memref<128xf32, #tpu.memory_space<vmem>>) offsets(%dma_start3A_348 : memref<128xi32, #tpu.memory_space<vmem>>) semaphore(%arg11 : memref<!tpu.dma_semaphore, #tpu.memory_space<semaphore_mem>>)
      %dma_wait3A = arith.constant 0 : i32
      %dma_wait3A_354 = arith.constant 0 : i32
      %dma_wait3A_355 = arith.constant 0 : i32
      %dma_wait3A_356 = arith.constant 0 : i32
      %dma_wait3A_357 = arith.constant 0 : i32
      %dma_wait3A_358 = arith.constant 0 : i32
      %dma_wait3A_359 = tpu.memref_slice %arg8[%dma_wait3A_355, %dma_wait3A_356, %dma_wait3A_357, %dma_wait3A_358] : memref<2x8x1x128xf32, #tpu.memory_space<vmem>> -> memref<1x1x1x128xf32, #tpu.memory_space<vmem>>
      %dma_wait3A_360 = tpu.memref_squeeze %dma_wait3A_359 : memref<1x1x1x128xf32, #tpu.memory_space<vmem>> -> memref<128xf32, #tpu.memory_space<vmem>>
      %dma_wait3A_361 = arith.constant 0 : i32
      %dma_wait3A_362 = tpu.memref_slice %arg7[%dma_wait3A_354, %dma_wait3A_361] : memref<2x128xi32, #tpu.memory_space<vmem>> -> memref<1x128xi32, #tpu.memory_space<vmem>>
      %dma_wait3A_363 = tpu.memref_squeeze %dma_wait3A_362 : memref<1x128xi32, #tpu.memory_space<vmem>> -> memref<128xi32, #tpu.memory_space<vmem>>
      %dma_wait3A_364 = arith.constant 0 : i32
      %dma_wait3A_365 = tpu.memref_slice %arg3[%select_n3A, %dma_wait3A, %dma_wait3A_364] : memref<26x8x100000xf32, #tpu.memory_space<hbm>> -> memref<1x1x100000xf32, #tpu.memory_space<hbm>>
      %dma_wait3A_366 = tpu.memref_squeeze %dma_wait3A_365 : memref<1x1x100000xf32, #tpu.memory_space<hbm>> -> memref<100000xf32, #tpu.memory_space<hbm>>
      %dma_wait3A_367 = arith.constant 0 : i32
      %dma_wait3A_368 = tpu.memref_slice %dma_wait3A_366[%dma_wait3A_367] : memref<100000xf32, #tpu.memory_space<hbm>> -> memref<100000xf32, #tpu.memory_space<hbm>>
      tpu.wait_indirect_dma semaphore(%arg10 : memref<!tpu.dma_semaphore, #tpu.memory_space<semaphore_mem>>) src(%dma_wait3A_368 : memref<100000xf32, #tpu.memory_space<hbm>>) dst(%dma_wait3A_360 : memref<128xf32, #tpu.memory_space<vmem>>)
      %dma_wait3A_369 = arith.constant 1 : i32
      %dma_wait3A_370 = arith.constant 0 : i32
      %dma_wait3A_371 = arith.constant 0 : i32
      %dma_wait3A_372 = arith.constant 1 : i32
      %dma_wait3A_373 = arith.constant 0 : i32
      %dma_wait3A_374 = arith.constant 0 : i32
      %dma_wait3A_375 = tpu.memref_slice %arg8[%dma_wait3A_371, %dma_wait3A_372, %dma_wait3A_373, %dma_wait3A_374] : memref<2x8x1x128xf32, #tpu.memory_space<vmem>> -> memref<1x1x1x128xf32, #tpu.memory_space<vmem>>
      %dma_wait3A_376 = tpu.memref_squeeze %dma_wait3A_375 : memref<1x1x1x128xf32, #tpu.memory_space<vmem>> -> memref<128xf32, #tpu.memory_space<vmem>>
      %dma_wait3A_377 = arith.constant 0 : i32
      %dma_wait3A_378 = tpu.memref_slice %arg7[%dma_wait3A_370, %dma_wait3A_377] : memref<2x128xi32, #tpu.memory_space<vmem>> -> memref<1x128xi32, #tpu.memory_space<vmem>>
      %dma_wait3A_379 = tpu.memref_squeeze %dma_wait3A_378 : memref<1x128xi32, #tpu.memory_space<vmem>> -> memref<128xi32, #tpu.memory_space<vmem>>
      %dma_wait3A_380 = arith.constant 0 : i32
      %dma_wait3A_381 = tpu.memref_slice %arg3[%select_n3A, %dma_wait3A_369, %dma_wait3A_380] : memref<26x8x100000xf32, #tpu.memory_space<hbm>> -> memref<1x1x100000xf32, #tpu.memory_space<hbm>>
      %dma_wait3A_382 = tpu.memref_squeeze %dma_wait3A_381 : memref<1x1x100000xf32, #tpu.memory_space<hbm>> -> memref<100000xf32, #tpu.memory_space<hbm>>
      %dma_wait3A_383 = arith.constant 0 : i32
      %dma_wait3A_384 = tpu.memref_slice %dma_wait3A_382[%dma_wait3A_383] : memref<100000xf32, #tpu.memory_space<hbm>> -> memref<100000xf32, #tpu.memory_space<hbm>>
      tpu.wait_indirect_dma semaphore(%arg10 : memref<!tpu.dma_semaphore, #tpu.memory_space<semaphore_mem>>) src(%dma_wait3A_384 : memref<100000xf32, #tpu.memory_space<hbm>>) dst(%dma_wait3A_376 : memref<128xf32, #tpu.memory_space<vmem>>)
      %dma_wait3A_385 = arith.constant 2 : i32
      %dma_wait3A_386 = arith.constant 0 : i32
      %dma_wait3A_387 = arith.constant 0 : i32
      %dma_wait3A_388 = arith.constant 2 : i32
      %dma_wait3A_389 = arith.constant 0 : i32
      %dma_wait3A_390 = arith.constant 0 : i32
      %dma_wait3A_391 = tpu.memref_slice %arg8[%dma_wait3A_387, %dma_wait3A_388, %dma_wait3A_389, %dma_wait3A_390] : memref<2x8x1x128xf32, #tpu.memory_space<vmem>> -> memref<1x1x1x128xf32, #tpu.memory_space<vmem>>
      %dma_wait3A_392 = tpu.memref_squeeze %dma_wait3A_391 : memref<1x1x1x128xf32, #tpu.memory_space<vmem>> -> memref<128xf32, #tpu.memory_space<vmem>>
      %dma_wait3A_393 = arith.constant 0 : i32
      %dma_wait3A_394 = tpu.memref_slice %arg7[%dma_wait3A_386, %dma_wait3A_393] : memref<2x128xi32, #tpu.memory_space<vmem>> -> memref<1x128xi32, #tpu.memory_space<vmem>>
      %dma_wait3A_395 = tpu.memref_squeeze %dma_wait3A_394 : memref<1x128xi32, #tpu.memory_space<vmem>> -> memref<128xi32, #tpu.memory_space<vmem>>
      %dma_wait3A_396 = arith.constant 0 : i32
      %dma_wait3A_397 = tpu.memref_slice %arg3[%select_n3A, %dma_wait3A_385, %dma_wait3A_396] : memref<26x8x100000xf32, #tpu.memory_space<hbm>> -> memref<1x1x100000xf32, #tpu.memory_space<hbm>>
      %dma_wait3A_398 = tpu.memref_squeeze %dma_wait3A_397 : memref<1x1x100000xf32, #tpu.memory_space<hbm>> -> memref<100000xf32, #tpu.memory_space<hbm>>
      %dma_wait3A_399 = arith.constant 0 : i32
      %dma_wait3A_400 = tpu.memref_slice %dma_wait3A_398[%dma_wait3A_399] : memref<100000xf32, #tpu.memory_space<hbm>> -> memref<100000xf32, #tpu.memory_space<hbm>>
      tpu.wait_indirect_dma semaphore(%arg10 : memref<!tpu.dma_semaphore, #tpu.memory_space<semaphore_mem>>) src(%dma_wait3A_400 : memref<100000xf32, #tpu.memory_space<hbm>>) dst(%dma_wait3A_392 : memref<128xf32, #tpu.memory_space<vmem>>)
      %dma_wait3A_401 = arith.constant 3 : i32
      %dma_wait3A_402 = arith.constant 0 : i32
      %dma_wait3A_403 = arith.constant 0 : i32
      %dma_wait3A_404 = arith.constant 3 : i32
      %dma_wait3A_405 = arith.constant 0 : i32
      %dma_wait3A_406 = arith.constant 0 : i32
      %dma_wait3A_407 = tpu.memref_slice %arg8[%dma_wait3A_403, %dma_wait3A_404, %dma_wait3A_405, %dma_wait3A_406] : memref<2x8x1x128xf32, #tpu.memory_space<vmem>> -> memref<1x1x1x128xf32, #tpu.memory_space<vmem>>
      %dma_wait3A_408 = tpu.memref_squeeze %dma_wait3A_407 : memref<1x1x1x128xf32, #tpu.memory_space<vmem>> -> memref<128xf32, #tpu.memory_space<vmem>>
      %dma_wait3A_409 = arith.constant 0 : i32
      %dma_wait3A_410 = tpu.memref_slice %arg7[%dma_wait3A_402, %dma_wait3A_409] : memref<2x128xi32, #tpu.memory_space<vmem>> -> memref<1x128xi32, #tpu.memory_space<vmem>>
      %dma_wait3A_411 = tpu.memref_squeeze %dma_wait3A_410 : memref<1x128xi32, #tpu.memory_space<vmem>> -> memref<128xi32, #tpu.memory_space<vmem>>
      %dma_wait3A_412 = arith.constant 0 : i32
      %dma_wait3A_413 = tpu.memref_slice %arg3[%select_n3A, %dma_wait3A_401, %dma_wait3A_412] : memref<26x8x100000xf32, #tpu.memory_space<hbm>> -> memref<1x1x100000xf32, #tpu.memory_space<hbm>>
      %dma_wait3A_414 = tpu.memref_squeeze %dma_wait3A_413 : memref<1x1x100000xf32, #tpu.memory_space<hbm>> -> memref<100000xf32, #tpu.memory_space<hbm>>
      %dma_wait3A_415 = arith.constant 0 : i32
      %dma_wait3A_416 = tpu.memref_slice %dma_wait3A_414[%dma_wait3A_415] : memref<100000xf32, #tpu.memory_space<hbm>> -> memref<100000xf32, #tpu.memory_space<hbm>>
      tpu.wait_indirect_dma semaphore(%arg10 : memref<!tpu.dma_semaphore, #tpu.memory_space<semaphore_mem>>) src(%dma_wait3A_416 : memref<100000xf32, #tpu.memory_space<hbm>>) dst(%dma_wait3A_408 : memref<128xf32, #tpu.memory_space<vmem>>)
      %dma_wait3A_417 = arith.constant 4 : i32
      %dma_wait3A_418 = arith.constant 0 : i32
      %dma_wait3A_419 = arith.constant 0 : i32
      %dma_wait3A_420 = arith.constant 4 : i32
      %dma_wait3A_421 = arith.constant 0 : i32
      %dma_wait3A_422 = arith.constant 0 : i32
      %dma_wait3A_423 = tpu.memref_slice %arg8[%dma_wait3A_419, %dma_wait3A_420, %dma_wait3A_421, %dma_wait3A_422] : memref<2x8x1x128xf32, #tpu.memory_space<vmem>> -> memref<1x1x1x128xf32, #tpu.memory_space<vmem>>
      %dma_wait3A_424 = tpu.memref_squeeze %dma_wait3A_423 : memref<1x1x1x128xf32, #tpu.memory_space<vmem>> -> memref<128xf32, #tpu.memory_space<vmem>>
      %dma_wait3A_425 = arith.constant 0 : i32
      %dma_wait3A_426 = tpu.memref_slice %arg7[%dma_wait3A_418, %dma_wait3A_425] : memref<2x128xi32, #tpu.memory_space<vmem>> -> memref<1x128xi32, #tpu.memory_space<vmem>>
      %dma_wait3A_427 = tpu.memref_squeeze %dma_wait3A_426 : memref<1x128xi32, #tpu.memory_space<vmem>> -> memref<128xi32, #tpu.memory_space<vmem>>
      %dma_wait3A_428 = arith.constant 0 : i32
      %dma_wait3A_429 = tpu.memref_slice %arg3[%select_n3A, %dma_wait3A_417, %dma_wait3A_428] : memref<26x8x100000xf32, #tpu.memory_space<hbm>> -> memref<1x1x100000xf32, #tpu.memory_space<hbm>>
      %dma_wait3A_430 = tpu.memref_squeeze %dma_wait3A_429 : memref<1x1x100000xf32, #tpu.memory_space<hbm>> -> memref<100000xf32, #tpu.memory_space<hbm>>
      %dma_wait3A_431 = arith.constant 0 : i32
      %dma_wait3A_432 = tpu.memref_slice %dma_wait3A_430[%dma_wait3A_431] : memref<100000xf32, #tpu.memory_space<hbm>> -> memref<100000xf32, #tpu.memory_space<hbm>>
      tpu.wait_indirect_dma semaphore(%arg10 : memref<!tpu.dma_semaphore, #tpu.memory_space<semaphore_mem>>) src(%dma_wait3A_432 : memref<100000xf32, #tpu.memory_space<hbm>>) dst(%dma_wait3A_424 : memref<128xf32, #tpu.memory_space<vmem>>)
      %dma_wait3A_433 = arith.constant 5 : i32
      %dma_wait3A_434 = arith.constant 0 : i32
      %dma_wait3A_435 = arith.constant 0 : i32
      %dma_wait3A_436 = arith.constant 5 : i32
      %dma_wait3A_437 = arith.constant 0 : i32
      %dma_wait3A_438 = arith.constant 0 : i32
      %dma_wait3A_439 = tpu.memref_slice %arg8[%dma_wait3A_435, %dma_wait3A_436, %dma_wait3A_437, %dma_wait3A_438] : memref<2x8x1x128xf32, #tpu.memory_space<vmem>> -> memref<1x1x1x128xf32, #tpu.memory_space<vmem>>
      %dma_wait3A_440 = tpu.memref_squeeze %dma_wait3A_439 : memref<1x1x1x128xf32, #tpu.memory_space<vmem>> -> memref<128xf32, #tpu.memory_space<vmem>>
      %dma_wait3A_441 = arith.constant 0 : i32
      %dma_wait3A_442 = tpu.memref_slice %arg7[%dma_wait3A_434, %dma_wait3A_441] : memref<2x128xi32, #tpu.memory_space<vmem>> -> memref<1x128xi32, #tpu.memory_space<vmem>>
      %dma_wait3A_443 = tpu.memref_squeeze %dma_wait3A_442 : memref<1x128xi32, #tpu.memory_space<vmem>> -> memref<128xi32, #tpu.memory_space<vmem>>
      %dma_wait3A_444 = arith.constant 0 : i32
      %dma_wait3A_445 = tpu.memref_slice %arg3[%select_n3A, %dma_wait3A_433, %dma_wait3A_444] : memref<26x8x100000xf32, #tpu.memory_space<hbm>> -> memref<1x1x100000xf32, #tpu.memory_space<hbm>>
      %dma_wait3A_446 = tpu.memref_squeeze %dma_wait3A_445 : memref<1x1x100000xf32, #tpu.memory_space<hbm>> -> memref<100000xf32, #tpu.memory_space<hbm>>
      %dma_wait3A_447 = arith.constant 0 : i32
      %dma_wait3A_448 = tpu.memref_slice %dma_wait3A_446[%dma_wait3A_447] : memref<100000xf32, #tpu.memory_space<hbm>> -> memref<100000xf32, #tpu.memory_space<hbm>>
      tpu.wait_indirect_dma semaphore(%arg10 : memref<!tpu.dma_semaphore, #tpu.memory_space<semaphore_mem>>) src(%dma_wait3A_448 : memref<100000xf32, #tpu.memory_space<hbm>>) dst(%dma_wait3A_440 : memref<128xf32, #tpu.memory_space<vmem>>)
      %dma_wait3A_449 = arith.constant 6 : i32
      %dma_wait3A_450 = arith.constant 0 : i32
      %dma_wait3A_451 = arith.constant 0 : i32
      %dma_wait3A_452 = arith.constant 6 : i32
      %dma_wait3A_453 = arith.constant 0 : i32
      %dma_wait3A_454 = arith.constant 0 : i32
      %dma_wait3A_455 = tpu.memref_slice %arg8[%dma_wait3A_451, %dma_wait3A_452, %dma_wait3A_453, %dma_wait3A_454] : memref<2x8x1x128xf32, #tpu.memory_space<vmem>> -> memref<1x1x1x128xf32, #tpu.memory_space<vmem>>
      %dma_wait3A_456 = tpu.memref_squeeze %dma_wait3A_455 : memref<1x1x1x128xf32, #tpu.memory_space<vmem>> -> memref<128xf32, #tpu.memory_space<vmem>>
      %dma_wait3A_457 = arith.constant 0 : i32
      %dma_wait3A_458 = tpu.memref_slice %arg7[%dma_wait3A_450, %dma_wait3A_457] : memref<2x128xi32, #tpu.memory_space<vmem>> -> memref<1x128xi32, #tpu.memory_space<vmem>>
      %dma_wait3A_459 = tpu.memref_squeeze %dma_wait3A_458 : memref<1x128xi32, #tpu.memory_space<vmem>> -> memref<128xi32, #tpu.memory_space<vmem>>
      %dma_wait3A_460 = arith.constant 0 : i32
      %dma_wait3A_461 = tpu.memref_slice %arg3[%select_n3A, %dma_wait3A_449, %dma_wait3A_460] : memref<26x8x100000xf32, #tpu.memory_space<hbm>> -> memref<1x1x100000xf32, #tpu.memory_space<hbm>>
      %dma_wait3A_462 = tpu.memref_squeeze %dma_wait3A_461 : memref<1x1x100000xf32, #tpu.memory_space<hbm>> -> memref<100000xf32, #tpu.memory_space<hbm>>
      %dma_wait3A_463 = arith.constant 0 : i32
      %dma_wait3A_464 = tpu.memref_slice %dma_wait3A_462[%dma_wait3A_463] : memref<100000xf32, #tpu.memory_space<hbm>> -> memref<100000xf32, #tpu.memory_space<hbm>>
      tpu.wait_indirect_dma semaphore(%arg10 : memref<!tpu.dma_semaphore, #tpu.memory_space<semaphore_mem>>) src(%dma_wait3A_464 : memref<100000xf32, #tpu.memory_space<hbm>>) dst(%dma_wait3A_456 : memref<128xf32, #tpu.memory_space<vmem>>)
      %dma_wait3A_465 = arith.constant 7 : i32
      %dma_wait3A_466 = arith.constant 0 : i32
      %dma_wait3A_467 = arith.constant 0 : i32
      %dma_wait3A_468 = arith.constant 7 : i32
      %dma_wait3A_469 = arith.constant 0 : i32
      %dma_wait3A_470 = arith.constant 0 : i32
      %dma_wait3A_471 = tpu.memref_slice %arg8[%dma_wait3A_467, %dma_wait3A_468, %dma_wait3A_469, %dma_wait3A_470] : memref<2x8x1x128xf32, #tpu.memory_space<vmem>> -> memref<1x1x1x128xf32, #tpu.memory_space<vmem>>
      %dma_wait3A_472 = tpu.memref_squeeze %dma_wait3A_471 : memref<1x1x1x128xf32, #tpu.memory_space<vmem>> -> memref<128xf32, #tpu.memory_space<vmem>>
      %dma_wait3A_473 = arith.constant 0 : i32
      %dma_wait3A_474 = tpu.memref_slice %arg7[%dma_wait3A_466, %dma_wait3A_473] : memref<2x128xi32, #tpu.memory_space<vmem>> -> memref<1x128xi32, #tpu.memory_space<vmem>>
      %dma_wait3A_475 = tpu.memref_squeeze %dma_wait3A_474 : memref<1x128xi32, #tpu.memory_space<vmem>> -> memref<128xi32, #tpu.memory_space<vmem>>
      %dma_wait3A_476 = arith.constant 0 : i32
      %dma_wait3A_477 = tpu.memref_slice %arg3[%select_n3A, %dma_wait3A_465, %dma_wait3A_476] : memref<26x8x100000xf32, #tpu.memory_space<hbm>> -> memref<1x1x100000xf32, #tpu.memory_space<hbm>>
      %dma_wait3A_478 = tpu.memref_squeeze %dma_wait3A_477 : memref<1x1x100000xf32, #tpu.memory_space<hbm>> -> memref<100000xf32, #tpu.memory_space<hbm>>
      %dma_wait3A_479 = arith.constant 0 : i32
      %dma_wait3A_480 = tpu.memref_slice %dma_wait3A_478[%dma_wait3A_479] : memref<100000xf32, #tpu.memory_space<hbm>> -> memref<100000xf32, #tpu.memory_space<hbm>>
      tpu.wait_indirect_dma semaphore(%arg10 : memref<!tpu.dma_semaphore, #tpu.memory_space<semaphore_mem>>) src(%dma_wait3A_480 : memref<100000xf32, #tpu.memory_space<hbm>>) dst(%dma_wait3A_472 : memref<128xf32, #tpu.memory_space<vmem>>)
      %dma_wait3A_481 = arith.constant 0 : i32
      %dma_wait3A_482 = arith.constant 0 : i32
      %dma_wait3A_483 = arith.constant 0 : i32
      %dma_wait3A_484 = tpu.memref_slice %arg9[%dma_wait3A_482, %dma_wait3A_483] : memref<2x128xf32, #tpu.memory_space<vmem>> -> memref<1x128xf32, #tpu.memory_space<vmem>>
      %dma_wait3A_485 = tpu.memref_squeeze %dma_wait3A_484 : memref<1x128xf32, #tpu.memory_space<vmem>> -> memref<128xf32, #tpu.memory_space<vmem>>
      %dma_wait3A_486 = arith.constant 0 : i32
      %dma_wait3A_487 = tpu.memref_slice %arg7[%dma_wait3A_481, %dma_wait3A_486] : memref<2x128xi32, #tpu.memory_space<vmem>> -> memref<1x128xi32, #tpu.memory_space<vmem>>
      %dma_wait3A_488 = tpu.memref_squeeze %dma_wait3A_487 : memref<1x128xi32, #tpu.memory_space<vmem>> -> memref<128xi32, #tpu.memory_space<vmem>>
      %dma_wait3A_489 = arith.constant 0 : i32
      %dma_wait3A_490 = tpu.memref_slice %arg4[%select_n3A, %dma_wait3A_489] : memref<26x100000xf32, #tpu.memory_space<hbm>> -> memref<1x100000xf32, #tpu.memory_space<hbm>>
      %dma_wait3A_491 = tpu.memref_squeeze %dma_wait3A_490 : memref<1x100000xf32, #tpu.memory_space<hbm>> -> memref<100000xf32, #tpu.memory_space<hbm>>
      %dma_wait3A_492 = arith.constant 0 : i32
      %dma_wait3A_493 = tpu.memref_slice %dma_wait3A_491[%dma_wait3A_492] : memref<100000xf32, #tpu.memory_space<hbm>> -> memref<100000xf32, #tpu.memory_space<hbm>>
      tpu.wait_indirect_dma semaphore(%arg11 : memref<!tpu.dma_semaphore, #tpu.memory_space<semaphore_mem>>) src(%dma_wait3A_493 : memref<100000xf32, #tpu.memory_space<hbm>>) dst(%dma_wait3A_485 : memref<128xf32, #tpu.memory_space<vmem>>)
      %dma_start3A_494 = arith.constant 0 : i32
      %dma_start3A_495 = arith.constant 0 : i32
      %dma_start3A_496 = arith.constant 0 : i32
      %dma_start3A_497 = arith.constant 0 : i32
      %dma_start3A_498 = tpu.memref_slice %arg8[%dma_start3A_494, %dma_start3A_495, %dma_start3A_496, %dma_start3A_497] : memref<2x8x1x128xf32, #tpu.memory_space<vmem>> -> memref<1x8x1x128xf32, #tpu.memory_space<vmem>>
      %dma_start3A_499 = tpu.memref_squeeze %dma_start3A_498 : memref<1x8x1x128xf32, #tpu.memory_space<vmem>> -> memref<8x1x128xf32, #tpu.memory_space<vmem>>
      %dma_start3A_500 = arith.constant 0 : i32
      %dma_start3A_501 = tpu.memref_slice %arg5[%dma_start3A_500, %select_n3A, %multiple_of3A_35] : memref<8x26x4096xf32, #tpu.memory_space<hbm>> -> memref<8x1x128xf32, #tpu.memory_space<hbm>>
      %dma_start3A_502 = arith.constant 0 : i32
      %dma_start3A_503 = tpu.memref_slice %arg5[%dma_start3A_502, %select_n3A, %multiple_of3A_35] : memref<8x26x4096xf32, #tpu.memory_space<hbm>> -> memref<8x1x128xf32, #tpu.memory_space<hbm>>
      %dma_start3A_504 = arith.constant 0 : i32
      %dma_start3A_505 = arith.constant 0 : i32
      %dma_start3A_506 = arith.constant 0 : i32
      %dma_start3A_507 = tpu.memref_slice %arg8[%dma_start3A_494, %dma_start3A_504, %dma_start3A_505, %dma_start3A_506] : memref<2x8x1x128xf32, #tpu.memory_space<vmem>> -> memref<1x8x1x128xf32, #tpu.memory_space<vmem>>
      %dma_start3A_508 = tpu.memref_squeeze %dma_start3A_507 : memref<1x8x1x128xf32, #tpu.memory_space<vmem>> -> memref<8x1x128xf32, #tpu.memory_space<vmem>>
      tpu.enqueue_dma source(%dma_start3A_508 : memref<8x1x128xf32, #tpu.memory_space<vmem>>) target(%dma_start3A_503 : memref<8x1x128xf32, #tpu.memory_space<hbm>>) target_semaphore(%arg12 : memref<!tpu.dma_semaphore, #tpu.memory_space<semaphore_mem>>)
      %dma_start3A_509 = arith.constant 0 : i32
      %dma_start3A_510 = arith.constant 0 : i32
      %dma_start3A_511 = tpu.memref_slice %arg9[%dma_start3A_509, %dma_start3A_510] : memref<2x128xf32, #tpu.memory_space<vmem>> -> memref<1x128xf32, #tpu.memory_space<vmem>>
      %dma_start3A_512 = tpu.memref_squeeze %dma_start3A_511 : memref<1x128xf32, #tpu.memory_space<vmem>> -> memref<128xf32, #tpu.memory_space<vmem>>
      %dma_start3A_513 = tpu.memref_slice %arg6[%multiple_of3A] : memref<106496xf32, #tpu.memory_space<hbm>> -> memref<128xf32, #tpu.memory_space<hbm>>
      %dma_start3A_514 = tpu.memref_slice %arg6[%multiple_of3A] : memref<106496xf32, #tpu.memory_space<hbm>> -> memref<128xf32, #tpu.memory_space<hbm>>
      %dma_start3A_515 = arith.constant 0 : i32
      %dma_start3A_516 = tpu.memref_slice %arg9[%dma_start3A_509, %dma_start3A_515] : memref<2x128xf32, #tpu.memory_space<vmem>> -> memref<1x128xf32, #tpu.memory_space<vmem>>
      %dma_start3A_517 = tpu.memref_squeeze %dma_start3A_516 : memref<1x128xf32, #tpu.memory_space<vmem>> -> memref<128xf32, #tpu.memory_space<vmem>>
      tpu.enqueue_dma source(%dma_start3A_517 : memref<128xf32, #tpu.memory_space<vmem>>) target(%dma_start3A_514 : memref<128xf32, #tpu.memory_space<hbm>>) target_semaphore(%arg12 : memref<!tpu.dma_semaphore, #tpu.memory_space<semaphore_mem>>)
      %dma_wait3A_518 = arith.constant 0 : i32
      %dma_wait3A_519 = arith.constant 1 : i32
      %dma_wait3A_520 = arith.constant 1 : i32
      %dma_wait3A_521 = arith.constant 0 : i32
      %dma_wait3A_522 = arith.constant 0 : i32
      %dma_wait3A_523 = arith.constant 0 : i32
      %dma_wait3A_524 = tpu.memref_slice %arg8[%dma_wait3A_520, %dma_wait3A_521, %dma_wait3A_522, %dma_wait3A_523] : memref<2x8x1x128xf32, #tpu.memory_space<vmem>> -> memref<1x1x1x128xf32, #tpu.memory_space<vmem>>
      %dma_wait3A_525 = tpu.memref_squeeze %dma_wait3A_524 : memref<1x1x1x128xf32, #tpu.memory_space<vmem>> -> memref<128xf32, #tpu.memory_space<vmem>>
      %dma_wait3A_526 = arith.constant 0 : i32
      %dma_wait3A_527 = tpu.memref_slice %arg7[%dma_wait3A_519, %dma_wait3A_526] : memref<2x128xi32, #tpu.memory_space<vmem>> -> memref<1x128xi32, #tpu.memory_space<vmem>>
      %dma_wait3A_528 = tpu.memref_squeeze %dma_wait3A_527 : memref<1x128xi32, #tpu.memory_space<vmem>> -> memref<128xi32, #tpu.memory_space<vmem>>
      %dma_wait3A_529 = arith.constant 0 : i32
      %dma_wait3A_530 = tpu.memref_slice %arg3[%select_n3A_207, %dma_wait3A_518, %dma_wait3A_529] : memref<26x8x100000xf32, #tpu.memory_space<hbm>> -> memref<1x1x100000xf32, #tpu.memory_space<hbm>>
      %dma_wait3A_531 = tpu.memref_squeeze %dma_wait3A_530 : memref<1x1x100000xf32, #tpu.memory_space<hbm>> -> memref<100000xf32, #tpu.memory_space<hbm>>
      %dma_wait3A_532 = arith.constant 0 : i32
      %dma_wait3A_533 = tpu.memref_slice %dma_wait3A_531[%dma_wait3A_532] : memref<100000xf32, #tpu.memory_space<hbm>> -> memref<100000xf32, #tpu.memory_space<hbm>>
      tpu.wait_indirect_dma semaphore(%arg10 : memref<!tpu.dma_semaphore, #tpu.memory_space<semaphore_mem>>) src(%dma_wait3A_533 : memref<100000xf32, #tpu.memory_space<hbm>>) dst(%dma_wait3A_525 : memref<128xf32, #tpu.memory_space<vmem>>)
      %dma_wait3A_534 = arith.constant 1 : i32
      %dma_wait3A_535 = arith.constant 1 : i32
      %dma_wait3A_536 = arith.constant 1 : i32
      %dma_wait3A_537 = arith.constant 1 : i32
      %dma_wait3A_538 = arith.constant 0 : i32
      %dma_wait3A_539 = arith.constant 0 : i32
      %dma_wait3A_540 = tpu.memref_slice %arg8[%dma_wait3A_536, %dma_wait3A_537, %dma_wait3A_538, %dma_wait3A_539] : memref<2x8x1x128xf32, #tpu.memory_space<vmem>> -> memref<1x1x1x128xf32, #tpu.memory_space<vmem>>
      %dma_wait3A_541 = tpu.memref_squeeze %dma_wait3A_540 : memref<1x1x1x128xf32, #tpu.memory_space<vmem>> -> memref<128xf32, #tpu.memory_space<vmem>>
      %dma_wait3A_542 = arith.constant 0 : i32
      %dma_wait3A_543 = tpu.memref_slice %arg7[%dma_wait3A_535, %dma_wait3A_542] : memref<2x128xi32, #tpu.memory_space<vmem>> -> memref<1x128xi32, #tpu.memory_space<vmem>>
      %dma_wait3A_544 = tpu.memref_squeeze %dma_wait3A_543 : memref<1x128xi32, #tpu.memory_space<vmem>> -> memref<128xi32, #tpu.memory_space<vmem>>
      %dma_wait3A_545 = arith.constant 0 : i32
      %dma_wait3A_546 = tpu.memref_slice %arg3[%select_n3A_207, %dma_wait3A_534, %dma_wait3A_545] : memref<26x8x100000xf32, #tpu.memory_space<hbm>> -> memref<1x1x100000xf32, #tpu.memory_space<hbm>>
      %dma_wait3A_547 = tpu.memref_squeeze %dma_wait3A_546 : memref<1x1x100000xf32, #tpu.memory_space<hbm>> -> memref<100000xf32, #tpu.memory_space<hbm>>
      %dma_wait3A_548 = arith.constant 0 : i32
      %dma_wait3A_549 = tpu.memref_slice %dma_wait3A_547[%dma_wait3A_548] : memref<100000xf32, #tpu.memory_space<hbm>> -> memref<100000xf32, #tpu.memory_space<hbm>>
      tpu.wait_indirect_dma semaphore(%arg10 : memref<!tpu.dma_semaphore, #tpu.memory_space<semaphore_mem>>) src(%dma_wait3A_549 : memref<100000xf32, #tpu.memory_space<hbm>>) dst(%dma_wait3A_541 : memref<128xf32, #tpu.memory_space<vmem>>)
      %dma_wait3A_550 = arith.constant 2 : i32
      %dma_wait3A_551 = arith.constant 1 : i32
      %dma_wait3A_552 = arith.constant 1 : i32
      %dma_wait3A_553 = arith.constant 2 : i32
      %dma_wait3A_554 = arith.constant 0 : i32
      %dma_wait3A_555 = arith.constant 0 : i32
      %dma_wait3A_556 = tpu.memref_slice %arg8[%dma_wait3A_552, %dma_wait3A_553, %dma_wait3A_554, %dma_wait3A_555] : memref<2x8x1x128xf32, #tpu.memory_space<vmem>> -> memref<1x1x1x128xf32, #tpu.memory_space<vmem>>
      %dma_wait3A_557 = tpu.memref_squeeze %dma_wait3A_556 : memref<1x1x1x128xf32, #tpu.memory_space<vmem>> -> memref<128xf32, #tpu.memory_space<vmem>>
      %dma_wait3A_558 = arith.constant 0 : i32
      %dma_wait3A_559 = tpu.memref_slice %arg7[%dma_wait3A_551, %dma_wait3A_558] : memref<2x128xi32, #tpu.memory_space<vmem>> -> memref<1x128xi32, #tpu.memory_space<vmem>>
      %dma_wait3A_560 = tpu.memref_squeeze %dma_wait3A_559 : memref<1x128xi32, #tpu.memory_space<vmem>> -> memref<128xi32, #tpu.memory_space<vmem>>
      %dma_wait3A_561 = arith.constant 0 : i32
      %dma_wait3A_562 = tpu.memref_slice %arg3[%select_n3A_207, %dma_wait3A_550, %dma_wait3A_561] : memref<26x8x100000xf32, #tpu.memory_space<hbm>> -> memref<1x1x100000xf32, #tpu.memory_space<hbm>>
      %dma_wait3A_563 = tpu.memref_squeeze %dma_wait3A_562 : memref<1x1x100000xf32, #tpu.memory_space<hbm>> -> memref<100000xf32, #tpu.memory_space<hbm>>
      %dma_wait3A_564 = arith.constant 0 : i32
      %dma_wait3A_565 = tpu.memref_slice %dma_wait3A_563[%dma_wait3A_564] : memref<100000xf32, #tpu.memory_space<hbm>> -> memref<100000xf32, #tpu.memory_space<hbm>>
      tpu.wait_indirect_dma semaphore(%arg10 : memref<!tpu.dma_semaphore, #tpu.memory_space<semaphore_mem>>) src(%dma_wait3A_565 : memref<100000xf32, #tpu.memory_space<hbm>>) dst(%dma_wait3A_557 : memref<128xf32, #tpu.memory_space<vmem>>)
      %dma_wait3A_566 = arith.constant 3 : i32
      %dma_wait3A_567 = arith.constant 1 : i32
      %dma_wait3A_568 = arith.constant 1 : i32
      %dma_wait3A_569 = arith.constant 3 : i32
      %dma_wait3A_570 = arith.constant 0 : i32
      %dma_wait3A_571 = arith.constant 0 : i32
      %dma_wait3A_572 = tpu.memref_slice %arg8[%dma_wait3A_568, %dma_wait3A_569, %dma_wait3A_570, %dma_wait3A_571] : memref<2x8x1x128xf32, #tpu.memory_space<vmem>> -> memref<1x1x1x128xf32, #tpu.memory_space<vmem>>
      %dma_wait3A_573 = tpu.memref_squeeze %dma_wait3A_572 : memref<1x1x1x128xf32, #tpu.memory_space<vmem>> -> memref<128xf32, #tpu.memory_space<vmem>>
      %dma_wait3A_574 = arith.constant 0 : i32
      %dma_wait3A_575 = tpu.memref_slice %arg7[%dma_wait3A_567, %dma_wait3A_574] : memref<2x128xi32, #tpu.memory_space<vmem>> -> memref<1x128xi32, #tpu.memory_space<vmem>>
      %dma_wait3A_576 = tpu.memref_squeeze %dma_wait3A_575 : memref<1x128xi32, #tpu.memory_space<vmem>> -> memref<128xi32, #tpu.memory_space<vmem>>
      %dma_wait3A_577 = arith.constant 0 : i32
      %dma_wait3A_578 = tpu.memref_slice %arg3[%select_n3A_207, %dma_wait3A_566, %dma_wait3A_577] : memref<26x8x100000xf32, #tpu.memory_space<hbm>> -> memref<1x1x100000xf32, #tpu.memory_space<hbm>>
      %dma_wait3A_579 = tpu.memref_squeeze %dma_wait3A_578 : memref<1x1x100000xf32, #tpu.memory_space<hbm>> -> memref<100000xf32, #tpu.memory_space<hbm>>
      %dma_wait3A_580 = arith.constant 0 : i32
      %dma_wait3A_581 = tpu.memref_slice %dma_wait3A_579[%dma_wait3A_580] : memref<100000xf32, #tpu.memory_space<hbm>> -> memref<100000xf32, #tpu.memory_space<hbm>>
      tpu.wait_indirect_dma semaphore(%arg10 : memref<!tpu.dma_semaphore, #tpu.memory_space<semaphore_mem>>) src(%dma_wait3A_581 : memref<100000xf32, #tpu.memory_space<hbm>>) dst(%dma_wait3A_573 : memref<128xf32, #tpu.memory_space<vmem>>)
      %dma_wait3A_582 = arith.constant 4 : i32
      %dma_wait3A_583 = arith.constant 1 : i32
      %dma_wait3A_584 = arith.constant 1 : i32
      %dma_wait3A_585 = arith.constant 4 : i32
      %dma_wait3A_586 = arith.constant 0 : i32
      %dma_wait3A_587 = arith.constant 0 : i32
      %dma_wait3A_588 = tpu.memref_slice %arg8[%dma_wait3A_584, %dma_wait3A_585, %dma_wait3A_586, %dma_wait3A_587] : memref<2x8x1x128xf32, #tpu.memory_space<vmem>> -> memref<1x1x1x128xf32, #tpu.memory_space<vmem>>
      %dma_wait3A_589 = tpu.memref_squeeze %dma_wait3A_588 : memref<1x1x1x128xf32, #tpu.memory_space<vmem>> -> memref<128xf32, #tpu.memory_space<vmem>>
      %dma_wait3A_590 = arith.constant 0 : i32
      %dma_wait3A_591 = tpu.memref_slice %arg7[%dma_wait3A_583, %dma_wait3A_590] : memref<2x128xi32, #tpu.memory_space<vmem>> -> memref<1x128xi32, #tpu.memory_space<vmem>>
      %dma_wait3A_592 = tpu.memref_squeeze %dma_wait3A_591 : memref<1x128xi32, #tpu.memory_space<vmem>> -> memref<128xi32, #tpu.memory_space<vmem>>
      %dma_wait3A_593 = arith.constant 0 : i32
      %dma_wait3A_594 = tpu.memref_slice %arg3[%select_n3A_207, %dma_wait3A_582, %dma_wait3A_593] : memref<26x8x100000xf32, #tpu.memory_space<hbm>> -> memref<1x1x100000xf32, #tpu.memory_space<hbm>>
      %dma_wait3A_595 = tpu.memref_squeeze %dma_wait3A_594 : memref<1x1x100000xf32, #tpu.memory_space<hbm>> -> memref<100000xf32, #tpu.memory_space<hbm>>
      %dma_wait3A_596 = arith.constant 0 : i32
      %dma_wait3A_597 = tpu.memref_slice %dma_wait3A_595[%dma_wait3A_596] : memref<100000xf32, #tpu.memory_space<hbm>> -> memref<100000xf32, #tpu.memory_space<hbm>>
      tpu.wait_indirect_dma semaphore(%arg10 : memref<!tpu.dma_semaphore, #tpu.memory_space<semaphore_mem>>) src(%dma_wait3A_597 : memref<100000xf32, #tpu.memory_space<hbm>>) dst(%dma_wait3A_589 : memref<128xf32, #tpu.memory_space<vmem>>)
      %dma_wait3A_598 = arith.constant 5 : i32
      %dma_wait3A_599 = arith.constant 1 : i32
      %dma_wait3A_600 = arith.constant 1 : i32
      %dma_wait3A_601 = arith.constant 5 : i32
      %dma_wait3A_602 = arith.constant 0 : i32
      %dma_wait3A_603 = arith.constant 0 : i32
      %dma_wait3A_604 = tpu.memref_slice %arg8[%dma_wait3A_600, %dma_wait3A_601, %dma_wait3A_602, %dma_wait3A_603] : memref<2x8x1x128xf32, #tpu.memory_space<vmem>> -> memref<1x1x1x128xf32, #tpu.memory_space<vmem>>
      %dma_wait3A_605 = tpu.memref_squeeze %dma_wait3A_604 : memref<1x1x1x128xf32, #tpu.memory_space<vmem>> -> memref<128xf32, #tpu.memory_space<vmem>>
      %dma_wait3A_606 = arith.constant 0 : i32
      %dma_wait3A_607 = tpu.memref_slice %arg7[%dma_wait3A_599, %dma_wait3A_606] : memref<2x128xi32, #tpu.memory_space<vmem>> -> memref<1x128xi32, #tpu.memory_space<vmem>>
      %dma_wait3A_608 = tpu.memref_squeeze %dma_wait3A_607 : memref<1x128xi32, #tpu.memory_space<vmem>> -> memref<128xi32, #tpu.memory_space<vmem>>
      %dma_wait3A_609 = arith.constant 0 : i32
      %dma_wait3A_610 = tpu.memref_slice %arg3[%select_n3A_207, %dma_wait3A_598, %dma_wait3A_609] : memref<26x8x100000xf32, #tpu.memory_space<hbm>> -> memref<1x1x100000xf32, #tpu.memory_space<hbm>>
      %dma_wait3A_611 = tpu.memref_squeeze %dma_wait3A_610 : memref<1x1x100000xf32, #tpu.memory_space<hbm>> -> memref<100000xf32, #tpu.memory_space<hbm>>
      %dma_wait3A_612 = arith.constant 0 : i32
      %dma_wait3A_613 = tpu.memref_slice %dma_wait3A_611[%dma_wait3A_612] : memref<100000xf32, #tpu.memory_space<hbm>> -> memref<100000xf32, #tpu.memory_space<hbm>>
      tpu.wait_indirect_dma semaphore(%arg10 : memref<!tpu.dma_semaphore, #tpu.memory_space<semaphore_mem>>) src(%dma_wait3A_613 : memref<100000xf32, #tpu.memory_space<hbm>>) dst(%dma_wait3A_605 : memref<128xf32, #tpu.memory_space<vmem>>)
      %dma_wait3A_614 = arith.constant 6 : i32
      %dma_wait3A_615 = arith.constant 1 : i32
      %dma_wait3A_616 = arith.constant 1 : i32
      %dma_wait3A_617 = arith.constant 6 : i32
      %dma_wait3A_618 = arith.constant 0 : i32
      %dma_wait3A_619 = arith.constant 0 : i32
      %dma_wait3A_620 = tpu.memref_slice %arg8[%dma_wait3A_616, %dma_wait3A_617, %dma_wait3A_618, %dma_wait3A_619] : memref<2x8x1x128xf32, #tpu.memory_space<vmem>> -> memref<1x1x1x128xf32, #tpu.memory_space<vmem>>
      %dma_wait3A_621 = tpu.memref_squeeze %dma_wait3A_620 : memref<1x1x1x128xf32, #tpu.memory_space<vmem>> -> memref<128xf32, #tpu.memory_space<vmem>>
      %dma_wait3A_622 = arith.constant 0 : i32
      %dma_wait3A_623 = tpu.memref_slice %arg7[%dma_wait3A_615, %dma_wait3A_622] : memref<2x128xi32, #tpu.memory_space<vmem>> -> memref<1x128xi32, #tpu.memory_space<vmem>>
      %dma_wait3A_624 = tpu.memref_squeeze %dma_wait3A_623 : memref<1x128xi32, #tpu.memory_space<vmem>> -> memref<128xi32, #tpu.memory_space<vmem>>
      %dma_wait3A_625 = arith.constant 0 : i32
      %dma_wait3A_626 = tpu.memref_slice %arg3[%select_n3A_207, %dma_wait3A_614, %dma_wait3A_625] : memref<26x8x100000xf32, #tpu.memory_space<hbm>> -> memref<1x1x100000xf32, #tpu.memory_space<hbm>>
      %dma_wait3A_627 = tpu.memref_squeeze %dma_wait3A_626 : memref<1x1x100000xf32, #tpu.memory_space<hbm>> -> memref<100000xf32, #tpu.memory_space<hbm>>
      %dma_wait3A_628 = arith.constant 0 : i32
      %dma_wait3A_629 = tpu.memref_slice %dma_wait3A_627[%dma_wait3A_628] : memref<100000xf32, #tpu.memory_space<hbm>> -> memref<100000xf32, #tpu.memory_space<hbm>>
      tpu.wait_indirect_dma semaphore(%arg10 : memref<!tpu.dma_semaphore, #tpu.memory_space<semaphore_mem>>) src(%dma_wait3A_629 : memref<100000xf32, #tpu.memory_space<hbm>>) dst(%dma_wait3A_621 : memref<128xf32, #tpu.memory_space<vmem>>)
      %dma_wait3A_630 = arith.constant 7 : i32
      %dma_wait3A_631 = arith.constant 1 : i32
      %dma_wait3A_632 = arith.constant 1 : i32
      %dma_wait3A_633 = arith.constant 7 : i32
      %dma_wait3A_634 = arith.constant 0 : i32
      %dma_wait3A_635 = arith.constant 0 : i32
      %dma_wait3A_636 = tpu.memref_slice %arg8[%dma_wait3A_632, %dma_wait3A_633, %dma_wait3A_634, %dma_wait3A_635] : memref<2x8x1x128xf32, #tpu.memory_space<vmem>> -> memref<1x1x1x128xf32, #tpu.memory_space<vmem>>
      %dma_wait3A_637 = tpu.memref_squeeze %dma_wait3A_636 : memref<1x1x1x128xf32, #tpu.memory_space<vmem>> -> memref<128xf32, #tpu.memory_space<vmem>>
      %dma_wait3A_638 = arith.constant 0 : i32
      %dma_wait3A_639 = tpu.memref_slice %arg7[%dma_wait3A_631, %dma_wait3A_638] : memref<2x128xi32, #tpu.memory_space<vmem>> -> memref<1x128xi32, #tpu.memory_space<vmem>>
      %dma_wait3A_640 = tpu.memref_squeeze %dma_wait3A_639 : memref<1x128xi32, #tpu.memory_space<vmem>> -> memref<128xi32, #tpu.memory_space<vmem>>
      %dma_wait3A_641 = arith.constant 0 : i32
      %dma_wait3A_642 = tpu.memref_slice %arg3[%select_n3A_207, %dma_wait3A_630, %dma_wait3A_641] : memref<26x8x100000xf32, #tpu.memory_space<hbm>> -> memref<1x1x100000xf32, #tpu.memory_space<hbm>>
      %dma_wait3A_643 = tpu.memref_squeeze %dma_wait3A_642 : memref<1x1x100000xf32, #tpu.memory_space<hbm>> -> memref<100000xf32, #tpu.memory_space<hbm>>
      %dma_wait3A_644 = arith.constant 0 : i32
      %dma_wait3A_645 = tpu.memref_slice %dma_wait3A_643[%dma_wait3A_644] : memref<100000xf32, #tpu.memory_space<hbm>> -> memref<100000xf32, #tpu.memory_space<hbm>>
      tpu.wait_indirect_dma semaphore(%arg10 : memref<!tpu.dma_semaphore, #tpu.memory_space<semaphore_mem>>) src(%dma_wait3A_645 : memref<100000xf32, #tpu.memory_space<hbm>>) dst(%dma_wait3A_637 : memref<128xf32, #tpu.memory_space<vmem>>)
      %dma_wait3A_646 = arith.constant 1 : i32
      %dma_wait3A_647 = arith.constant 1 : i32
      %dma_wait3A_648 = arith.constant 0 : i32
      %dma_wait3A_649 = tpu.memref_slice %arg9[%dma_wait3A_647, %dma_wait3A_648] : memref<2x128xf32, #tpu.memory_space<vmem>> -> memref<1x128xf32, #tpu.memory_space<vmem>>
      %dma_wait3A_650 = tpu.memref_squeeze %dma_wait3A_649 : memref<1x128xf32, #tpu.memory_space<vmem>> -> memref<128xf32, #tpu.memory_space<vmem>>
      %dma_wait3A_651 = arith.constant 0 : i32
      %dma_wait3A_652 = tpu.memref_slice %arg7[%dma_wait3A_646, %dma_wait3A_651] : memref<2x128xi32, #tpu.memory_space<vmem>> -> memref<1x128xi32, #tpu.memory_space<vmem>>
      %dma_wait3A_653 = tpu.memref_squeeze %dma_wait3A_652 : memref<1x128xi32, #tpu.memory_space<vmem>> -> memref<128xi32, #tpu.memory_space<vmem>>
      %dma_wait3A_654 = arith.constant 0 : i32
      %dma_wait3A_655 = tpu.memref_slice %arg4[%select_n3A_207, %dma_wait3A_654] : memref<26x100000xf32, #tpu.memory_space<hbm>> -> memref<1x100000xf32, #tpu.memory_space<hbm>>
      %dma_wait3A_656 = tpu.memref_squeeze %dma_wait3A_655 : memref<1x100000xf32, #tpu.memory_space<hbm>> -> memref<100000xf32, #tpu.memory_space<hbm>>
      %dma_wait3A_657 = arith.constant 0 : i32
      %dma_wait3A_658 = tpu.memref_slice %dma_wait3A_656[%dma_wait3A_657] : memref<100000xf32, #tpu.memory_space<hbm>> -> memref<100000xf32, #tpu.memory_space<hbm>>
      tpu.wait_indirect_dma semaphore(%arg11 : memref<!tpu.dma_semaphore, #tpu.memory_space<semaphore_mem>>) src(%dma_wait3A_658 : memref<100000xf32, #tpu.memory_space<hbm>>) dst(%dma_wait3A_650 : memref<128xf32, #tpu.memory_space<vmem>>)
      %dma_start3A_659 = arith.constant 1 : i32
      %dma_start3A_660 = arith.constant 0 : i32
      %dma_start3A_661 = arith.constant 0 : i32
      %dma_start3A_662 = arith.constant 0 : i32
      %dma_start3A_663 = tpu.memref_slice %arg8[%dma_start3A_659, %dma_start3A_660, %dma_start3A_661, %dma_start3A_662] : memref<2x8x1x128xf32, #tpu.memory_space<vmem>> -> memref<1x8x1x128xf32, #tpu.memory_space<vmem>>
      %dma_start3A_664 = tpu.memref_squeeze %dma_start3A_663 : memref<1x8x1x128xf32, #tpu.memory_space<vmem>> -> memref<8x1x128xf32, #tpu.memory_space<vmem>>
      %dma_start3A_665 = arith.constant 0 : i32
      %dma_start3A_666 = tpu.memref_slice %arg5[%dma_start3A_665, %select_n3A_207, %multiple_of3A_211] : memref<8x26x4096xf32, #tpu.memory_space<hbm>> -> memref<8x1x128xf32, #tpu.memory_space<hbm>>
      %dma_start3A_667 = arith.constant 0 : i32
      %dma_start3A_668 = tpu.memref_slice %arg5[%dma_start3A_667, %select_n3A_207, %multiple_of3A_211] : memref<8x26x4096xf32, #tpu.memory_space<hbm>> -> memref<8x1x128xf32, #tpu.memory_space<hbm>>
      %dma_start3A_669 = arith.constant 0 : i32
      %dma_start3A_670 = arith.constant 0 : i32
      %dma_start3A_671 = arith.constant 0 : i32
      %dma_start3A_672 = tpu.memref_slice %arg8[%dma_start3A_659, %dma_start3A_669, %dma_start3A_670, %dma_start3A_671] : memref<2x8x1x128xf32, #tpu.memory_space<vmem>> -> memref<1x8x1x128xf32, #tpu.memory_space<vmem>>
      %dma_start3A_673 = tpu.memref_squeeze %dma_start3A_672 : memref<1x8x1x128xf32, #tpu.memory_space<vmem>> -> memref<8x1x128xf32, #tpu.memory_space<vmem>>
      tpu.enqueue_dma source(%dma_start3A_673 : memref<8x1x128xf32, #tpu.memory_space<vmem>>) target(%dma_start3A_668 : memref<8x1x128xf32, #tpu.memory_space<hbm>>) target_semaphore(%arg12 : memref<!tpu.dma_semaphore, #tpu.memory_space<semaphore_mem>>)
      %dma_start3A_674 = arith.constant 1 : i32
      %dma_start3A_675 = arith.constant 0 : i32
      %dma_start3A_676 = tpu.memref_slice %arg9[%dma_start3A_674, %dma_start3A_675] : memref<2x128xf32, #tpu.memory_space<vmem>> -> memref<1x128xf32, #tpu.memory_space<vmem>>
      %dma_start3A_677 = tpu.memref_squeeze %dma_start3A_676 : memref<1x128xf32, #tpu.memory_space<vmem>> -> memref<128xf32, #tpu.memory_space<vmem>>
      %dma_start3A_678 = tpu.memref_slice %arg6[%multiple_of3A_183] : memref<106496xf32, #tpu.memory_space<hbm>> -> memref<128xf32, #tpu.memory_space<hbm>>
      %dma_start3A_679 = tpu.memref_slice %arg6[%multiple_of3A_183] : memref<106496xf32, #tpu.memory_space<hbm>> -> memref<128xf32, #tpu.memory_space<hbm>>
      %dma_start3A_680 = arith.constant 0 : i32
      %dma_start3A_681 = tpu.memref_slice %arg9[%dma_start3A_674, %dma_start3A_680] : memref<2x128xf32, #tpu.memory_space<vmem>> -> memref<1x128xf32, #tpu.memory_space<vmem>>
      %dma_start3A_682 = tpu.memref_squeeze %dma_start3A_681 : memref<1x128xf32, #tpu.memory_space<vmem>> -> memref<128xf32, #tpu.memory_space<vmem>>
      tpu.enqueue_dma source(%dma_start3A_682 : memref<128xf32, #tpu.memory_space<vmem>>) target(%dma_start3A_679 : memref<128xf32, #tpu.memory_space<hbm>>) target_semaphore(%arg12 : memref<!tpu.dma_semaphore, #tpu.memory_space<semaphore_mem>>)
      %dma_wait3A_683 = arith.constant 0 : i32
      %dma_wait3A_684 = arith.constant 0 : i32
      %dma_wait3A_685 = arith.constant 0 : i32
      %dma_wait3A_686 = arith.constant 0 : i32
      %dma_wait3A_687 = tpu.memref_slice %arg8[%dma_wait3A_683, %dma_wait3A_684, %dma_wait3A_685, %dma_wait3A_686] : memref<2x8x1x128xf32, #tpu.memory_space<vmem>> -> memref<1x8x1x128xf32, #tpu.memory_space<vmem>>
      %dma_wait3A_688 = tpu.memref_squeeze %dma_wait3A_687 : memref<1x8x1x128xf32, #tpu.memory_space<vmem>> -> memref<8x1x128xf32, #tpu.memory_space<vmem>>
      %dma_wait3A_689 = arith.constant 0 : i32
      %dma_wait3A_690 = tpu.memref_slice %arg5[%dma_wait3A_689, %select_n3A, %multiple_of3A_35] : memref<8x26x4096xf32, #tpu.memory_space<hbm>> -> memref<8x1x128xf32, #tpu.memory_space<hbm>>
      %dma_wait3A_691 = arith.constant 0 : i32
      %dma_wait3A_692 = tpu.memref_slice %arg5[%dma_wait3A_691, %select_n3A, %multiple_of3A_35] : memref<8x26x4096xf32, #tpu.memory_space<hbm>> -> memref<8x1x128xf32, #tpu.memory_space<hbm>>
      %dma_wait3A_693 = arith.constant 0 : i32
      %dma_wait3A_694 = arith.constant 0 : i32
      %dma_wait3A_695 = arith.constant 0 : i32
      %dma_wait3A_696 = tpu.memref_slice %arg8[%dma_wait3A_683, %dma_wait3A_693, %dma_wait3A_694, %dma_wait3A_695] : memref<2x8x1x128xf32, #tpu.memory_space<vmem>> -> memref<1x8x1x128xf32, #tpu.memory_space<vmem>>
      %dma_wait3A_697 = tpu.memref_squeeze %dma_wait3A_696 : memref<1x8x1x128xf32, #tpu.memory_space<vmem>> -> memref<8x1x128xf32, #tpu.memory_space<vmem>>
      tpu.wait_dma2 semaphore(%arg12 : memref<!tpu.dma_semaphore, #tpu.memory_space<semaphore_mem>>) src(%dma_wait3A_697 : memref<8x1x128xf32, #tpu.memory_space<vmem>>) dst(%dma_wait3A_692 : memref<8x1x128xf32, #tpu.memory_space<hbm>>)
      %dma_wait3A_698 = arith.constant 0 : i32
      %dma_wait3A_699 = arith.constant 0 : i32
      %dma_wait3A_700 = tpu.memref_slice %arg9[%dma_wait3A_698, %dma_wait3A_699] : memref<2x128xf32, #tpu.memory_space<vmem>> -> memref<1x128xf32, #tpu.memory_space<vmem>>
      %dma_wait3A_701 = tpu.memref_squeeze %dma_wait3A_700 : memref<1x128xf32, #tpu.memory_space<vmem>> -> memref<128xf32, #tpu.memory_space<vmem>>
      %dma_wait3A_702 = tpu.memref_slice %arg6[%multiple_of3A] : memref<106496xf32, #tpu.memory_space<hbm>> -> memref<128xf32, #tpu.memory_space<hbm>>
      %dma_wait3A_703 = tpu.memref_slice %arg6[%multiple_of3A] : memref<106496xf32, #tpu.memory_space<hbm>> -> memref<128xf32, #tpu.memory_space<hbm>>
      %dma_wait3A_704 = arith.constant 0 : i32
      %dma_wait3A_705 = tpu.memref_slice %arg9[%dma_wait3A_698, %dma_wait3A_704] : memref<2x128xf32, #tpu.memory_space<vmem>> -> memref<1x128xf32, #tpu.memory_space<vmem>>
      %dma_wait3A_706 = tpu.memref_squeeze %dma_wait3A_705 : memref<1x128xf32, #tpu.memory_space<vmem>> -> memref<128xf32, #tpu.memory_space<vmem>>
      tpu.wait_dma2 semaphore(%arg12 : memref<!tpu.dma_semaphore, #tpu.memory_space<semaphore_mem>>) src(%dma_wait3A_706 : memref<128xf32, #tpu.memory_space<vmem>>) dst(%dma_wait3A_703 : memref<128xf32, #tpu.memory_space<hbm>>)
      %dma_wait3A_707 = arith.constant 1 : i32
      %dma_wait3A_708 = arith.constant 0 : i32
      %dma_wait3A_709 = arith.constant 0 : i32
      %dma_wait3A_710 = arith.constant 0 : i32
      %dma_wait3A_711 = tpu.memref_slice %arg8[%dma_wait3A_707, %dma_wait3A_708, %dma_wait3A_709, %dma_wait3A_710] : memref<2x8x1x128xf32, #tpu.memory_space<vmem>> -> memref<1x8x1x128xf32, #tpu.memory_space<vmem>>
      %dma_wait3A_712 = tpu.memref_squeeze %dma_wait3A_711 : memref<1x8x1x128xf32, #tpu.memory_space<vmem>> -> memref<8x1x128xf32, #tpu.memory_space<vmem>>
      %dma_wait3A_713 = arith.constant 0 : i32
      %dma_wait3A_714 = tpu.memref_slice %arg5[%dma_wait3A_713, %select_n3A_207, %multiple_of3A_211] : memref<8x26x4096xf32, #tpu.memory_space<hbm>> -> memref<8x1x128xf32, #tpu.memory_space<hbm>>
      %dma_wait3A_715 = arith.constant 0 : i32
      %dma_wait3A_716 = tpu.memref_slice %arg5[%dma_wait3A_715, %select_n3A_207, %multiple_of3A_211] : memref<8x26x4096xf32, #tpu.memory_space<hbm>> -> memref<8x1x128xf32, #tpu.memory_space<hbm>>
      %dma_wait3A_717 = arith.constant 0 : i32
      %dma_wait3A_718 = arith.constant 0 : i32
      %dma_wait3A_719 = arith.constant 0 : i32
      %dma_wait3A_720 = tpu.memref_slice %arg8[%dma_wait3A_707, %dma_wait3A_717, %dma_wait3A_718, %dma_wait3A_719] : memref<2x8x1x128xf32, #tpu.memory_space<vmem>> -> memref<1x8x1x128xf32, #tpu.memory_space<vmem>>
      %dma_wait3A_721 = tpu.memref_squeeze %dma_wait3A_720 : memref<1x8x1x128xf32, #tpu.memory_space<vmem>> -> memref<8x1x128xf32, #tpu.memory_space<vmem>>
      tpu.wait_dma2 semaphore(%arg12 : memref<!tpu.dma_semaphore, #tpu.memory_space<semaphore_mem>>) src(%dma_wait3A_721 : memref<8x1x128xf32, #tpu.memory_space<vmem>>) dst(%dma_wait3A_716 : memref<8x1x128xf32, #tpu.memory_space<hbm>>)
      %dma_wait3A_722 = arith.constant 1 : i32
      %dma_wait3A_723 = arith.constant 0 : i32
      %dma_wait3A_724 = tpu.memref_slice %arg9[%dma_wait3A_722, %dma_wait3A_723] : memref<2x128xf32, #tpu.memory_space<vmem>> -> memref<1x128xf32, #tpu.memory_space<vmem>>
      %dma_wait3A_725 = tpu.memref_squeeze %dma_wait3A_724 : memref<1x128xf32, #tpu.memory_space<vmem>> -> memref<128xf32, #tpu.memory_space<vmem>>
      %dma_wait3A_726 = tpu.memref_slice %arg6[%multiple_of3A_183] : memref<106496xf32, #tpu.memory_space<hbm>> -> memref<128xf32, #tpu.memory_space<hbm>>
      %dma_wait3A_727 = tpu.memref_slice %arg6[%multiple_of3A_183] : memref<106496xf32, #tpu.memory_space<hbm>> -> memref<128xf32, #tpu.memory_space<hbm>>
      %dma_wait3A_728 = arith.constant 0 : i32
      %dma_wait3A_729 = tpu.memref_slice %arg9[%dma_wait3A_722, %dma_wait3A_728] : memref<2x128xf32, #tpu.memory_space<vmem>> -> memref<1x128xf32, #tpu.memory_space<vmem>>
      %dma_wait3A_730 = tpu.memref_squeeze %dma_wait3A_729 : memref<1x128xf32, #tpu.memory_space<vmem>> -> memref<128xf32, #tpu.memory_space<vmem>>
      tpu.wait_dma2 semaphore(%arg12 : memref<!tpu.dma_semaphore, #tpu.memory_space<semaphore_mem>>) src(%dma_wait3A_730 : memref<128xf32, #tpu.memory_space<vmem>>) dst(%dma_wait3A_727 : memref<128xf32, #tpu.memory_space<hbm>>)
    }
    %scan3A_7 = arith.constant 13 : i32
    return
  }
}

module attributes {stable_mosaic.version = 14 : i64} {
  func.func @_dense_body(%arg0: i32, %arg1: memref<8x26x256xf32, #tpu.memory_space<vmem>>, %arg2: memref<26x256xf32, #tpu.memory_space<vmem>>, %arg3: memref<26x4xf32, #tpu.memory_space<vmem>>, %arg4: memref<8x4xf32, #tpu.memory_space<smem>>, %arg5: memref<4xf32, #tpu.memory_space<smem>>, %arg6: memref<4x1xf32, #tpu.memory_space<smem>>, %arg7: memref<26x1xf32, #tpu.memory_space<vmem>>, %arg8: memref<8x208xf32, #tpu.memory_space<vmem>>, %arg9: memref<208x1xf32, #tpu.memory_space<vmem>>, %arg10: memref<208x128xf32, #tpu.memory_space<vmem>>, %arg11: memref<128x1xf32, #tpu.memory_space<vmem>>, %arg12: memref<128x64xf32, #tpu.memory_space<vmem>>, %arg13: memref<64x1xf32, #tpu.memory_space<vmem>>, %arg14: memref<64x1xf32, #tpu.memory_space<vmem>>, %arg15: memref<1x1xf32, #tpu.memory_space<vmem>>, %arg16: memref<1x256xf32, #tpu.memory_space<vmem>>, %arg17: memref<8x325x256xf32, #tpu.memory_space<vmem>>) attributes {dimension_semantics = [#tpu.dimension_semantics<arbitrary>], iteration_bounds = array<i64: 16>, scalar_prefetch = 0 : i64, scratch_operands = 1 : i64, tpu.core_type = #tpu.core_type<tc>, window_params = [{transform_indices = @transform_0, window_bounds = array<i64: 8, 26, 256>}, {transform_indices = @transform_1, window_bounds = array<i64: 26, 256>}, {pipeline_mode = #tpu.pipeline_mode<synchronous>, transform_indices = @transform_2, window_bounds = array<i64: 26, 4>}, {transform_indices = @transform_3, window_bounds = array<i64: 8, 4>}, {transform_indices = @transform_4, window_bounds = array<i64: 4>}, {transform_indices = @transform_5, window_bounds = array<i64: 4, 1>}, {pipeline_mode = #tpu.pipeline_mode<synchronous>, transform_indices = @transform_6, window_bounds = array<i64: 26, 1>}, {pipeline_mode = #tpu.pipeline_mode<synchronous>, transform_indices = @transform_7, window_bounds = array<i64: 8, 208>}, {pipeline_mode = #tpu.pipeline_mode<synchronous>, transform_indices = @transform_8, window_bounds = array<i64: 208, 1>}, {pipeline_mode = #tpu.pipeline_mode<synchronous>, transform_indices = @transform_9, window_bounds = array<i64: 208, 128>}, {pipeline_mode = #tpu.pipeline_mode<synchronous>, transform_indices = @transform_10, window_bounds = array<i64: 128, 1>}, {pipeline_mode = #tpu.pipeline_mode<synchronous>, transform_indices = @transform_11, window_bounds = array<i64: 128, 64>}, {pipeline_mode = #tpu.pipeline_mode<synchronous>, transform_indices = @transform_12, window_bounds = array<i64: 64, 1>}, {pipeline_mode = #tpu.pipeline_mode<synchronous>, transform_indices = @transform_13, window_bounds = array<i64: 64, 1>}, {pipeline_mode = #tpu.pipeline_mode<synchronous>, transform_indices = @transform_14, window_bounds = array<i64: 1, 1>}, {transform_indices = @transform_15, window_bounds = array<i64: 1, 256>}]} {
    %get3A = arith.constant 0 : index
    %get3A_0 = arith.constant 0 : index
    %get3A_1 = arith.constant 0 : index
    %get3A_2 = vector.load %arg1[%get3A, %get3A_0, %get3A_1] : memref<8x26x256xf32, #tpu.memory_space<vmem>>, vector<8x26x256xf32>
    %get3A_3 = arith.constant 0 : index
    %get3A_4 = arith.constant 0 : index
    %get3A_5 = vector.load %arg3[%get3A_3, %get3A_4] : memref<26x4xf32, #tpu.memory_space<vmem>>, vector<26x4xf32>
    %dot_general3A = arith.constant dense<0.000000e+00> : vector<26x26xf32>
    %dot_general3A_6 = tpu.matmul %get3A_5, %get3A_5, %dot_general3A {dimension_numbers = #tpu.dot_dimension_numbers<[1], [1], [0], [0], [0, 0, 1, 0], [], []>, transpose_lhs_hint = false} : vector<26x4xf32>, vector<26x4xf32>, vector<26x26xf32> -> vector<26x26xf32>
    %slice3A = vector.extract_strided_slice %get3A_2 {offsets = [0, 0, 0], sizes = [8, 1, 256], strides = [1, 1, 1]} : vector<8x26x256xf32> to vector<8x1x256xf32>
    %slice3A_7 = vector.extract_strided_slice %get3A_2 {offsets = [0, 1, 0], sizes = [8, 25, 256], strides = [1, 1, 1]} : vector<8x26x256xf32> to vector<8x25x256xf32>
    %slice3A_8 = vector.extract_strided_slice %dot_general3A_6 {offsets = [1, 0], sizes = [25, 1], strides = [1, 1]} : vector<26x26xf32> to vector<25x1xf32>
    %mul3A = vector.broadcast %slice3A : vector<8x1x256xf32> to vector<8x25x256xf32>
    %mul3A_9 = arith.mulf %mul3A, %slice3A_7 : vector<8x25x256xf32>
    %broadcast_in_dim3A = vector.shape_cast %slice3A_8 : vector<25x1xf32> to vector<1x25x1xf32>
    %mul3A_10 = vector.broadcast %broadcast_in_dim3A : vector<1x25x1xf32> to vector<8x25x256xf32>
    %mul3A_11 = arith.mulf %mul3A_9, %mul3A_10 : vector<8x25x256xf32>
    %swap3A = arith.constant 0 : index
    %swap3A_12 = arith.constant 0 : index
    %swap3A_13 = arith.constant 0 : index
    %swap3A_14 = vector.load %arg17[%swap3A, %swap3A_12, %swap3A_13] : memref<8x325x256xf32, #tpu.memory_space<vmem>>, vector<8x25x256xf32>
    tpu.vector_store %arg17[%swap3A, %swap3A_12, %swap3A_13], %mul3A_11 {strides = array<i32>} : memref<8x325x256xf32, #tpu.memory_space<vmem>>, vector<8x25x256xf32>,
    %slice3A_15 = vector.extract_strided_slice %get3A_2 {offsets = [0, 1, 0], sizes = [8, 1, 256], strides = [1, 1, 1]} : vector<8x26x256xf32> to vector<8x1x256xf32>
    %slice3A_16 = vector.extract_strided_slice %get3A_2 {offsets = [0, 2, 0], sizes = [8, 24, 256], strides = [1, 1, 1]} : vector<8x26x256xf32> to vector<8x24x256xf32>
    %slice3A_17 = vector.extract_strided_slice %dot_general3A_6 {offsets = [2, 1], sizes = [24, 1], strides = [1, 1]} : vector<26x26xf32> to vector<24x1xf32>
    %mul3A_18 = vector.broadcast %slice3A_15 : vector<8x1x256xf32> to vector<8x24x256xf32>
    %mul3A_19 = arith.mulf %mul3A_18, %slice3A_16 : vector<8x24x256xf32>
    %broadcast_in_dim3A_20 = vector.shape_cast %slice3A_17 : vector<24x1xf32> to vector<1x24x1xf32>
    %mul3A_21 = vector.broadcast %broadcast_in_dim3A_20 : vector<1x24x1xf32> to vector<8x24x256xf32>
    %mul3A_22 = arith.mulf %mul3A_19, %mul3A_21 : vector<8x24x256xf32>
    %swap3A_23 = arith.constant 0 : index
    %swap3A_24 = arith.constant 25 : index
    %swap3A_25 = arith.constant 0 : index
    %swap3A_26 = vector.load %arg17[%swap3A_23, %swap3A_24, %swap3A_25] : memref<8x325x256xf32, #tpu.memory_space<vmem>>, vector<8x24x256xf32>
    tpu.vector_store %arg17[%swap3A_23, %swap3A_24, %swap3A_25], %mul3A_22 {strides = array<i32>} : memref<8x325x256xf32, #tpu.memory_space<vmem>>, vector<8x24x256xf32>,
    %slice3A_27 = vector.extract_strided_slice %get3A_2 {offsets = [0, 2, 0], sizes = [8, 1, 256], strides = [1, 1, 1]} : vector<8x26x256xf32> to vector<8x1x256xf32>
    %slice3A_28 = vector.extract_strided_slice %get3A_2 {offsets = [0, 3, 0], sizes = [8, 23, 256], strides = [1, 1, 1]} : vector<8x26x256xf32> to vector<8x23x256xf32>
    %slice3A_29 = vector.extract_strided_slice %dot_general3A_6 {offsets = [3, 2], sizes = [23, 1], strides = [1, 1]} : vector<26x26xf32> to vector<23x1xf32>
    %mul3A_30 = vector.broadcast %slice3A_27 : vector<8x1x256xf32> to vector<8x23x256xf32>
    %mul3A_31 = arith.mulf %mul3A_30, %slice3A_28 : vector<8x23x256xf32>
    %broadcast_in_dim3A_32 = vector.shape_cast %slice3A_29 : vector<23x1xf32> to vector<1x23x1xf32>
    %mul3A_33 = vector.broadcast %broadcast_in_dim3A_32 : vector<1x23x1xf32> to vector<8x23x256xf32>
    %mul3A_34 = arith.mulf %mul3A_31, %mul3A_33 : vector<8x23x256xf32>
    %swap3A_35 = arith.constant 0 : index
    %swap3A_36 = arith.constant 49 : index
    %swap3A_37 = arith.constant 0 : index
    %swap3A_38 = vector.load %arg17[%swap3A_35, %swap3A_36, %swap3A_37] : memref<8x325x256xf32, #tpu.memory_space<vmem>>, vector<8x23x256xf32>
    tpu.vector_store %arg17[%swap3A_35, %swap3A_36, %swap3A_37], %mul3A_34 {strides = array<i32>} : memref<8x325x256xf32, #tpu.memory_space<vmem>>, vector<8x23x256xf32>,
    %slice3A_39 = vector.extract_strided_slice %get3A_2 {offsets = [0, 3, 0], sizes = [8, 1, 256], strides = [1, 1, 1]} : vector<8x26x256xf32> to vector<8x1x256xf32>
    %slice3A_40 = vector.extract_strided_slice %get3A_2 {offsets = [0, 4, 0], sizes = [8, 22, 256], strides = [1, 1, 1]} : vector<8x26x256xf32> to vector<8x22x256xf32>
    %slice3A_41 = vector.extract_strided_slice %dot_general3A_6 {offsets = [4, 3], sizes = [22, 1], strides = [1, 1]} : vector<26x26xf32> to vector<22x1xf32>
    %mul3A_42 = vector.broadcast %slice3A_39 : vector<8x1x256xf32> to vector<8x22x256xf32>
    %mul3A_43 = arith.mulf %mul3A_42, %slice3A_40 : vector<8x22x256xf32>
    %broadcast_in_dim3A_44 = vector.shape_cast %slice3A_41 : vector<22x1xf32> to vector<1x22x1xf32>
    %mul3A_45 = vector.broadcast %broadcast_in_dim3A_44 : vector<1x22x1xf32> to vector<8x22x256xf32>
    %mul3A_46 = arith.mulf %mul3A_43, %mul3A_45 : vector<8x22x256xf32>
    %swap3A_47 = arith.constant 0 : index
    %swap3A_48 = arith.constant 72 : index
    %swap3A_49 = arith.constant 0 : index
    %swap3A_50 = vector.load %arg17[%swap3A_47, %swap3A_48, %swap3A_49] : memref<8x325x256xf32, #tpu.memory_space<vmem>>, vector<8x22x256xf32>
    tpu.vector_store %arg17[%swap3A_47, %swap3A_48, %swap3A_49], %mul3A_46 {strides = array<i32>} : memref<8x325x256xf32, #tpu.memory_space<vmem>>, vector<8x22x256xf32>,
    %slice3A_51 = vector.extract_strided_slice %get3A_2 {offsets = [0, 4, 0], sizes = [8, 1, 256], strides = [1, 1, 1]} : vector<8x26x256xf32> to vector<8x1x256xf32>
    %slice3A_52 = vector.extract_strided_slice %get3A_2 {offsets = [0, 5, 0], sizes = [8, 21, 256], strides = [1, 1, 1]} : vector<8x26x256xf32> to vector<8x21x256xf32>
    %slice3A_53 = vector.extract_strided_slice %dot_general3A_6 {offsets = [5, 4], sizes = [21, 1], strides = [1, 1]} : vector<26x26xf32> to vector<21x1xf32>
    %mul3A_54 = vector.broadcast %slice3A_51 : vector<8x1x256xf32> to vector<8x21x256xf32>
    %mul3A_55 = arith.mulf %mul3A_54, %slice3A_52 : vector<8x21x256xf32>
    %broadcast_in_dim3A_56 = vector.shape_cast %slice3A_53 : vector<21x1xf32> to vector<1x21x1xf32>
    %mul3A_57 = vector.broadcast %broadcast_in_dim3A_56 : vector<1x21x1xf32> to vector<8x21x256xf32>
    %mul3A_58 = arith.mulf %mul3A_55, %mul3A_57 : vector<8x21x256xf32>
    %swap3A_59 = arith.constant 0 : index
    %swap3A_60 = arith.constant 94 : index
    %swap3A_61 = arith.constant 0 : index
    %swap3A_62 = vector.load %arg17[%swap3A_59, %swap3A_60, %swap3A_61] : memref<8x325x256xf32, #tpu.memory_space<vmem>>, vector<8x21x256xf32>
    tpu.vector_store %arg17[%swap3A_59, %swap3A_60, %swap3A_61], %mul3A_58 {strides = array<i32>} : memref<8x325x256xf32, #tpu.memory_space<vmem>>, vector<8x21x256xf32>,
    %slice3A_63 = vector.extract_strided_slice %get3A_2 {offsets = [0, 5, 0], sizes = [8, 1, 256], strides = [1, 1, 1]} : vector<8x26x256xf32> to vector<8x1x256xf32>
    %slice3A_64 = vector.extract_strided_slice %get3A_2 {offsets = [0, 6, 0], sizes = [8, 20, 256], strides = [1, 1, 1]} : vector<8x26x256xf32> to vector<8x20x256xf32>
    %slice3A_65 = vector.extract_strided_slice %dot_general3A_6 {offsets = [6, 5], sizes = [20, 1], strides = [1, 1]} : vector<26x26xf32> to vector<20x1xf32>
    %mul3A_66 = vector.broadcast %slice3A_63 : vector<8x1x256xf32> to vector<8x20x256xf32>
    %mul3A_67 = arith.mulf %mul3A_66, %slice3A_64 : vector<8x20x256xf32>
    %broadcast_in_dim3A_68 = vector.shape_cast %slice3A_65 : vector<20x1xf32> to vector<1x20x1xf32>
    %mul3A_69 = vector.broadcast %broadcast_in_dim3A_68 : vector<1x20x1xf32> to vector<8x20x256xf32>
    %mul3A_70 = arith.mulf %mul3A_67, %mul3A_69 : vector<8x20x256xf32>
    %swap3A_71 = arith.constant 0 : index
    %swap3A_72 = arith.constant 115 : index
    %swap3A_73 = arith.constant 0 : index
    %swap3A_74 = vector.load %arg17[%swap3A_71, %swap3A_72, %swap3A_73] : memref<8x325x256xf32, #tpu.memory_space<vmem>>, vector<8x20x256xf32>
    tpu.vector_store %arg17[%swap3A_71, %swap3A_72, %swap3A_73], %mul3A_70 {strides = array<i32>} : memref<8x325x256xf32, #tpu.memory_space<vmem>>, vector<8x20x256xf32>,
    %slice3A_75 = vector.extract_strided_slice %get3A_2 {offsets = [0, 6, 0], sizes = [8, 1, 256], strides = [1, 1, 1]} : vector<8x26x256xf32> to vector<8x1x256xf32>
    %slice3A_76 = vector.extract_strided_slice %get3A_2 {offsets = [0, 7, 0], sizes = [8, 19, 256], strides = [1, 1, 1]} : vector<8x26x256xf32> to vector<8x19x256xf32>
    %slice3A_77 = vector.extract_strided_slice %dot_general3A_6 {offsets = [7, 6], sizes = [19, 1], strides = [1, 1]} : vector<26x26xf32> to vector<19x1xf32>
    %mul3A_78 = vector.broadcast %slice3A_75 : vector<8x1x256xf32> to vector<8x19x256xf32>
    %mul3A_79 = arith.mulf %mul3A_78, %slice3A_76 : vector<8x19x256xf32>
    %broadcast_in_dim3A_80 = vector.shape_cast %slice3A_77 : vector<19x1xf32> to vector<1x19x1xf32>
    %mul3A_81 = vector.broadcast %broadcast_in_dim3A_80 : vector<1x19x1xf32> to vector<8x19x256xf32>
    %mul3A_82 = arith.mulf %mul3A_79, %mul3A_81 : vector<8x19x256xf32>
    %swap3A_83 = arith.constant 0 : index
    %swap3A_84 = arith.constant 135 : index
    %swap3A_85 = arith.constant 0 : index
    %swap3A_86 = vector.load %arg17[%swap3A_83, %swap3A_84, %swap3A_85] : memref<8x325x256xf32, #tpu.memory_space<vmem>>, vector<8x19x256xf32>
    tpu.vector_store %arg17[%swap3A_83, %swap3A_84, %swap3A_85], %mul3A_82 {strides = array<i32>} : memref<8x325x256xf32, #tpu.memory_space<vmem>>, vector<8x19x256xf32>,
    %slice3A_87 = vector.extract_strided_slice %get3A_2 {offsets = [0, 7, 0], sizes = [8, 1, 256], strides = [1, 1, 1]} : vector<8x26x256xf32> to vector<8x1x256xf32>
    %slice3A_88 = vector.extract_strided_slice %get3A_2 {offsets = [0, 8, 0], sizes = [8, 18, 256], strides = [1, 1, 1]} : vector<8x26x256xf32> to vector<8x18x256xf32>
    %slice3A_89 = vector.extract_strided_slice %dot_general3A_6 {offsets = [8, 7], sizes = [18, 1], strides = [1, 1]} : vector<26x26xf32> to vector<18x1xf32>
    %mul3A_90 = vector.broadcast %slice3A_87 : vector<8x1x256xf32> to vector<8x18x256xf32>
    %mul3A_91 = arith.mulf %mul3A_90, %slice3A_88 : vector<8x18x256xf32>
    %broadcast_in_dim3A_92 = vector.shape_cast %slice3A_89 : vector<18x1xf32> to vector<1x18x1xf32>
    %mul3A_93 = vector.broadcast %broadcast_in_dim3A_92 : vector<1x18x1xf32> to vector<8x18x256xf32>
    %mul3A_94 = arith.mulf %mul3A_91, %mul3A_93 : vector<8x18x256xf32>
    %swap3A_95 = arith.constant 0 : index
    %swap3A_96 = arith.constant 154 : index
    %swap3A_97 = arith.constant 0 : index
    %swap3A_98 = vector.load %arg17[%swap3A_95, %swap3A_96, %swap3A_97] : memref<8x325x256xf32, #tpu.memory_space<vmem>>, vector<8x18x256xf32>
    tpu.vector_store %arg17[%swap3A_95, %swap3A_96, %swap3A_97], %mul3A_94 {strides = array<i32>} : memref<8x325x256xf32, #tpu.memory_space<vmem>>, vector<8x18x256xf32>,
    %slice3A_99 = vector.extract_strided_slice %get3A_2 {offsets = [0, 8, 0], sizes = [8, 1, 256], strides = [1, 1, 1]} : vector<8x26x256xf32> to vector<8x1x256xf32>
    %slice3A_100 = vector.extract_strided_slice %get3A_2 {offsets = [0, 9, 0], sizes = [8, 17, 256], strides = [1, 1, 1]} : vector<8x26x256xf32> to vector<8x17x256xf32>
    %slice3A_101 = vector.extract_strided_slice %dot_general3A_6 {offsets = [9, 8], sizes = [17, 1], strides = [1, 1]} : vector<26x26xf32> to vector<17x1xf32>
    %mul3A_102 = vector.broadcast %slice3A_99 : vector<8x1x256xf32> to vector<8x17x256xf32>
    %mul3A_103 = arith.mulf %mul3A_102, %slice3A_100 : vector<8x17x256xf32>
    %broadcast_in_dim3A_104 = vector.shape_cast %slice3A_101 : vector<17x1xf32> to vector<1x17x1xf32>
    %mul3A_105 = vector.broadcast %broadcast_in_dim3A_104 : vector<1x17x1xf32> to vector<8x17x256xf32>
    %mul3A_106 = arith.mulf %mul3A_103, %mul3A_105 : vector<8x17x256xf32>
    %swap3A_107 = arith.constant 0 : index
    %swap3A_108 = arith.constant 172 : index
    %swap3A_109 = arith.constant 0 : index
    %swap3A_110 = vector.load %arg17[%swap3A_107, %swap3A_108, %swap3A_109] : memref<8x325x256xf32, #tpu.memory_space<vmem>>, vector<8x17x256xf32>
    tpu.vector_store %arg17[%swap3A_107, %swap3A_108, %swap3A_109], %mul3A_106 {strides = array<i32>} : memref<8x325x256xf32, #tpu.memory_space<vmem>>, vector<8x17x256xf32>,
    %slice3A_111 = vector.extract_strided_slice %get3A_2 {offsets = [0, 9, 0], sizes = [8, 1, 256], strides = [1, 1, 1]} : vector<8x26x256xf32> to vector<8x1x256xf32>
    %slice3A_112 = vector.extract_strided_slice %get3A_2 {offsets = [0, 10, 0], sizes = [8, 16, 256], strides = [1, 1, 1]} : vector<8x26x256xf32> to vector<8x16x256xf32>
    %slice3A_113 = vector.extract_strided_slice %dot_general3A_6 {offsets = [10, 9], sizes = [16, 1], strides = [1, 1]} : vector<26x26xf32> to vector<16x1xf32>
    %mul3A_114 = vector.broadcast %slice3A_111 : vector<8x1x256xf32> to vector<8x16x256xf32>
    %mul3A_115 = arith.mulf %mul3A_114, %slice3A_112 : vector<8x16x256xf32>
    %broadcast_in_dim3A_116 = vector.shape_cast %slice3A_113 : vector<16x1xf32> to vector<1x16x1xf32>
    %mul3A_117 = vector.broadcast %broadcast_in_dim3A_116 : vector<1x16x1xf32> to vector<8x16x256xf32>
    %mul3A_118 = arith.mulf %mul3A_115, %mul3A_117 : vector<8x16x256xf32>
    %swap3A_119 = arith.constant 0 : index
    %swap3A_120 = arith.constant 189 : index
    %swap3A_121 = arith.constant 0 : index
    %swap3A_122 = vector.load %arg17[%swap3A_119, %swap3A_120, %swap3A_121] : memref<8x325x256xf32, #tpu.memory_space<vmem>>, vector<8x16x256xf32>
    tpu.vector_store %arg17[%swap3A_119, %swap3A_120, %swap3A_121], %mul3A_118 {strides = array<i32>} : memref<8x325x256xf32, #tpu.memory_space<vmem>>, vector<8x16x256xf32>,
    %slice3A_123 = vector.extract_strided_slice %get3A_2 {offsets = [0, 10, 0], sizes = [8, 1, 256], strides = [1, 1, 1]} : vector<8x26x256xf32> to vector<8x1x256xf32>
    %slice3A_124 = vector.extract_strided_slice %get3A_2 {offsets = [0, 11, 0], sizes = [8, 15, 256], strides = [1, 1, 1]} : vector<8x26x256xf32> to vector<8x15x256xf32>
    %slice3A_125 = vector.extract_strided_slice %dot_general3A_6 {offsets = [11, 10], sizes = [15, 1], strides = [1, 1]} : vector<26x26xf32> to vector<15x1xf32>
    %mul3A_126 = vector.broadcast %slice3A_123 : vector<8x1x256xf32> to vector<8x15x256xf32>
    %mul3A_127 = arith.mulf %mul3A_126, %slice3A_124 : vector<8x15x256xf32>
    %broadcast_in_dim3A_128 = vector.shape_cast %slice3A_125 : vector<15x1xf32> to vector<1x15x1xf32>
    %mul3A_129 = vector.broadcast %broadcast_in_dim3A_128 : vector<1x15x1xf32> to vector<8x15x256xf32>
    %mul3A_130 = arith.mulf %mul3A_127, %mul3A_129 : vector<8x15x256xf32>
    %swap3A_131 = arith.constant 0 : index
    %swap3A_132 = arith.constant 205 : index
    %swap3A_133 = arith.constant 0 : index
    %swap3A_134 = vector.load %arg17[%swap3A_131, %swap3A_132, %swap3A_133] : memref<8x325x256xf32, #tpu.memory_space<vmem>>, vector<8x15x256xf32>
    tpu.vector_store %arg17[%swap3A_131, %swap3A_132, %swap3A_133], %mul3A_130 {strides = array<i32>} : memref<8x325x256xf32, #tpu.memory_space<vmem>>, vector<8x15x256xf32>,
    %slice3A_135 = vector.extract_strided_slice %get3A_2 {offsets = [0, 11, 0], sizes = [8, 1, 256], strides = [1, 1, 1]} : vector<8x26x256xf32> to vector<8x1x256xf32>
    %slice3A_136 = vector.extract_strided_slice %get3A_2 {offsets = [0, 12, 0], sizes = [8, 14, 256], strides = [1, 1, 1]} : vector<8x26x256xf32> to vector<8x14x256xf32>
    %slice3A_137 = vector.extract_strided_slice %dot_general3A_6 {offsets = [12, 11], sizes = [14, 1], strides = [1, 1]} : vector<26x26xf32> to vector<14x1xf32>
    %mul3A_138 = vector.broadcast %slice3A_135 : vector<8x1x256xf32> to vector<8x14x256xf32>
    %mul3A_139 = arith.mulf %mul3A_138, %slice3A_136 : vector<8x14x256xf32>
    %broadcast_in_dim3A_140 = vector.shape_cast %slice3A_137 : vector<14x1xf32> to vector<1x14x1xf32>
    %mul3A_141 = vector.broadcast %broadcast_in_dim3A_140 : vector<1x14x1xf32> to vector<8x14x256xf32>
    %mul3A_142 = arith.mulf %mul3A_139, %mul3A_141 : vector<8x14x256xf32>
    %swap3A_143 = arith.constant 0 : index
    %swap3A_144 = arith.constant 220 : index
    %swap3A_145 = arith.constant 0 : index
    %swap3A_146 = vector.load %arg17[%swap3A_143, %swap3A_144, %swap3A_145] : memref<8x325x256xf32, #tpu.memory_space<vmem>>, vector<8x14x256xf32>
    tpu.vector_store %arg17[%swap3A_143, %swap3A_144, %swap3A_145], %mul3A_142 {strides = array<i32>} : memref<8x325x256xf32, #tpu.memory_space<vmem>>, vector<8x14x256xf32>,
    %slice3A_147 = vector.extract_strided_slice %get3A_2 {offsets = [0, 12, 0], sizes = [8, 1, 256], strides = [1, 1, 1]} : vector<8x26x256xf32> to vector<8x1x256xf32>
    %slice3A_148 = vector.extract_strided_slice %get3A_2 {offsets = [0, 13, 0], sizes = [8, 13, 256], strides = [1, 1, 1]} : vector<8x26x256xf32> to vector<8x13x256xf32>
    %slice3A_149 = vector.extract_strided_slice %dot_general3A_6 {offsets = [13, 12], sizes = [13, 1], strides = [1, 1]} : vector<26x26xf32> to vector<13x1xf32>
    %mul3A_150 = vector.broadcast %slice3A_147 : vector<8x1x256xf32> to vector<8x13x256xf32>
    %mul3A_151 = arith.mulf %mul3A_150, %slice3A_148 : vector<8x13x256xf32>
    %broadcast_in_dim3A_152 = vector.shape_cast %slice3A_149 : vector<13x1xf32> to vector<1x13x1xf32>
    %mul3A_153 = vector.broadcast %broadcast_in_dim3A_152 : vector<1x13x1xf32> to vector<8x13x256xf32>
    %mul3A_154 = arith.mulf %mul3A_151, %mul3A_153 : vector<8x13x256xf32>
    %swap3A_155 = arith.constant 0 : index
    %swap3A_156 = arith.constant 234 : index
    %swap3A_157 = arith.constant 0 : index
    %swap3A_158 = vector.load %arg17[%swap3A_155, %swap3A_156, %swap3A_157] : memref<8x325x256xf32, #tpu.memory_space<vmem>>, vector<8x13x256xf32>
    tpu.vector_store %arg17[%swap3A_155, %swap3A_156, %swap3A_157], %mul3A_154 {strides = array<i32>} : memref<8x325x256xf32, #tpu.memory_space<vmem>>, vector<8x13x256xf32>,
    %slice3A_159 = vector.extract_strided_slice %get3A_2 {offsets = [0, 13, 0], sizes = [8, 1, 256], strides = [1, 1, 1]} : vector<8x26x256xf32> to vector<8x1x256xf32>
    %slice3A_160 = vector.extract_strided_slice %get3A_2 {offsets = [0, 14, 0], sizes = [8, 12, 256], strides = [1, 1, 1]} : vector<8x26x256xf32> to vector<8x12x256xf32>
    %slice3A_161 = vector.extract_strided_slice %dot_general3A_6 {offsets = [14, 13], sizes = [12, 1], strides = [1, 1]} : vector<26x26xf32> to vector<12x1xf32>
    %mul3A_162 = vector.broadcast %slice3A_159 : vector<8x1x256xf32> to vector<8x12x256xf32>
    %mul3A_163 = arith.mulf %mul3A_162, %slice3A_160 : vector<8x12x256xf32>
    %broadcast_in_dim3A_164 = vector.shape_cast %slice3A_161 : vector<12x1xf32> to vector<1x12x1xf32>
    %mul3A_165 = vector.broadcast %broadcast_in_dim3A_164 : vector<1x12x1xf32> to vector<8x12x256xf32>
    %mul3A_166 = arith.mulf %mul3A_163, %mul3A_165 : vector<8x12x256xf32>
    %swap3A_167 = arith.constant 0 : index
    %swap3A_168 = arith.constant 247 : index
    %swap3A_169 = arith.constant 0 : index
    %swap3A_170 = vector.load %arg17[%swap3A_167, %swap3A_168, %swap3A_169] : memref<8x325x256xf32, #tpu.memory_space<vmem>>, vector<8x12x256xf32>
    tpu.vector_store %arg17[%swap3A_167, %swap3A_168, %swap3A_169], %mul3A_166 {strides = array<i32>} : memref<8x325x256xf32, #tpu.memory_space<vmem>>, vector<8x12x256xf32>,
    %slice3A_171 = vector.extract_strided_slice %get3A_2 {offsets = [0, 14, 0], sizes = [8, 1, 256], strides = [1, 1, 1]} : vector<8x26x256xf32> to vector<8x1x256xf32>
    %slice3A_172 = vector.extract_strided_slice %get3A_2 {offsets = [0, 15, 0], sizes = [8, 11, 256], strides = [1, 1, 1]} : vector<8x26x256xf32> to vector<8x11x256xf32>
    %slice3A_173 = vector.extract_strided_slice %dot_general3A_6 {offsets = [15, 14], sizes = [11, 1], strides = [1, 1]} : vector<26x26xf32> to vector<11x1xf32>
    %mul3A_174 = vector.broadcast %slice3A_171 : vector<8x1x256xf32> to vector<8x11x256xf32>
    %mul3A_175 = arith.mulf %mul3A_174, %slice3A_172 : vector<8x11x256xf32>
    %broadcast_in_dim3A_176 = vector.shape_cast %slice3A_173 : vector<11x1xf32> to vector<1x11x1xf32>
    %mul3A_177 = vector.broadcast %broadcast_in_dim3A_176 : vector<1x11x1xf32> to vector<8x11x256xf32>
    %mul3A_178 = arith.mulf %mul3A_175, %mul3A_177 : vector<8x11x256xf32>
    %swap3A_179 = arith.constant 0 : index
    %swap3A_180 = arith.constant 259 : index
    %swap3A_181 = arith.constant 0 : index
    %swap3A_182 = vector.load %arg17[%swap3A_179, %swap3A_180, %swap3A_181] : memref<8x325x256xf32, #tpu.memory_space<vmem>>, vector<8x11x256xf32>
    tpu.vector_store %arg17[%swap3A_179, %swap3A_180, %swap3A_181], %mul3A_178 {strides = array<i32>} : memref<8x325x256xf32, #tpu.memory_space<vmem>>, vector<8x11x256xf32>,
    %slice3A_183 = vector.extract_strided_slice %get3A_2 {offsets = [0, 15, 0], sizes = [8, 1, 256], strides = [1, 1, 1]} : vector<8x26x256xf32> to vector<8x1x256xf32>
    %slice3A_184 = vector.extract_strided_slice %get3A_2 {offsets = [0, 16, 0], sizes = [8, 10, 256], strides = [1, 1, 1]} : vector<8x26x256xf32> to vector<8x10x256xf32>
    %slice3A_185 = vector.extract_strided_slice %dot_general3A_6 {offsets = [16, 15], sizes = [10, 1], strides = [1, 1]} : vector<26x26xf32> to vector<10x1xf32>
    %mul3A_186 = vector.broadcast %slice3A_183 : vector<8x1x256xf32> to vector<8x10x256xf32>
    %mul3A_187 = arith.mulf %mul3A_186, %slice3A_184 : vector<8x10x256xf32>
    %broadcast_in_dim3A_188 = vector.shape_cast %slice3A_185 : vector<10x1xf32> to vector<1x10x1xf32>
    %mul3A_189 = vector.broadcast %broadcast_in_dim3A_188 : vector<1x10x1xf32> to vector<8x10x256xf32>
    %mul3A_190 = arith.mulf %mul3A_187, %mul3A_189 : vector<8x10x256xf32>
    %swap3A_191 = arith.constant 0 : index
    %swap3A_192 = arith.constant 270 : index
    %swap3A_193 = arith.constant 0 : index
    %swap3A_194 = vector.load %arg17[%swap3A_191, %swap3A_192, %swap3A_193] : memref<8x325x256xf32, #tpu.memory_space<vmem>>, vector<8x10x256xf32>
    tpu.vector_store %arg17[%swap3A_191, %swap3A_192, %swap3A_193], %mul3A_190 {strides = array<i32>} : memref<8x325x256xf32, #tpu.memory_space<vmem>>, vector<8x10x256xf32>,
    %slice3A_195 = vector.extract_strided_slice %get3A_2 {offsets = [0, 16, 0], sizes = [8, 1, 256], strides = [1, 1, 1]} : vector<8x26x256xf32> to vector<8x1x256xf32>
    %slice3A_196 = vector.extract_strided_slice %get3A_2 {offsets = [0, 17, 0], sizes = [8, 9, 256], strides = [1, 1, 1]} : vector<8x26x256xf32> to vector<8x9x256xf32>
    %slice3A_197 = vector.extract_strided_slice %dot_general3A_6 {offsets = [17, 16], sizes = [9, 1], strides = [1, 1]} : vector<26x26xf32> to vector<9x1xf32>
    %mul3A_198 = vector.broadcast %slice3A_195 : vector<8x1x256xf32> to vector<8x9x256xf32>
    %mul3A_199 = arith.mulf %mul3A_198, %slice3A_196 : vector<8x9x256xf32>
    %broadcast_in_dim3A_200 = vector.shape_cast %slice3A_197 : vector<9x1xf32> to vector<1x9x1xf32>
    %mul3A_201 = vector.broadcast %broadcast_in_dim3A_200 : vector<1x9x1xf32> to vector<8x9x256xf32>
    %mul3A_202 = arith.mulf %mul3A_199, %mul3A_201 : vector<8x9x256xf32>
    %swap3A_203 = arith.constant 0 : index
    %swap3A_204 = arith.constant 280 : index
    %swap3A_205 = arith.constant 0 : index
    %swap3A_206 = vector.load %arg17[%swap3A_203, %swap3A_204, %swap3A_205] : memref<8x325x256xf32, #tpu.memory_space<vmem>>, vector<8x9x256xf32>
    tpu.vector_store %arg17[%swap3A_203, %swap3A_204, %swap3A_205], %mul3A_202 {strides = array<i32>} : memref<8x325x256xf32, #tpu.memory_space<vmem>>, vector<8x9x256xf32>,
    %slice3A_207 = vector.extract_strided_slice %get3A_2 {offsets = [0, 17, 0], sizes = [8, 1, 256], strides = [1, 1, 1]} : vector<8x26x256xf32> to vector<8x1x256xf32>
    %slice3A_208 = vector.extract_strided_slice %get3A_2 {offsets = [0, 18, 0], sizes = [8, 8, 256], strides = [1, 1, 1]} : vector<8x26x256xf32> to vector<8x8x256xf32>
    %slice3A_209 = vector.extract_strided_slice %dot_general3A_6 {offsets = [18, 17], sizes = [8, 1], strides = [1, 1]} : vector<26x26xf32> to vector<8x1xf32>
    %mul3A_210 = vector.broadcast %slice3A_207 : vector<8x1x256xf32> to vector<8x8x256xf32>
    %mul3A_211 = arith.mulf %mul3A_210, %slice3A_208 : vector<8x8x256xf32>
    %broadcast_in_dim3A_212 = vector.shape_cast %slice3A_209 : vector<8x1xf32> to vector<1x8x1xf32>
    %mul3A_213 = vector.broadcast %broadcast_in_dim3A_212 : vector<1x8x1xf32> to vector<8x8x256xf32>
    %mul3A_214 = arith.mulf %mul3A_211, %mul3A_213 : vector<8x8x256xf32>
    %swap3A_215 = arith.constant 0 : index
    %swap3A_216 = arith.constant 289 : index
    %swap3A_217 = arith.constant 0 : index
    %swap3A_218 = vector.load %arg17[%swap3A_215, %swap3A_216, %swap3A_217] : memref<8x325x256xf32, #tpu.memory_space<vmem>>, vector<8x8x256xf32>
    tpu.vector_store %arg17[%swap3A_215, %swap3A_216, %swap3A_217], %mul3A_214 {strides = array<i32>} : memref<8x325x256xf32, #tpu.memory_space<vmem>>, vector<8x8x256xf32>,
    %slice3A_219 = vector.extract_strided_slice %get3A_2 {offsets = [0, 18, 0], sizes = [8, 1, 256], strides = [1, 1, 1]} : vector<8x26x256xf32> to vector<8x1x256xf32>
    %slice3A_220 = vector.extract_strided_slice %get3A_2 {offsets = [0, 19, 0], sizes = [8, 7, 256], strides = [1, 1, 1]} : vector<8x26x256xf32> to vector<8x7x256xf32>
    %slice3A_221 = vector.extract_strided_slice %dot_general3A_6 {offsets = [19, 18], sizes = [7, 1], strides = [1, 1]} : vector<26x26xf32> to vector<7x1xf32>
    %mul3A_222 = vector.broadcast %slice3A_219 : vector<8x1x256xf32> to vector<8x7x256xf32>
    %mul3A_223 = arith.mulf %mul3A_222, %slice3A_220 : vector<8x7x256xf32>
    %broadcast_in_dim3A_224 = vector.shape_cast %slice3A_221 : vector<7x1xf32> to vector<1x7x1xf32>
    %mul3A_225 = vector.broadcast %broadcast_in_dim3A_224 : vector<1x7x1xf32> to vector<8x7x256xf32>
    %mul3A_226 = arith.mulf %mul3A_223, %mul3A_225 : vector<8x7x256xf32>
    %swap3A_227 = arith.constant 0 : index
    %swap3A_228 = arith.constant 297 : index
    %swap3A_229 = arith.constant 0 : index
    %swap3A_230 = vector.load %arg17[%swap3A_227, %swap3A_228, %swap3A_229] : memref<8x325x256xf32, #tpu.memory_space<vmem>>, vector<8x7x256xf32>
    tpu.vector_store %arg17[%swap3A_227, %swap3A_228, %swap3A_229], %mul3A_226 {strides = array<i32>} : memref<8x325x256xf32, #tpu.memory_space<vmem>>, vector<8x7x256xf32>,
    %slice3A_231 = vector.extract_strided_slice %get3A_2 {offsets = [0, 19, 0], sizes = [8, 1, 256], strides = [1, 1, 1]} : vector<8x26x256xf32> to vector<8x1x256xf32>
    %slice3A_232 = vector.extract_strided_slice %get3A_2 {offsets = [0, 20, 0], sizes = [8, 6, 256], strides = [1, 1, 1]} : vector<8x26x256xf32> to vector<8x6x256xf32>
    %slice3A_233 = vector.extract_strided_slice %dot_general3A_6 {offsets = [20, 19], sizes = [6, 1], strides = [1, 1]} : vector<26x26xf32> to vector<6x1xf32>
    %mul3A_234 = vector.broadcast %slice3A_231 : vector<8x1x256xf32> to vector<8x6x256xf32>
    %mul3A_235 = arith.mulf %mul3A_234, %slice3A_232 : vector<8x6x256xf32>
    %broadcast_in_dim3A_236 = vector.shape_cast %slice3A_233 : vector<6x1xf32> to vector<1x6x1xf32>
    %mul3A_237 = vector.broadcast %broadcast_in_dim3A_236 : vector<1x6x1xf32> to vector<8x6x256xf32>
    %mul3A_238 = arith.mulf %mul3A_235, %mul3A_237 : vector<8x6x256xf32>
    %swap3A_239 = arith.constant 0 : index
    %swap3A_240 = arith.constant 304 : index
    %swap3A_241 = arith.constant 0 : index
    %swap3A_242 = vector.load %arg17[%swap3A_239, %swap3A_240, %swap3A_241] : memref<8x325x256xf32, #tpu.memory_space<vmem>>, vector<8x6x256xf32>
    tpu.vector_store %arg17[%swap3A_239, %swap3A_240, %swap3A_241], %mul3A_238 {strides = array<i32>} : memref<8x325x256xf32, #tpu.memory_space<vmem>>, vector<8x6x256xf32>,
    %slice3A_243 = vector.extract_strided_slice %get3A_2 {offsets = [0, 20, 0], sizes = [8, 1, 256], strides = [1, 1, 1]} : vector<8x26x256xf32> to vector<8x1x256xf32>
    %slice3A_244 = vector.extract_strided_slice %get3A_2 {offsets = [0, 21, 0], sizes = [8, 5, 256], strides = [1, 1, 1]} : vector<8x26x256xf32> to vector<8x5x256xf32>
    %slice3A_245 = vector.extract_strided_slice %dot_general3A_6 {offsets = [21, 20], sizes = [5, 1], strides = [1, 1]} : vector<26x26xf32> to vector<5x1xf32>
    %mul3A_246 = vector.broadcast %slice3A_243 : vector<8x1x256xf32> to vector<8x5x256xf32>
    %mul3A_247 = arith.mulf %mul3A_246, %slice3A_244 : vector<8x5x256xf32>
    %broadcast_in_dim3A_248 = vector.shape_cast %slice3A_245 : vector<5x1xf32> to vector<1x5x1xf32>
    %mul3A_249 = vector.broadcast %broadcast_in_dim3A_248 : vector<1x5x1xf32> to vector<8x5x256xf32>
    %mul3A_250 = arith.mulf %mul3A_247, %mul3A_249 : vector<8x5x256xf32>
    %swap3A_251 = arith.constant 0 : index
    %swap3A_252 = arith.constant 310 : index
    %swap3A_253 = arith.constant 0 : index
    %swap3A_254 = vector.load %arg17[%swap3A_251, %swap3A_252, %swap3A_253] : memref<8x325x256xf32, #tpu.memory_space<vmem>>, vector<8x5x256xf32>
    tpu.vector_store %arg17[%swap3A_251, %swap3A_252, %swap3A_253], %mul3A_250 {strides = array<i32>} : memref<8x325x256xf32, #tpu.memory_space<vmem>>, vector<8x5x256xf32>,
    %slice3A_255 = vector.extract_strided_slice %get3A_2 {offsets = [0, 21, 0], sizes = [8, 1, 256], strides = [1, 1, 1]} : vector<8x26x256xf32> to vector<8x1x256xf32>
    %slice3A_256 = vector.extract_strided_slice %get3A_2 {offsets = [0, 22, 0], sizes = [8, 4, 256], strides = [1, 1, 1]} : vector<8x26x256xf32> to vector<8x4x256xf32>
    %slice3A_257 = vector.extract_strided_slice %dot_general3A_6 {offsets = [22, 21], sizes = [4, 1], strides = [1, 1]} : vector<26x26xf32> to vector<4x1xf32>
    %mul3A_258 = vector.broadcast %slice3A_255 : vector<8x1x256xf32> to vector<8x4x256xf32>
    %mul3A_259 = arith.mulf %mul3A_258, %slice3A_256 : vector<8x4x256xf32>
    %broadcast_in_dim3A_260 = vector.shape_cast %slice3A_257 : vector<4x1xf32> to vector<1x4x1xf32>
    %mul3A_261 = vector.broadcast %broadcast_in_dim3A_260 : vector<1x4x1xf32> to vector<8x4x256xf32>
    %mul3A_262 = arith.mulf %mul3A_259, %mul3A_261 : vector<8x4x256xf32>
    %swap3A_263 = arith.constant 0 : index
    %swap3A_264 = arith.constant 315 : index
    %swap3A_265 = arith.constant 0 : index
    %swap3A_266 = vector.load %arg17[%swap3A_263, %swap3A_264, %swap3A_265] : memref<8x325x256xf32, #tpu.memory_space<vmem>>, vector<8x4x256xf32>
    tpu.vector_store %arg17[%swap3A_263, %swap3A_264, %swap3A_265], %mul3A_262 {strides = array<i32>} : memref<8x325x256xf32, #tpu.memory_space<vmem>>, vector<8x4x256xf32>,
    %slice3A_267 = vector.extract_strided_slice %get3A_2 {offsets = [0, 22, 0], sizes = [8, 1, 256], strides = [1, 1, 1]} : vector<8x26x256xf32> to vector<8x1x256xf32>
    %slice3A_268 = vector.extract_strided_slice %get3A_2 {offsets = [0, 23, 0], sizes = [8, 3, 256], strides = [1, 1, 1]} : vector<8x26x256xf32> to vector<8x3x256xf32>
    %slice3A_269 = vector.extract_strided_slice %dot_general3A_6 {offsets = [23, 22], sizes = [3, 1], strides = [1, 1]} : vector<26x26xf32> to vector<3x1xf32>
    %mul3A_270 = vector.broadcast %slice3A_267 : vector<8x1x256xf32> to vector<8x3x256xf32>
    %mul3A_271 = arith.mulf %mul3A_270, %slice3A_268 : vector<8x3x256xf32>
    %broadcast_in_dim3A_272 = vector.shape_cast %slice3A_269 : vector<3x1xf32> to vector<1x3x1xf32>
    %mul3A_273 = vector.broadcast %broadcast_in_dim3A_272 : vector<1x3x1xf32> to vector<8x3x256xf32>
    %mul3A_274 = arith.mulf %mul3A_271, %mul3A_273 : vector<8x3x256xf32>
    %swap3A_275 = arith.constant 0 : index
    %swap3A_276 = arith.constant 319 : index
    %swap3A_277 = arith.constant 0 : index
    %swap3A_278 = vector.load %arg17[%swap3A_275, %swap3A_276, %swap3A_277] : memref<8x325x256xf32, #tpu.memory_space<vmem>>, vector<8x3x256xf32>
    tpu.vector_store %arg17[%swap3A_275, %swap3A_276, %swap3A_277], %mul3A_274 {strides = array<i32>} : memref<8x325x256xf32, #tpu.memory_space<vmem>>, vector<8x3x256xf32>,
    %slice3A_279 = vector.extract_strided_slice %get3A_2 {offsets = [0, 23, 0], sizes = [8, 1, 256], strides = [1, 1, 1]} : vector<8x26x256xf32> to vector<8x1x256xf32>
    %slice3A_280 = vector.extract_strided_slice %get3A_2 {offsets = [0, 24, 0], sizes = [8, 2, 256], strides = [1, 1, 1]} : vector<8x26x256xf32> to vector<8x2x256xf32>
    %slice3A_281 = vector.extract_strided_slice %dot_general3A_6 {offsets = [24, 23], sizes = [2, 1], strides = [1, 1]} : vector<26x26xf32> to vector<2x1xf32>
    %mul3A_282 = vector.broadcast %slice3A_279 : vector<8x1x256xf32> to vector<8x2x256xf32>
    %mul3A_283 = arith.mulf %mul3A_282, %slice3A_280 : vector<8x2x256xf32>
    %broadcast_in_dim3A_284 = vector.shape_cast %slice3A_281 : vector<2x1xf32> to vector<1x2x1xf32>
    %mul3A_285 = vector.broadcast %broadcast_in_dim3A_284 : vector<1x2x1xf32> to vector<8x2x256xf32>
    %mul3A_286 = arith.mulf %mul3A_283, %mul3A_285 : vector<8x2x256xf32>
    %swap3A_287 = arith.constant 0 : index
    %swap3A_288 = arith.constant 322 : index
    %swap3A_289 = arith.constant 0 : index
    %swap3A_290 = vector.load %arg17[%swap3A_287, %swap3A_288, %swap3A_289] : memref<8x325x256xf32, #tpu.memory_space<vmem>>, vector<8x2x256xf32>
    tpu.vector_store %arg17[%swap3A_287, %swap3A_288, %swap3A_289], %mul3A_286 {strides = array<i32>} : memref<8x325x256xf32, #tpu.memory_space<vmem>>, vector<8x2x256xf32>,
    %slice3A_291 = vector.extract_strided_slice %get3A_2 {offsets = [0, 24, 0], sizes = [8, 1, 256], strides = [1, 1, 1]} : vector<8x26x256xf32> to vector<8x1x256xf32>
    %slice3A_292 = vector.extract_strided_slice %get3A_2 {offsets = [0, 25, 0], sizes = [8, 1, 256], strides = [1, 1, 1]} : vector<8x26x256xf32> to vector<8x1x256xf32>
    %slice3A_293 = vector.extract_strided_slice %dot_general3A_6 {offsets = [25, 24], sizes = [1, 1], strides = [1, 1]} : vector<26x26xf32> to vector<1x1xf32>
    %mul3A_294 = arith.mulf %slice3A_291, %slice3A_292 : vector<8x1x256xf32>
    %broadcast_in_dim3A_295 = vector.shape_cast %slice3A_293 : vector<1x1xf32> to vector<1x1x1xf32>
    %mul3A_296 = vector.broadcast %broadcast_in_dim3A_295 : vector<1x1x1xf32> to vector<8x1x256xf32>
    %mul3A_297 = arith.mulf %mul3A_294, %mul3A_296 : vector<8x1x256xf32>
    %swap3A_298 = arith.constant 0 : index
    %swap3A_299 = arith.constant 324 : index
    %swap3A_300 = arith.constant 0 : index
    %swap3A_301 = vector.load %arg17[%swap3A_298, %swap3A_299, %swap3A_300] : memref<8x325x256xf32, #tpu.memory_space<vmem>>, vector<8x1x256xf32>
    tpu.vector_store %arg17[%swap3A_298, %swap3A_299, %swap3A_300], %mul3A_297 {strides = array<i32>} : memref<8x325x256xf32, #tpu.memory_space<vmem>>, vector<8x1x256xf32>,
    %get3A_302 = arith.constant 0 : index
    %get3A_303 = memref.load %arg5[%get3A_302] : memref<4xf32, #tpu.memory_space<smem>>
    %broadcast_in_dim3A_304 = vector.broadcast %get3A_303 : f32 to vector<325x256xf32>
    %get3A_305 = arith.constant 0 : index
    %get3A_306 = arith.constant 0 : index
    %get3A_307 = arith.constant 0 : index
    %get3A_308 = vector.load %arg17[%get3A_305, %get3A_306, %get3A_307] : memref<8x325x256xf32, #tpu.memory_space<vmem>>, vector<1x325x256xf32>
    %get3A_309 = vector.shape_cast %get3A_308 : vector<1x325x256xf32> to vector<325x256xf32>
    %get3A_310 = arith.constant 0 : index
    %get3A_311 = arith.constant 0 : index
    %get3A_312 = memref.load %arg4[%get3A_310, %get3A_311] : memref<8x4xf32, #tpu.memory_space<smem>>
    %mul3A_313 = vector.broadcast %get3A_312 : f32 to vector<325x256xf32>
    %mul3A_314 = arith.mulf %get3A_309, %mul3A_313 : vector<325x256xf32>
    %add3A = arith.addf %broadcast_in_dim3A_304, %mul3A_314 : vector<325x256xf32>
    %get3A_315 = arith.constant 1 : index
    %get3A_316 = arith.constant 0 : index
    %get3A_317 = arith.constant 0 : index
    %get3A_318 = vector.load %arg17[%get3A_315, %get3A_316, %get3A_317] : memref<8x325x256xf32, #tpu.memory_space<vmem>>, vector<1x325x256xf32>
    %get3A_319 = vector.shape_cast %get3A_318 : vector<1x325x256xf32> to vector<325x256xf32>
    %get3A_320 = arith.constant 1 : index
    %get3A_321 = arith.constant 0 : index
    %get3A_322 = memref.load %arg4[%get3A_320, %get3A_321] : memref<8x4xf32, #tpu.memory_space<smem>>
    %mul3A_323 = vector.broadcast %get3A_322 : f32 to vector<325x256xf32>
    %mul3A_324 = arith.mulf %get3A_319, %mul3A_323 : vector<325x256xf32>
    %add3A_325 = arith.addf %add3A, %mul3A_324 : vector<325x256xf32>
    %get3A_326 = arith.constant 2 : index
    %get3A_327 = arith.constant 0 : index
    %get3A_328 = arith.constant 0 : index
    %get3A_329 = vector.load %arg17[%get3A_326, %get3A_327, %get3A_328] : memref<8x325x256xf32, #tpu.memory_space<vmem>>, vector<1x325x256xf32>
    %get3A_330 = vector.shape_cast %get3A_329 : vector<1x325x256xf32> to vector<325x256xf32>
    %get3A_331 = arith.constant 2 : index
    %get3A_332 = arith.constant 0 : index
    %get3A_333 = memref.load %arg4[%get3A_331, %get3A_332] : memref<8x4xf32, #tpu.memory_space<smem>>
    %mul3A_334 = vector.broadcast %get3A_333 : f32 to vector<325x256xf32>
    %mul3A_335 = arith.mulf %get3A_330, %mul3A_334 : vector<325x256xf32>
    %add3A_336 = arith.addf %add3A_325, %mul3A_335 : vector<325x256xf32>
    %get3A_337 = arith.constant 3 : index
    %get3A_338 = arith.constant 0 : index
    %get3A_339 = arith.constant 0 : index
    %get3A_340 = vector.load %arg17[%get3A_337, %get3A_338, %get3A_339] : memref<8x325x256xf32, #tpu.memory_space<vmem>>, vector<1x325x256xf32>
    %get3A_341 = vector.shape_cast %get3A_340 : vector<1x325x256xf32> to vector<325x256xf32>
    %get3A_342 = arith.constant 3 : index
    %get3A_343 = arith.constant 0 : index
    %get3A_344 = memref.load %arg4[%get3A_342, %get3A_343] : memref<8x4xf32, #tpu.memory_space<smem>>
    %mul3A_345 = vector.broadcast %get3A_344 : f32 to vector<325x256xf32>
    %mul3A_346 = arith.mulf %get3A_341, %mul3A_345 : vector<325x256xf32>
    %add3A_347 = arith.addf %add3A_336, %mul3A_346 : vector<325x256xf32>
    %get3A_348 = arith.constant 4 : index
    %get3A_349 = arith.constant 0 : index
    %get3A_350 = arith.constant 0 : index
    %get3A_351 = vector.load %arg17[%get3A_348, %get3A_349, %get3A_350] : memref<8x325x256xf32, #tpu.memory_space<vmem>>, vector<1x325x256xf32>
    %get3A_352 = vector.shape_cast %get3A_351 : vector<1x325x256xf32> to vector<325x256xf32>
    %get3A_353 = arith.constant 4 : index
    %get3A_354 = arith.constant 0 : index
    %get3A_355 = memref.load %arg4[%get3A_353, %get3A_354] : memref<8x4xf32, #tpu.memory_space<smem>>
    %mul3A_356 = vector.broadcast %get3A_355 : f32 to vector<325x256xf32>
    %mul3A_357 = arith.mulf %get3A_352, %mul3A_356 : vector<325x256xf32>
    %add3A_358 = arith.addf %add3A_347, %mul3A_357 : vector<325x256xf32>
    %get3A_359 = arith.constant 5 : index
    %get3A_360 = arith.constant 0 : index
    %get3A_361 = arith.constant 0 : index
    %get3A_362 = vector.load %arg17[%get3A_359, %get3A_360, %get3A_361] : memref<8x325x256xf32, #tpu.memory_space<vmem>>, vector<1x325x256xf32>
    %get3A_363 = vector.shape_cast %get3A_362 : vector<1x325x256xf32> to vector<325x256xf32>
    %get3A_364 = arith.constant 5 : index
    %get3A_365 = arith.constant 0 : index
    %get3A_366 = memref.load %arg4[%get3A_364, %get3A_365] : memref<8x4xf32, #tpu.memory_space<smem>>
    %mul3A_367 = vector.broadcast %get3A_366 : f32 to vector<325x256xf32>
    %mul3A_368 = arith.mulf %get3A_363, %mul3A_367 : vector<325x256xf32>
    %add3A_369 = arith.addf %add3A_358, %mul3A_368 : vector<325x256xf32>
    %get3A_370 = arith.constant 6 : index
    %get3A_371 = arith.constant 0 : index
    %get3A_372 = arith.constant 0 : index
    %get3A_373 = vector.load %arg17[%get3A_370, %get3A_371, %get3A_372] : memref<8x325x256xf32, #tpu.memory_space<vmem>>, vector<1x325x256xf32>
    %get3A_374 = vector.shape_cast %get3A_373 : vector<1x325x256xf32> to vector<325x256xf32>
    %get3A_375 = arith.constant 6 : index
    %get3A_376 = arith.constant 0 : index
    %get3A_377 = memref.load %arg4[%get3A_375, %get3A_376] : memref<8x4xf32, #tpu.memory_space<smem>>
    %mul3A_378 = vector.broadcast %get3A_377 : f32 to vector<325x256xf32>
    %mul3A_379 = arith.mulf %get3A_374, %mul3A_378 : vector<325x256xf32>
    %add3A_380 = arith.addf %add3A_369, %mul3A_379 : vector<325x256xf32>
    %get3A_381 = arith.constant 7 : index
    %get3A_382 = arith.constant 0 : index
    %get3A_383 = arith.constant 0 : index
    %get3A_384 = vector.load %arg17[%get3A_381, %get3A_382, %get3A_383] : memref<8x325x256xf32, #tpu.memory_space<vmem>>, vector<1x325x256xf32>
    %get3A_385 = vector.shape_cast %get3A_384 : vector<1x325x256xf32> to vector<325x256xf32>
    %get3A_386 = arith.constant 7 : index
    %get3A_387 = arith.constant 0 : index
    %get3A_388 = memref.load %arg4[%get3A_386, %get3A_387] : memref<8x4xf32, #tpu.memory_space<smem>>
    %mul3A_389 = vector.broadcast %get3A_388 : f32 to vector<325x256xf32>
    %mul3A_390 = arith.mulf %get3A_385, %mul3A_389 : vector<325x256xf32>
    %add3A_391 = arith.addf %add3A_380, %mul3A_390 : vector<325x256xf32>
    %max3A = arith.constant 0.000000e+00 : f32
    %max3A_392 = vector.broadcast %max3A : f32 to vector<325x256xf32>
    %max3A_393 = arith.maximumf %add3A_391, %max3A_392 : vector<325x256xf32>
    %get3A_394 = arith.constant 0 : index
    %get3A_395 = arith.constant 0 : index
    %get3A_396 = memref.load %arg6[%get3A_394, %get3A_395] : memref<4x1xf32, #tpu.memory_space<smem>>
    %mul3A_397 = vector.broadcast %get3A_396 : f32 to vector<325x256xf32>
    %mul3A_398 = arith.mulf %max3A_393, %mul3A_397 : vector<325x256xf32>
    %get3A_399 = arith.constant 1 : index
    %get3A_400 = memref.load %arg5[%get3A_399] : memref<4xf32, #tpu.memory_space<smem>>
    %broadcast_in_dim3A_401 = vector.broadcast %get3A_400 : f32 to vector<325x256xf32>
    %get3A_402 = arith.constant 0 : index
    %get3A_403 = arith.constant 0 : index
    %get3A_404 = arith.constant 0 : index
    %get3A_405 = vector.load %arg17[%get3A_402, %get3A_403, %get3A_404] : memref<8x325x256xf32, #tpu.memory_space<vmem>>, vector<1x325x256xf32>
    %get3A_406 = vector.shape_cast %get3A_405 : vector<1x325x256xf32> to vector<325x256xf32>
    %get3A_407 = arith.constant 0 : index
    %get3A_408 = arith.constant 1 : index
    %get3A_409 = memref.load %arg4[%get3A_407, %get3A_408] : memref<8x4xf32, #tpu.memory_space<smem>>
    %mul3A_410 = vector.broadcast %get3A_409 : f32 to vector<325x256xf32>
    %mul3A_411 = arith.mulf %get3A_406, %mul3A_410 : vector<325x256xf32>
    %add3A_412 = arith.addf %broadcast_in_dim3A_401, %mul3A_411 : vector<325x256xf32>
    %get3A_413 = arith.constant 1 : index
    %get3A_414 = arith.constant 0 : index
    %get3A_415 = arith.constant 0 : index
    %get3A_416 = vector.load %arg17[%get3A_413, %get3A_414, %get3A_415] : memref<8x325x256xf32, #tpu.memory_space<vmem>>, vector<1x325x256xf32>
    %get3A_417 = vector.shape_cast %get3A_416 : vector<1x325x256xf32> to vector<325x256xf32>
    %get3A_418 = arith.constant 1 : index
    %get3A_419 = arith.constant 1 : index
    %get3A_420 = memref.load %arg4[%get3A_418, %get3A_419] : memref<8x4xf32, #tpu.memory_space<smem>>
    %mul3A_421 = vector.broadcast %get3A_420 : f32 to vector<325x256xf32>
    %mul3A_422 = arith.mulf %get3A_417, %mul3A_421 : vector<325x256xf32>
    %add3A_423 = arith.addf %add3A_412, %mul3A_422 : vector<325x256xf32>
    %get3A_424 = arith.constant 2 : index
    %get3A_425 = arith.constant 0 : index
    %get3A_426 = arith.constant 0 : index
    %get3A_427 = vector.load %arg17[%get3A_424, %get3A_425, %get3A_426] : memref<8x325x256xf32, #tpu.memory_space<vmem>>, vector<1x325x256xf32>
    %get3A_428 = vector.shape_cast %get3A_427 : vector<1x325x256xf32> to vector<325x256xf32>
    %get3A_429 = arith.constant 2 : index
    %get3A_430 = arith.constant 1 : index
    %get3A_431 = memref.load %arg4[%get3A_429, %get3A_430] : memref<8x4xf32, #tpu.memory_space<smem>>
    %mul3A_432 = vector.broadcast %get3A_431 : f32 to vector<325x256xf32>
    %mul3A_433 = arith.mulf %get3A_428, %mul3A_432 : vector<325x256xf32>
    %add3A_434 = arith.addf %add3A_423, %mul3A_433 : vector<325x256xf32>
    %get3A_435 = arith.constant 3 : index
    %get3A_436 = arith.constant 0 : index
    %get3A_437 = arith.constant 0 : index
    %get3A_438 = vector.load %arg17[%get3A_435, %get3A_436, %get3A_437] : memref<8x325x256xf32, #tpu.memory_space<vmem>>, vector<1x325x256xf32>
    %get3A_439 = vector.shape_cast %get3A_438 : vector<1x325x256xf32> to vector<325x256xf32>
    %get3A_440 = arith.constant 3 : index
    %get3A_441 = arith.constant 1 : index
    %get3A_442 = memref.load %arg4[%get3A_440, %get3A_441] : memref<8x4xf32, #tpu.memory_space<smem>>
    %mul3A_443 = vector.broadcast %get3A_442 : f32 to vector<325x256xf32>
    %mul3A_444 = arith.mulf %get3A_439, %mul3A_443 : vector<325x256xf32>
    %add3A_445 = arith.addf %add3A_434, %mul3A_444 : vector<325x256xf32>
    %get3A_446 = arith.constant 4 : index
    %get3A_447 = arith.constant 0 : index
    %get3A_448 = arith.constant 0 : index
    %get3A_449 = vector.load %arg17[%get3A_446, %get3A_447, %get3A_448] : memref<8x325x256xf32, #tpu.memory_space<vmem>>, vector<1x325x256xf32>
    %get3A_450 = vector.shape_cast %get3A_449 : vector<1x325x256xf32> to vector<325x256xf32>
    %get3A_451 = arith.constant 4 : index
    %get3A_452 = arith.constant 1 : index
    %get3A_453 = memref.load %arg4[%get3A_451, %get3A_452] : memref<8x4xf32, #tpu.memory_space<smem>>
    %mul3A_454 = vector.broadcast %get3A_453 : f32 to vector<325x256xf32>
    %mul3A_455 = arith.mulf %get3A_450, %mul3A_454 : vector<325x256xf32>
    %add3A_456 = arith.addf %add3A_445, %mul3A_455 : vector<325x256xf32>
    %get3A_457 = arith.constant 5 : index
    %get3A_458 = arith.constant 0 : index
    %get3A_459 = arith.constant 0 : index
    %get3A_460 = vector.load %arg17[%get3A_457, %get3A_458, %get3A_459] : memref<8x325x256xf32, #tpu.memory_space<vmem>>, vector<1x325x256xf32>
    %get3A_461 = vector.shape_cast %get3A_460 : vector<1x325x256xf32> to vector<325x256xf32>
    %get3A_462 = arith.constant 5 : index
    %get3A_463 = arith.constant 1 : index
    %get3A_464 = memref.load %arg4[%get3A_462, %get3A_463] : memref<8x4xf32, #tpu.memory_space<smem>>
    %mul3A_465 = vector.broadcast %get3A_464 : f32 to vector<325x256xf32>
    %mul3A_466 = arith.mulf %get3A_461, %mul3A_465 : vector<325x256xf32>
    %add3A_467 = arith.addf %add3A_456, %mul3A_466 : vector<325x256xf32>
    %get3A_468 = arith.constant 6 : index
    %get3A_469 = arith.constant 0 : index
    %get3A_470 = arith.constant 0 : index
    %get3A_471 = vector.load %arg17[%get3A_468, %get3A_469, %get3A_470] : memref<8x325x256xf32, #tpu.memory_space<vmem>>, vector<1x325x256xf32>
    %get3A_472 = vector.shape_cast %get3A_471 : vector<1x325x256xf32> to vector<325x256xf32>
    %get3A_473 = arith.constant 6 : index
    %get3A_474 = arith.constant 1 : index
    %get3A_475 = memref.load %arg4[%get3A_473, %get3A_474] : memref<8x4xf32, #tpu.memory_space<smem>>
    %mul3A_476 = vector.broadcast %get3A_475 : f32 to vector<325x256xf32>
    %mul3A_477 = arith.mulf %get3A_472, %mul3A_476 : vector<325x256xf32>
    %add3A_478 = arith.addf %add3A_467, %mul3A_477 : vector<325x256xf32>
    %get3A_479 = arith.constant 7 : index
    %get3A_480 = arith.constant 0 : index
    %get3A_481 = arith.constant 0 : index
    %get3A_482 = vector.load %arg17[%get3A_479, %get3A_480, %get3A_481] : memref<8x325x256xf32, #tpu.memory_space<vmem>>, vector<1x325x256xf32>
    %get3A_483 = vector.shape_cast %get3A_482 : vector<1x325x256xf32> to vector<325x256xf32>
    %get3A_484 = arith.constant 7 : index
    %get3A_485 = arith.constant 1 : index
    %get3A_486 = memref.load %arg4[%get3A_484, %get3A_485] : memref<8x4xf32, #tpu.memory_space<smem>>
    %mul3A_487 = vector.broadcast %get3A_486 : f32 to vector<325x256xf32>
    %mul3A_488 = arith.mulf %get3A_483, %mul3A_487 : vector<325x256xf32>
    %add3A_489 = arith.addf %add3A_478, %mul3A_488 : vector<325x256xf32>
    %max3A_490 = arith.constant 0.000000e+00 : f32
    %max3A_491 = vector.broadcast %max3A_490 : f32 to vector<325x256xf32>
    %max3A_492 = arith.maximumf %add3A_489, %max3A_491 : vector<325x256xf32>
    %get3A_493 = arith.constant 1 : index
    %get3A_494 = arith.constant 0 : index
    %get3A_495 = memref.load %arg6[%get3A_493, %get3A_494] : memref<4x1xf32, #tpu.memory_space<smem>>
    %mul3A_496 = vector.broadcast %get3A_495 : f32 to vector<325x256xf32>
    %mul3A_497 = arith.mulf %max3A_492, %mul3A_496 : vector<325x256xf32>
    %add3A_498 = arith.addf %mul3A_398, %mul3A_497 : vector<325x256xf32>
    %get3A_499 = arith.constant 2 : index
    %get3A_500 = memref.load %arg5[%get3A_499] : memref<4xf32, #tpu.memory_space<smem>>
    %broadcast_in_dim3A_501 = vector.broadcast %get3A_500 : f32 to vector<325x256xf32>
    %get3A_502 = arith.constant 0 : index
    %get3A_503 = arith.constant 0 : index
    %get3A_504 = arith.constant 0 : index
    %get3A_505 = vector.load %arg17[%get3A_502, %get3A_503, %get3A_504] : memref<8x325x256xf32, #tpu.memory_space<vmem>>, vector<1x325x256xf32>
    %get3A_506 = vector.shape_cast %get3A_505 : vector<1x325x256xf32> to vector<325x256xf32>
    %get3A_507 = arith.constant 0 : index
    %get3A_508 = arith.constant 2 : index
    %get3A_509 = memref.load %arg4[%get3A_507, %get3A_508] : memref<8x4xf32, #tpu.memory_space<smem>>
    %mul3A_510 = vector.broadcast %get3A_509 : f32 to vector<325x256xf32>
    %mul3A_511 = arith.mulf %get3A_506, %mul3A_510 : vector<325x256xf32>
    %add3A_512 = arith.addf %broadcast_in_dim3A_501, %mul3A_511 : vector<325x256xf32>
    %get3A_513 = arith.constant 1 : index
    %get3A_514 = arith.constant 0 : index
    %get3A_515 = arith.constant 0 : index
    %get3A_516 = vector.load %arg17[%get3A_513, %get3A_514, %get3A_515] : memref<8x325x256xf32, #tpu.memory_space<vmem>>, vector<1x325x256xf32>
    %get3A_517 = vector.shape_cast %get3A_516 : vector<1x325x256xf32> to vector<325x256xf32>
    %get3A_518 = arith.constant 1 : index
    %get3A_519 = arith.constant 2 : index
    %get3A_520 = memref.load %arg4[%get3A_518, %get3A_519] : memref<8x4xf32, #tpu.memory_space<smem>>
    %mul3A_521 = vector.broadcast %get3A_520 : f32 to vector<325x256xf32>
    %mul3A_522 = arith.mulf %get3A_517, %mul3A_521 : vector<325x256xf32>
    %add3A_523 = arith.addf %add3A_512, %mul3A_522 : vector<325x256xf32>
    %get3A_524 = arith.constant 2 : index
    %get3A_525 = arith.constant 0 : index
    %get3A_526 = arith.constant 0 : index
    %get3A_527 = vector.load %arg17[%get3A_524, %get3A_525, %get3A_526] : memref<8x325x256xf32, #tpu.memory_space<vmem>>, vector<1x325x256xf32>
    %get3A_528 = vector.shape_cast %get3A_527 : vector<1x325x256xf32> to vector<325x256xf32>
    %get3A_529 = arith.constant 2 : index
    %get3A_530 = arith.constant 2 : index
    %get3A_531 = memref.load %arg4[%get3A_529, %get3A_530] : memref<8x4xf32, #tpu.memory_space<smem>>
    %mul3A_532 = vector.broadcast %get3A_531 : f32 to vector<325x256xf32>
    %mul3A_533 = arith.mulf %get3A_528, %mul3A_532 : vector<325x256xf32>
    %add3A_534 = arith.addf %add3A_523, %mul3A_533 : vector<325x256xf32>
    %get3A_535 = arith.constant 3 : index
    %get3A_536 = arith.constant 0 : index
    %get3A_537 = arith.constant 0 : index
    %get3A_538 = vector.load %arg17[%get3A_535, %get3A_536, %get3A_537] : memref<8x325x256xf32, #tpu.memory_space<vmem>>, vector<1x325x256xf32>
    %get3A_539 = vector.shape_cast %get3A_538 : vector<1x325x256xf32> to vector<325x256xf32>
    %get3A_540 = arith.constant 3 : index
    %get3A_541 = arith.constant 2 : index
    %get3A_542 = memref.load %arg4[%get3A_540, %get3A_541] : memref<8x4xf32, #tpu.memory_space<smem>>
    %mul3A_543 = vector.broadcast %get3A_542 : f32 to vector<325x256xf32>
    %mul3A_544 = arith.mulf %get3A_539, %mul3A_543 : vector<325x256xf32>
    %add3A_545 = arith.addf %add3A_534, %mul3A_544 : vector<325x256xf32>
    %get3A_546 = arith.constant 4 : index
    %get3A_547 = arith.constant 0 : index
    %get3A_548 = arith.constant 0 : index
    %get3A_549 = vector.load %arg17[%get3A_546, %get3A_547, %get3A_548] : memref<8x325x256xf32, #tpu.memory_space<vmem>>, vector<1x325x256xf32>
    %get3A_550 = vector.shape_cast %get3A_549 : vector<1x325x256xf32> to vector<325x256xf32>
    %get3A_551 = arith.constant 4 : index
    %get3A_552 = arith.constant 2 : index
    %get3A_553 = memref.load %arg4[%get3A_551, %get3A_552] : memref<8x4xf32, #tpu.memory_space<smem>>
    %mul3A_554 = vector.broadcast %get3A_553 : f32 to vector<325x256xf32>
    %mul3A_555 = arith.mulf %get3A_550, %mul3A_554 : vector<325x256xf32>
    %add3A_556 = arith.addf %add3A_545, %mul3A_555 : vector<325x256xf32>
    %get3A_557 = arith.constant 5 : index
    %get3A_558 = arith.constant 0 : index
    %get3A_559 = arith.constant 0 : index
    %get3A_560 = vector.load %arg17[%get3A_557, %get3A_558, %get3A_559] : memref<8x325x256xf32, #tpu.memory_space<vmem>>, vector<1x325x256xf32>
    %get3A_561 = vector.shape_cast %get3A_560 : vector<1x325x256xf32> to vector<325x256xf32>
    %get3A_562 = arith.constant 5 : index
    %get3A_563 = arith.constant 2 : index
    %get3A_564 = memref.load %arg4[%get3A_562, %get3A_563] : memref<8x4xf32, #tpu.memory_space<smem>>
    %mul3A_565 = vector.broadcast %get3A_564 : f32 to vector<325x256xf32>
    %mul3A_566 = arith.mulf %get3A_561, %mul3A_565 : vector<325x256xf32>
    %add3A_567 = arith.addf %add3A_556, %mul3A_566 : vector<325x256xf32>
    %get3A_568 = arith.constant 6 : index
    %get3A_569 = arith.constant 0 : index
    %get3A_570 = arith.constant 0 : index
    %get3A_571 = vector.load %arg17[%get3A_568, %get3A_569, %get3A_570] : memref<8x325x256xf32, #tpu.memory_space<vmem>>, vector<1x325x256xf32>
    %get3A_572 = vector.shape_cast %get3A_571 : vector<1x325x256xf32> to vector<325x256xf32>
    %get3A_573 = arith.constant 6 : index
    %get3A_574 = arith.constant 2 : index
    %get3A_575 = memref.load %arg4[%get3A_573, %get3A_574] : memref<8x4xf32, #tpu.memory_space<smem>>
    %mul3A_576 = vector.broadcast %get3A_575 : f32 to vector<325x256xf32>
    %mul3A_577 = arith.mulf %get3A_572, %mul3A_576 : vector<325x256xf32>
    %add3A_578 = arith.addf %add3A_567, %mul3A_577 : vector<325x256xf32>
    %get3A_579 = arith.constant 7 : index
    %get3A_580 = arith.constant 0 : index
    %get3A_581 = arith.constant 0 : index
    %get3A_582 = vector.load %arg17[%get3A_579, %get3A_580, %get3A_581] : memref<8x325x256xf32, #tpu.memory_space<vmem>>, vector<1x325x256xf32>
    %get3A_583 = vector.shape_cast %get3A_582 : vector<1x325x256xf32> to vector<325x256xf32>
    %get3A_584 = arith.constant 7 : index
    %get3A_585 = arith.constant 2 : index
    %get3A_586 = memref.load %arg4[%get3A_584, %get3A_585] : memref<8x4xf32, #tpu.memory_space<smem>>
    %mul3A_587 = vector.broadcast %get3A_586 : f32 to vector<325x256xf32>
    %mul3A_588 = arith.mulf %get3A_583, %mul3A_587 : vector<325x256xf32>
    %add3A_589 = arith.addf %add3A_578, %mul3A_588 : vector<325x256xf32>
    %max3A_590 = arith.constant 0.000000e+00 : f32
    %max3A_591 = vector.broadcast %max3A_590 : f32 to vector<325x256xf32>
    %max3A_592 = arith.maximumf %add3A_589, %max3A_591 : vector<325x256xf32>
    %get3A_593 = arith.constant 2 : index
    %get3A_594 = arith.constant 0 : index
    %get3A_595 = memref.load %arg6[%get3A_593, %get3A_594] : memref<4x1xf32, #tpu.memory_space<smem>>
    %mul3A_596 = vector.broadcast %get3A_595 : f32 to vector<325x256xf32>
    %mul3A_597 = arith.mulf %max3A_592, %mul3A_596 : vector<325x256xf32>
    %add3A_598 = arith.addf %add3A_498, %mul3A_597 : vector<325x256xf32>
    %get3A_599 = arith.constant 3 : index
    %get3A_600 = memref.load %arg5[%get3A_599] : memref<4xf32, #tpu.memory_space<smem>>
    %broadcast_in_dim3A_601 = vector.broadcast %get3A_600 : f32 to vector<325x256xf32>
    %get3A_602 = arith.constant 0 : index
    %get3A_603 = arith.constant 0 : index
    %get3A_604 = arith.constant 0 : index
    %get3A_605 = vector.load %arg17[%get3A_602, %get3A_603, %get3A_604] : memref<8x325x256xf32, #tpu.memory_space<vmem>>, vector<1x325x256xf32>
    %get3A_606 = vector.shape_cast %get3A_605 : vector<1x325x256xf32> to vector<325x256xf32>
    %get3A_607 = arith.constant 0 : index
    %get3A_608 = arith.constant 3 : index
    %get3A_609 = memref.load %arg4[%get3A_607, %get3A_608] : memref<8x4xf32, #tpu.memory_space<smem>>
    %mul3A_610 = vector.broadcast %get3A_609 : f32 to vector<325x256xf32>
    %mul3A_611 = arith.mulf %get3A_606, %mul3A_610 : vector<325x256xf32>
    %add3A_612 = arith.addf %broadcast_in_dim3A_601, %mul3A_611 : vector<325x256xf32>
    %get3A_613 = arith.constant 1 : index
    %get3A_614 = arith.constant 0 : index
    %get3A_615 = arith.constant 0 : index
    %get3A_616 = vector.load %arg17[%get3A_613, %get3A_614, %get3A_615] : memref<8x325x256xf32, #tpu.memory_space<vmem>>, vector<1x325x256xf32>
    %get3A_617 = vector.shape_cast %get3A_616 : vector<1x325x256xf32> to vector<325x256xf32>
    %get3A_618 = arith.constant 1 : index
    %get3A_619 = arith.constant 3 : index
    %get3A_620 = memref.load %arg4[%get3A_618, %get3A_619] : memref<8x4xf32, #tpu.memory_space<smem>>
    %mul3A_621 = vector.broadcast %get3A_620 : f32 to vector<325x256xf32>
    %mul3A_622 = arith.mulf %get3A_617, %mul3A_621 : vector<325x256xf32>
    %add3A_623 = arith.addf %add3A_612, %mul3A_622 : vector<325x256xf32>
    %get3A_624 = arith.constant 2 : index
    %get3A_625 = arith.constant 0 : index
    %get3A_626 = arith.constant 0 : index
    %get3A_627 = vector.load %arg17[%get3A_624, %get3A_625, %get3A_626] : memref<8x325x256xf32, #tpu.memory_space<vmem>>, vector<1x325x256xf32>
    %get3A_628 = vector.shape_cast %get3A_627 : vector<1x325x256xf32> to vector<325x256xf32>
    %get3A_629 = arith.constant 2 : index
    %get3A_630 = arith.constant 3 : index
    %get3A_631 = memref.load %arg4[%get3A_629, %get3A_630] : memref<8x4xf32, #tpu.memory_space<smem>>
    %mul3A_632 = vector.broadcast %get3A_631 : f32 to vector<325x256xf32>
    %mul3A_633 = arith.mulf %get3A_628, %mul3A_632 : vector<325x256xf32>
    %add3A_634 = arith.addf %add3A_623, %mul3A_633 : vector<325x256xf32>
    %get3A_635 = arith.constant 3 : index
    %get3A_636 = arith.constant 0 : index
    %get3A_637 = arith.constant 0 : index
    %get3A_638 = vector.load %arg17[%get3A_635, %get3A_636, %get3A_637] : memref<8x325x256xf32, #tpu.memory_space<vmem>>, vector<1x325x256xf32>
    %get3A_639 = vector.shape_cast %get3A_638 : vector<1x325x256xf32> to vector<325x256xf32>
    %get3A_640 = arith.constant 3 : index
    %get3A_641 = arith.constant 3 : index
    %get3A_642 = memref.load %arg4[%get3A_640, %get3A_641] : memref<8x4xf32, #tpu.memory_space<smem>>
    %mul3A_643 = vector.broadcast %get3A_642 : f32 to vector<325x256xf32>
    %mul3A_644 = arith.mulf %get3A_639, %mul3A_643 : vector<325x256xf32>
    %add3A_645 = arith.addf %add3A_634, %mul3A_644 : vector<325x256xf32>
    %get3A_646 = arith.constant 4 : index
    %get3A_647 = arith.constant 0 : index
    %get3A_648 = arith.constant 0 : index
    %get3A_649 = vector.load %arg17[%get3A_646, %get3A_647, %get3A_648] : memref<8x325x256xf32, #tpu.memory_space<vmem>>, vector<1x325x256xf32>
    %get3A_650 = vector.shape_cast %get3A_649 : vector<1x325x256xf32> to vector<325x256xf32>
    %get3A_651 = arith.constant 4 : index
    %get3A_652 = arith.constant 3 : index
    %get3A_653 = memref.load %arg4[%get3A_651, %get3A_652] : memref<8x4xf32, #tpu.memory_space<smem>>
    %mul3A_654 = vector.broadcast %get3A_653 : f32 to vector<325x256xf32>
    %mul3A_655 = arith.mulf %get3A_650, %mul3A_654 : vector<325x256xf32>
    %add3A_656 = arith.addf %add3A_645, %mul3A_655 : vector<325x256xf32>
    %get3A_657 = arith.constant 5 : index
    %get3A_658 = arith.constant 0 : index
    %get3A_659 = arith.constant 0 : index
    %get3A_660 = vector.load %arg17[%get3A_657, %get3A_658, %get3A_659] : memref<8x325x256xf32, #tpu.memory_space<vmem>>, vector<1x325x256xf32>
    %get3A_661 = vector.shape_cast %get3A_660 : vector<1x325x256xf32> to vector<325x256xf32>
    %get3A_662 = arith.constant 5 : index
    %get3A_663 = arith.constant 3 : index
    %get3A_664 = memref.load %arg4[%get3A_662, %get3A_663] : memref<8x4xf32, #tpu.memory_space<smem>>
    %mul3A_665 = vector.broadcast %get3A_664 : f32 to vector<325x256xf32>
    %mul3A_666 = arith.mulf %get3A_661, %mul3A_665 : vector<325x256xf32>
    %add3A_667 = arith.addf %add3A_656, %mul3A_666 : vector<325x256xf32>
    %get3A_668 = arith.constant 6 : index
    %get3A_669 = arith.constant 0 : index
    %get3A_670 = arith.constant 0 : index
    %get3A_671 = vector.load %arg17[%get3A_668, %get3A_669, %get3A_670] : memref<8x325x256xf32, #tpu.memory_space<vmem>>, vector<1x325x256xf32>
    %get3A_672 = vector.shape_cast %get3A_671 : vector<1x325x256xf32> to vector<325x256xf32>
    %get3A_673 = arith.constant 6 : index
    %get3A_674 = arith.constant 3 : index
    %get3A_675 = memref.load %arg4[%get3A_673, %get3A_674] : memref<8x4xf32, #tpu.memory_space<smem>>
    %mul3A_676 = vector.broadcast %get3A_675 : f32 to vector<325x256xf32>
    %mul3A_677 = arith.mulf %get3A_672, %mul3A_676 : vector<325x256xf32>
    %add3A_678 = arith.addf %add3A_667, %mul3A_677 : vector<325x256xf32>
    %get3A_679 = arith.constant 7 : index
    %get3A_680 = arith.constant 0 : index
    %get3A_681 = arith.constant 0 : index
    %get3A_682 = vector.load %arg17[%get3A_679, %get3A_680, %get3A_681] : memref<8x325x256xf32, #tpu.memory_space<vmem>>, vector<1x325x256xf32>
    %get3A_683 = vector.shape_cast %get3A_682 : vector<1x325x256xf32> to vector<325x256xf32>
    %get3A_684 = arith.constant 7 : index
    %get3A_685 = arith.constant 3 : index
    %get3A_686 = memref.load %arg4[%get3A_684, %get3A_685] : memref<8x4xf32, #tpu.memory_space<smem>>
    %mul3A_687 = vector.broadcast %get3A_686 : f32 to vector<325x256xf32>
    %mul3A_688 = arith.mulf %get3A_683, %mul3A_687 : vector<325x256xf32>
    %add3A_689 = arith.addf %add3A_678, %mul3A_688 : vector<325x256xf32>
    %max3A_690 = arith.constant 0.000000e+00 : f32
    %max3A_691 = vector.broadcast %max3A_690 : f32 to vector<325x256xf32>
    %max3A_692 = arith.maximumf %add3A_689, %max3A_691 : vector<325x256xf32>
    %get3A_693 = arith.constant 3 : index
    %get3A_694 = arith.constant 0 : index
    %get3A_695 = memref.load %arg6[%get3A_693, %get3A_694] : memref<4x1xf32, #tpu.memory_space<smem>>
    %mul3A_696 = vector.broadcast %get3A_695 : f32 to vector<325x256xf32>
    %mul3A_697 = arith.mulf %max3A_692, %mul3A_696 : vector<325x256xf32>
    %add3A_698 = arith.addf %add3A_598, %mul3A_697 : vector<325x256xf32>
    %reduce_max3A = arith.constant dense<0xFF800000> : vector<256xf32>
    %reduce_max3A_699 = vector.multi_reduction <maximumf>, %add3A_698, %reduce_max3A [0] : vector<325x256xf32> to vector<256xf32>
    %broadcast_in_dim3A_700 = vector.shape_cast %reduce_max3A_699 : vector<256xf32> to vector<1x256xf32>
    %sub3A = vector.broadcast %broadcast_in_dim3A_700 : vector<1x256xf32> to vector<325x256xf32>
    %sub3A_701 = arith.subf %add3A_698, %sub3A : vector<325x256xf32>
    %exp3A = math.exp %sub3A_701 : vector<325x256xf32>
    %reduce_sum3A = arith.constant dense<0.000000e+00> : vector<256xf32>
    %reduce_sum3A_702 = vector.multi_reduction <add>, %exp3A, %reduce_sum3A [0] : vector<325x256xf32> to vector<256xf32>
    %broadcast_in_dim3A_703 = vector.shape_cast %reduce_sum3A_702 : vector<256xf32> to vector<1x256xf32>
    %div3A = vector.broadcast %broadcast_in_dim3A_703 : vector<1x256xf32> to vector<325x256xf32>
    %div3A_704 = arith.divf %exp3A, %div3A : vector<325x256xf32>
    %get3A_705 = arith.constant 0 : index
    %get3A_706 = arith.constant 0 : index
    %get3A_707 = arith.constant 0 : index
    %get3A_708 = vector.load %arg17[%get3A_705, %get3A_706, %get3A_707] : memref<8x325x256xf32, #tpu.memory_space<vmem>>, vector<1x325x256xf32>
    %get3A_709 = vector.shape_cast %get3A_708 : vector<1x325x256xf32> to vector<325x256xf32>
    %mul3A_710 = arith.mulf %div3A_704, %get3A_709 : vector<325x256xf32>
    %reduce_sum3A_711 = arith.constant dense<0.000000e+00> : vector<256xf32>
    %reduce_sum3A_712 = vector.multi_reduction <add>, %mul3A_710, %reduce_sum3A_711 [0] : vector<325x256xf32> to vector<256xf32>
    %broadcast_in_dim3A_713 = vector.shape_cast %reduce_sum3A_712 : vector<256xf32> to vector<1x256xf32>
    %get3A_714 = arith.constant 1 : index
    %get3A_715 = arith.constant 0 : index
    %get3A_716 = arith.constant 0 : index
    %get3A_717 = vector.load %arg17[%get3A_714, %get3A_715, %get3A_716] : memref<8x325x256xf32, #tpu.memory_space<vmem>>, vector<1x325x256xf32>
    %get3A_718 = vector.shape_cast %get3A_717 : vector<1x325x256xf32> to vector<325x256xf32>
    %mul3A_719 = arith.mulf %div3A_704, %get3A_718 : vector<325x256xf32>
    %reduce_sum3A_720 = arith.constant dense<0.000000e+00> : vector<256xf32>
    %reduce_sum3A_721 = vector.multi_reduction <add>, %mul3A_719, %reduce_sum3A_720 [0] : vector<325x256xf32> to vector<256xf32>
    %broadcast_in_dim3A_722 = vector.shape_cast %reduce_sum3A_721 : vector<256xf32> to vector<1x256xf32>
    %get3A_723 = arith.constant 2 : index
    %get3A_724 = arith.constant 0 : index
    %get3A_725 = arith.constant 0 : index
    %get3A_726 = vector.load %arg17[%get3A_723, %get3A_724, %get3A_725] : memref<8x325x256xf32, #tpu.memory_space<vmem>>, vector<1x325x256xf32>
    %get3A_727 = vector.shape_cast %get3A_726 : vector<1x325x256xf32> to vector<325x256xf32>
    %mul3A_728 = arith.mulf %div3A_704, %get3A_727 : vector<325x256xf32>
    %reduce_sum3A_729 = arith.constant dense<0.000000e+00> : vector<256xf32>
    %reduce_sum3A_730 = vector.multi_reduction <add>, %mul3A_728, %reduce_sum3A_729 [0] : vector<325x256xf32> to vector<256xf32>
    %broadcast_in_dim3A_731 = vector.shape_cast %reduce_sum3A_730 : vector<256xf32> to vector<1x256xf32>
    %get3A_732 = arith.constant 3 : index
    %get3A_733 = arith.constant 0 : index
    %get3A_734 = arith.constant 0 : index
    %get3A_735 = vector.load %arg17[%get3A_732, %get3A_733, %get3A_734] : memref<8x325x256xf32, #tpu.memory_space<vmem>>, vector<1x325x256xf32>
    %get3A_736 = vector.shape_cast %get3A_735 : vector<1x325x256xf32> to vector<325x256xf32>
    %mul3A_737 = arith.mulf %div3A_704, %get3A_736 : vector<325x256xf32>
    %reduce_sum3A_738 = arith.constant dense<0.000000e+00> : vector<256xf32>
    %reduce_sum3A_739 = vector.multi_reduction <add>, %mul3A_737, %reduce_sum3A_738 [0] : vector<325x256xf32> to vector<256xf32>
    %broadcast_in_dim3A_740 = vector.shape_cast %reduce_sum3A_739 : vector<256xf32> to vector<1x256xf32>
    %get3A_741 = arith.constant 4 : index
    %get3A_742 = arith.constant 0 : index
    %get3A_743 = arith.constant 0 : index
    %get3A_744 = vector.load %arg17[%get3A_741, %get3A_742, %get3A_743] : memref<8x325x256xf32, #tpu.memory_space<vmem>>, vector<1x325x256xf32>
    %get3A_745 = vector.shape_cast %get3A_744 : vector<1x325x256xf32> to vector<325x256xf32>
    %mul3A_746 = arith.mulf %div3A_704, %get3A_745 : vector<325x256xf32>
    %reduce_sum3A_747 = arith.constant dense<0.000000e+00> : vector<256xf32>
    %reduce_sum3A_748 = vector.multi_reduction <add>, %mul3A_746, %reduce_sum3A_747 [0] : vector<325x256xf32> to vector<256xf32>
    %broadcast_in_dim3A_749 = vector.shape_cast %reduce_sum3A_748 : vector<256xf32> to vector<1x256xf32>
    %get3A_750 = arith.constant 5 : index
    %get3A_751 = arith.constant 0 : index
    %get3A_752 = arith.constant 0 : index
    %get3A_753 = vector.load %arg17[%get3A_750, %get3A_751, %get3A_752] : memref<8x325x256xf32, #tpu.memory_space<vmem>>, vector<1x325x256xf32>
    %get3A_754 = vector.shape_cast %get3A_753 : vector<1x325x256xf32> to vector<325x256xf32>
    %mul3A_755 = arith.mulf %div3A_704, %get3A_754 : vector<325x256xf32>
    %reduce_sum3A_756 = arith.constant dense<0.000000e+00> : vector<256xf32>
    %reduce_sum3A_757 = vector.multi_reduction <add>, %mul3A_755, %reduce_sum3A_756 [0] : vector<325x256xf32> to vector<256xf32>
    %broadcast_in_dim3A_758 = vector.shape_cast %reduce_sum3A_757 : vector<256xf32> to vector<1x256xf32>
    %get3A_759 = arith.constant 6 : index
    %get3A_760 = arith.constant 0 : index
    %get3A_761 = arith.constant 0 : index
    %get3A_762 = vector.load %arg17[%get3A_759, %get3A_760, %get3A_761] : memref<8x325x256xf32, #tpu.memory_space<vmem>>, vector<1x325x256xf32>
    %get3A_763 = vector.shape_cast %get3A_762 : vector<1x325x256xf32> to vector<325x256xf32>
    %mul3A_764 = arith.mulf %div3A_704, %get3A_763 : vector<325x256xf32>
    %reduce_sum3A_765 = arith.constant dense<0.000000e+00> : vector<256xf32>
    %reduce_sum3A_766 = vector.multi_reduction <add>, %mul3A_764, %reduce_sum3A_765 [0] : vector<325x256xf32> to vector<256xf32>
    %broadcast_in_dim3A_767 = vector.shape_cast %reduce_sum3A_766 : vector<256xf32> to vector<1x256xf32>
    %get3A_768 = arith.constant 7 : index
    %get3A_769 = arith.constant 0 : index
    %get3A_770 = arith.constant 0 : index
    %get3A_771 = vector.load %arg17[%get3A_768, %get3A_769, %get3A_770] : memref<8x325x256xf32, #tpu.memory_space<vmem>>, vector<1x325x256xf32>
    %get3A_772 = vector.shape_cast %get3A_771 : vector<1x325x256xf32> to vector<325x256xf32>
    %mul3A_773 = arith.mulf %div3A_704, %get3A_772 : vector<325x256xf32>
    %reduce_sum3A_774 = arith.constant dense<0.000000e+00> : vector<256xf32>
    %reduce_sum3A_775 = vector.multi_reduction <add>, %mul3A_773, %reduce_sum3A_774 [0] : vector<325x256xf32> to vector<256xf32>
    %broadcast_in_dim3A_776 = vector.shape_cast %reduce_sum3A_775 : vector<256xf32> to vector<1x256xf32>
    %concatenate3A = tpu.concatenate %broadcast_in_dim3A_713, %broadcast_in_dim3A_722, %broadcast_in_dim3A_731, %broadcast_in_dim3A_740, %broadcast_in_dim3A_749, %broadcast_in_dim3A_758, %broadcast_in_dim3A_767, %broadcast_in_dim3A_776 in 0 : vector<1x256xf32>, vector<1x256xf32>, vector<1x256xf32>, vector<1x256xf32>, vector<1x256xf32>, vector<1x256xf32>, vector<1x256xf32>, vector<1x256xf32> -> vector<8x256xf32>
    %get3A_777 = arith.constant 0 : index
    %get3A_778 = arith.constant 0 : index
    %get3A_779 = vector.load %arg8[%get3A_777, %get3A_778] : memref<8x208xf32, #tpu.memory_space<vmem>>, vector<8x208xf32>
    %dot_general3A_780 = arith.constant dense<0.000000e+00> : vector<208x256xf32>
    %dot_general3A_781 = tpu.matmul %get3A_779, %concatenate3A, %dot_general3A_780 {dimension_numbers = #tpu.dot_dimension_numbers<[0], [0], [1], [1], [0, 1, 1, 1], [], []>, transpose_lhs_hint = false} : vector<8x208xf32>, vector<8x256xf32>, vector<208x256xf32> -> vector<208x256xf32>
    %get3A_782 = arith.constant 0 : index
    %get3A_783 = arith.constant 0 : index
    %get3A_784 = vector.load %arg9[%get3A_782, %get3A_783] : memref<208x1xf32, #tpu.memory_space<vmem>>, vector<208x1xf32>
    %add3A_785 = vector.broadcast %get3A_784 : vector<208x1xf32> to vector<208x256xf32>
    %add3A_786 = arith.addf %dot_general3A_781, %add3A_785 : vector<208x256xf32>
    %max3A_787 = arith.constant 0.000000e+00 : f32
    %max3A_788 = vector.broadcast %max3A_787 : f32 to vector<208x256xf32>
    %max3A_789 = arith.maximumf %add3A_786, %max3A_788 : vector<208x256xf32>
    %get3A_790 = arith.constant 0 : index
    %get3A_791 = arith.constant 0 : index
    %get3A_792 = vector.load %arg10[%get3A_790, %get3A_791] : memref<208x128xf32, #tpu.memory_space<vmem>>, vector<208x128xf32>
    %dot_general3A_793 = arith.constant dense<0.000000e+00> : vector<128x256xf32>
    %dot_general3A_794 = tpu.matmul %get3A_792, %max3A_789, %dot_general3A_793 {dimension_numbers = #tpu.dot_dimension_numbers<[0], [0], [1], [1], [0, 1, 1, 1], [], []>, transpose_lhs_hint = false} : vector<208x128xf32>, vector<208x256xf32>, vector<128x256xf32> -> vector<128x256xf32>
    %get3A_795 = arith.constant 0 : index
    %get3A_796 = arith.constant 0 : index
    %get3A_797 = vector.load %arg11[%get3A_795, %get3A_796] : memref<128x1xf32, #tpu.memory_space<vmem>>, vector<128x1xf32>
    %add3A_798 = vector.broadcast %get3A_797 : vector<128x1xf32> to vector<128x256xf32>
    %add3A_799 = arith.addf %dot_general3A_794, %add3A_798 : vector<128x256xf32>
    %max3A_800 = arith.constant 0.000000e+00 : f32
    %max3A_801 = vector.broadcast %max3A_800 : f32 to vector<128x256xf32>
    %max3A_802 = arith.maximumf %add3A_799, %max3A_801 : vector<128x256xf32>
    %get3A_803 = arith.constant 0 : index
    %get3A_804 = arith.constant 0 : index
    %get3A_805 = vector.load %arg12[%get3A_803, %get3A_804] : memref<128x64xf32, #tpu.memory_space<vmem>>, vector<128x64xf32>
    %dot_general3A_806 = arith.constant dense<0.000000e+00> : vector<64x256xf32>
    %dot_general3A_807 = tpu.matmul %get3A_805, %max3A_802, %dot_general3A_806 {dimension_numbers = #tpu.dot_dimension_numbers<[0], [0], [1], [1], [0, 1, 1, 1], [], []>, transpose_lhs_hint = false} : vector<128x64xf32>, vector<128x256xf32>, vector<64x256xf32> -> vector<64x256xf32>
    %get3A_808 = arith.constant 0 : index
    %get3A_809 = arith.constant 0 : index
    %get3A_810 = vector.load %arg13[%get3A_808, %get3A_809] : memref<64x1xf32, #tpu.memory_space<vmem>>, vector<64x1xf32>
    %add3A_811 = vector.broadcast %get3A_810 : vector<64x1xf32> to vector<64x256xf32>
    %add3A_812 = arith.addf %dot_general3A_807, %add3A_811 : vector<64x256xf32>
    %max3A_813 = arith.constant 0.000000e+00 : f32
    %max3A_814 = vector.broadcast %max3A_813 : f32 to vector<64x256xf32>
    %max3A_815 = arith.maximumf %add3A_812, %max3A_814 : vector<64x256xf32>
    %get3A_816 = arith.constant 0 : index
    %get3A_817 = arith.constant 0 : index
    %get3A_818 = vector.load %arg14[%get3A_816, %get3A_817] : memref<64x1xf32, #tpu.memory_space<vmem>>, vector<64x1xf32>
    %dot_general3A_819 = arith.constant dense<0.000000e+00> : vector<1x256xf32>
    %dot_general3A_820 = tpu.matmul %get3A_818, %max3A_815, %dot_general3A_819 {dimension_numbers = #tpu.dot_dimension_numbers<[0], [0], [1], [1], [0, 1, 1, 1], [], []>, transpose_lhs_hint = false} : vector<64x1xf32>, vector<64x256xf32>, vector<1x256xf32> -> vector<1x256xf32>
    %get3A_821 = arith.constant 0 : index
    %get3A_822 = arith.constant 0 : index
    %get3A_823 = vector.load %arg15[%get3A_821, %get3A_822] : memref<1x1xf32, #tpu.memory_space<vmem>>, vector<1x1xf32>
    %add3A_824 = vector.broadcast %get3A_823 : vector<1x1xf32> to vector<1x256xf32>
    %add3A_825 = arith.addf %dot_general3A_820, %add3A_824 : vector<1x256xf32>
    %get3A_826 = arith.constant 0 : index
    %get3A_827 = arith.constant 0 : index
    %get3A_828 = vector.load %arg7[%get3A_826, %get3A_827] : memref<26x1xf32, #tpu.memory_space<vmem>>, vector<26x1xf32>
    %get3A_829 = arith.constant 0 : index
    %get3A_830 = arith.constant 0 : index
    %get3A_831 = vector.load %arg2[%get3A_829, %get3A_830] : memref<26x256xf32, #tpu.memory_space<vmem>>, vector<26x256xf32>
    %dot_general3A_832 = arith.constant dense<0.000000e+00> : vector<1x256xf32>
    %dot_general3A_833 = tpu.matmul %get3A_828, %get3A_831, %dot_general3A_832 {dimension_numbers = #tpu.dot_dimension_numbers<[0], [0], [1], [1], [0, 1, 1, 1], [], []>, transpose_lhs_hint = false} : vector<26x1xf32>, vector<26x256xf32>, vector<1x256xf32> -> vector<1x256xf32>
    %add3A_834 = arith.addf %dot_general3A_833, %add3A_825 : vector<1x256xf32>
    %logistic3A = arith.negf %add3A_834 : vector<1x256xf32>
    %logistic3A_835 = math.exp %logistic3A : vector<1x256xf32>
    %logistic3A_836 = arith.constant 1.000000e+00 : f32
    %logistic3A_837 = vector.broadcast %logistic3A_836 : f32 to vector<1x256xf32>
    %logistic3A_838 = arith.addf %logistic3A_837, %logistic3A_835 : vector<1x256xf32>
    %logistic3A_839 = arith.divf %logistic3A_837, %logistic3A_838 : vector<1x256xf32>
    %swap3A_840 = arith.constant 0 : index
    %swap3A_841 = arith.constant 0 : index
    %swap3A_842 = vector.load %arg16[%swap3A_840, %swap3A_841] : memref<1x256xf32, #tpu.memory_space<vmem>>, vector<1x256xf32>
    tpu.vector_store %arg16[%swap3A_840, %swap3A_841], %logistic3A_839 {strides = array<i32>} : memref<1x256xf32, #tpu.memory_space<vmem>>, vector<1x256xf32>,
    return
  }
  func.func @transform_0(%arg0: i32) -> (i32, i32, i32) {
    %c0_i32 = arith.constant 0 : i32
    %c0_i32_0 = arith.constant 0 : i32
    %c0_i32_1 = arith.constant 0 : i32
    return %c0_i32, %c0_i32_0, %arg0 : i32, i32, i32
  }
  func.func @transform_1(%arg0: i32) -> (i32, i32) {
    %c0_i32 = arith.constant 0 : i32
    %c0_i32_0 = arith.constant 0 : i32
    return %c0_i32, %arg0 : i32, i32
  }
  func.func @transform_2(%arg0: i32) -> (i32, i32) {
    %c0_i32 = arith.constant 0 : i32
    %c0_i32_0 = arith.constant 0 : i32
    %c0_i32_1 = arith.constant 0 : i32
    return %c0_i32, %c0_i32_0 : i32, i32
  }
  func.func @transform_3(%arg0: i32) -> (i32, i32) {
    %c0_i32 = arith.constant 0 : i32
    %c0_i32_0 = arith.constant 0 : i32
    %c0_i32_1 = arith.constant 0 : i32
    return %c0_i32, %c0_i32_0 : i32, i32
  }
  func.func @transform_4(%arg0: i32) -> i32 {
    %c0_i32 = arith.constant 0 : i32
    %c0_i32_0 = arith.constant 0 : i32
    return %c0_i32 : i32
  }
  func.func @transform_5(%arg0: i32) -> (i32, i32) {
    %c0_i32 = arith.constant 0 : i32
    %c0_i32_0 = arith.constant 0 : i32
    %c0_i32_1 = arith.constant 0 : i32
    return %c0_i32, %c0_i32_0 : i32, i32
  }
  func.func @transform_6(%arg0: i32) -> (i32, i32) {
    %c0_i32 = arith.constant 0 : i32
    %c0_i32_0 = arith.constant 0 : i32
    %c0_i32_1 = arith.constant 0 : i32
    return %c0_i32, %c0_i32_0 : i32, i32
  }
  func.func @transform_7(%arg0: i32) -> (i32, i32) {
    %c0_i32 = arith.constant 0 : i32
    %c0_i32_0 = arith.constant 0 : i32
    %c0_i32_1 = arith.constant 0 : i32
    return %c0_i32, %c0_i32_0 : i32, i32
  }
  func.func @transform_8(%arg0: i32) -> (i32, i32) {
    %c0_i32 = arith.constant 0 : i32
    %c0_i32_0 = arith.constant 0 : i32
    %c0_i32_1 = arith.constant 0 : i32
    return %c0_i32, %c0_i32_0 : i32, i32
  }
  func.func @transform_9(%arg0: i32) -> (i32, i32) {
    %c0_i32 = arith.constant 0 : i32
    %c0_i32_0 = arith.constant 0 : i32
    %c0_i32_1 = arith.constant 0 : i32
    return %c0_i32, %c0_i32_0 : i32, i32
  }
  func.func @transform_10(%arg0: i32) -> (i32, i32) {
    %c0_i32 = arith.constant 0 : i32
    %c0_i32_0 = arith.constant 0 : i32
    %c0_i32_1 = arith.constant 0 : i32
    return %c0_i32, %c0_i32_0 : i32, i32
  }
  func.func @transform_11(%arg0: i32) -> (i32, i32) {
    %c0_i32 = arith.constant 0 : i32
    %c0_i32_0 = arith.constant 0 : i32
    %c0_i32_1 = arith.constant 0 : i32
    return %c0_i32, %c0_i32_0 : i32, i32
  }
  func.func @transform_12(%arg0: i32) -> (i32, i32) {
    %c0_i32 = arith.constant 0 : i32
    %c0_i32_0 = arith.constant 0 : i32
    %c0_i32_1 = arith.constant 0 : i32
    return %c0_i32, %c0_i32_0 : i32, i32
  }
  func.func @transform_13(%arg0: i32) -> (i32, i32) {
    %c0_i32 = arith.constant 0 : i32
    %c0_i32_0 = arith.constant 0 : i32
    %c0_i32_1 = arith.constant 0 : i32
    return %c0_i32, %c0_i32_0 : i32, i32
  }
  func.func @transform_14(%arg0: i32) -> (i32, i32) {
    %c0_i32 = arith.constant 0 : i32
    %c0_i32_0 = arith.constant 0 : i32
    %c0_i32_1 = arith.constant 0 : i32
    return %c0_i32, %c0_i32_0 : i32, i32
  }
  func.func @transform_15(%arg0: i32) -> (i32, i32) {
    %c0_i32 = arith.constant 0 : i32
    %c0_i32_0 = arith.constant 0 : i32
    return %c0_i32, %arg0 : i32, i32
  }
}

</mosaic_0001>

<sc_bundles>
// kernel: kernel.4.cloned.1.call-start
scs
__scs_entry_jumppad:
0x0: {  	(pc) =	sbr.rel $0x88, $3  }
0x1: {  	(tag) =	ssettag $0x0;
	lr =	simm.s32 $0x1  }
0x2: {  	[smem:$0x3F91] =	sst lr;
	_ =	strace $0xD0000000  }
0x3: {  	_ = 	snop  }
0x4: {  	_ = 	snop  }
0x5: {  	_ = 	snop  }
0x6: {  	_ = 	snop  }
0x7: {  	_ = 	snop  }
__scs_overlays_trampoline_lowered:
0x8: {  	[smem:$0x3FA0] =	sst s0  }
0x9: {  	[smem:$0x3FA1] =	sst s1  }
0xa: {  	[smem:$0x3FA2] =	sst s2  }
0xb: {  	[smem:$0x3FA3] =	sst s3  }
0xc: {  	[smem:$0x3FA4] =	sst s4  }
0xd: {  	[smem:$0x3FA5] =	sst s5  }
0xe: {  	[smem:$0x3FA6] =	sst s6  }
0xf: {  	[smem:$0x3FA7] =	sst s7  }
0x10: {  	[smem:$0x3FA8] =	sst s8  }
0x11: {  	[smem:$0x3FA9] =	sst s9;
	s0 =	simm.s32 @!p0 $0x0  }
0x12: {  	s1 =	sld [smem:$0x3F8F];
	s0 =	simm.s32 @p0 $0x1  }
0x13: {  	[smem:$0x3FAA] =	sst s0;
	s0 =	simm.s32 @!p1 $0x0  }
0x14: {  	s2 =	sld [smem:$0x3F8E];
	s0 =	simm.s32 @p1 $0x1  }
0x15: {  	[smem:$0x3FAB] =	sst s0;
	s0 =	simm.s32 @!p2 $0x0  }
0x16: {  	s3 =	sld [smem:$0x3FDB];
	s0 =	simm.s32 @p2 $0x1  }
0x17: {  	s4 =	simm.s32 $0x1BF5;
	[smem:$0x3FAD] =	sst s0  }
0x18: {  	s0 =	sld [smem:$0x3F90];
	_ =	swait.ge [sflag:s4], $0x0  }
0x19: {  	s7 =	sld [smem:$0x3F91]  }
0x1a: {  	s8 =	sadd.s32 $0xFFFFE003, lr  }
0x1b: {  	s9 =	sadd.s32 $0xFFFFFEF7, lr;
	s5 =	simm.s32 $0xFFFFFFFF;
	p2 =	slt.u32 s8, $0xFFFFF086  }
0x1c: {  	p1 =	slt.u32 s9, $0xF7A;
	s5 =	simm.s32 @!p2 $0x0  }
0x1d: {  	s5 =	simm.s32 @p1 $0x1;
	p0 =	seq.s32 s7, s2  }
0x1e: {  	s7 =	smul.u32 @!p0 $0xF7A, s2;
	p2 =	seq.s32 @!p0 s5, $0x0  }
0x1f: {  	s9 =	smul.u32 $0xF7A, s1;
	s8 =	simm.s32 @!p0 $0x1BF5;
	p2 =	por !p2, p0  }
0x20: {  	[sflag:s8] =	ssyncset.s32 @!p0 $0xFFFFF086;
	s6 =	sadd.s32 @!p0 s3, s7;
	s7 =	simm.s32 @!p0 $0x108  }
0x21: {  	s3 =	sadd.s32 s3, s9;
	s6 =	sadd.s32 @!p0 $0x88, s6;
	s7 =	simm.s32 @p2 $0x1082  }
0x22: {  	[simem:s7], [sflag:s8] =	dma.local @!p0 [hbm:s6], $0xF7A  }
0x23: {  	s9 =	sor.u32 $0xD0000000, s2;
	s6 =	simm.s32 $0x108;
	_ =	swait.ge @!p0 [sflag:s8], $0x0  }
0x24: {  	s3 =	sadd.s32 $0x88, s3;
	s6 =	simm.s32 @!p1 $0x1082;
	[sflag:s4] =	ssyncset.s32 $0xFFFFF086  }
0x25: {  	[simem:s6], [sflag:s4] =	dma.local [hbm:s3], $0xF7A  }
0x26: {  	[smem:$0x3F91] =	sst s1;
	(tag) =	ssettag s2;
	_ =	strace s9  }
0x27: {  	s1 =	sld [smem:$0x3FA1]  }
0x28: {  	s2 =	sld [smem:$0x3FA2]  }
0x29: {  	s4 =	sld [smem:$0x3FA4]  }
0x2a: {  	p0 =	seq.s32 s5, $0x0;
	s5 =	sld [smem:$0x3FA5]  }
0x2b: {  	s6 =	sld [smem:$0x3FA6]  }
0x2c: {  	s7 =	sld [smem:$0x3FA7]  }
0x2d: {  	s3 =	simm.s32 $0x108;
	s8 =	sld [smem:$0x3FA8]  }
0x2e: {  	s3 =	simm.s32 @!p0 $0x1082;
	s9 =	sld [smem:$0x3FA9]  }
0x2f: {  	lr =	sadd.s32 s0, s3;
	s0 =	sld [smem:$0x3FA0]  }
0x30: {  	s3 =	sld [smem:$0x3FA3]  }
0x31: {  	[smem:$0x3FAC] =	sst s10  }
0x32: {  	s10 =	sld [smem:$0x3FAA];
	_ =	sdelay $0x3  }
0x33: {  	p0 =	seq.s32 s10, $0x1;
	s10 =	sld [smem:$0x3FAC];
	_ =	sdelay $0x3  }
0x34: {  	[smem:$0x3FAC] =	sst s10  }
0x35: {  	s10 =	sld [smem:$0x3FAB];
	_ =	sdelay $0x3  }
0x36: {  	p1 =	seq.s32 s10, $0x1;
	s10 =	sld [smem:$0x3FAC];
	_ =	sdelay $0x3  }
0x37: {  	[smem:$0x3FAC] =	sst s10  }
0x38: {  	s10 =	sld [smem:$0x3FAD]  }
0x39: {  	_ = 	snop;
	(pc) =	sbr.ind lr, $3  }
0x3a: {  	_ = 	snop  }
0x3b: {  	_ = 	snop  }
0x3c: {  	p2 =	seq.s32 s10, $0x1;
	s10 =	sld [smem:$0x3FAC]  }
0x3d: {  	_ =	shalt  }
0x3e: {  	_ =	shalt  }
0x3f: {  	_ =	shalt  }
0x40: {  	_ =	shalt  }
0x41: {  	_ =	shalt  }
0x42: {  	_ =	shalt  }
0x43: {  	_ =	shalt  }
0x44: {  	_ =	shalt  }
0x45: {  	_ =	shalt  }
0x46: {  	_ =	shalt  }
0x47: {  	_ =	shalt  }
0x48: {  	_ =	shalt  }
0x49: {  	_ =	shalt  }
0x4a: {  	_ =	shalt  }
0x4b: {  	_ =	shalt  }
0x4c: {  	_ =	shalt  }
0x4d: {  	_ =	shalt  }
0x4e: {  	_ =	shalt  }
0x4f: {  	_ =	shalt  }
0x50: {  	_ =	shalt  }
0x51: {  	_ =	shalt  }
0x52: {  	_ =	shalt  }
0x53: {  	_ =	shalt  }
0x54: {  	_ =	shalt  }
0x55: {  	_ =	shalt  }
0x56: {  	_ =	shalt  }
0x57: {  	_ =	shalt  }
0x58: {  	_ =	shalt  }
0x59: {  	_ =	shalt  }
0x5a: {  	_ =	shalt  }
0x5b: {  	_ =	shalt  }
0x5c: {  	_ =	shalt  }
0x5d: {  	_ =	shalt  }
0x5e: {  	_ =	shalt  }
0x5f: {  	_ =	shalt  }
0x60: {  	_ =	shalt  }
0x61: {  	_ =	shalt  }
0x62: {  	_ =	shalt  }
0x63: {  	_ =	shalt  }
0x64: {  	_ =	shalt  }
0x65: {  	_ =	shalt  }
0x66: {  	_ =	shalt  }
0x67: {  	_ =	shalt  }
0x68: {  	_ =	shalt  }
0x69: {  	_ =	shalt  }
0x6a: {  	_ =	shalt  }
0x6b: {  	_ =	shalt  }
0x6c: {  	_ =	shalt  }
0x6d: {  	_ =	shalt  }
0x6e: {  	_ =	shalt  }
0x6f: {  	_ =	shalt  }
0x70: {  	_ =	shalt  }
0x71: {  	_ =	shalt  }
0x72: {  	_ =	shalt  }
0x73: {  	_ =	shalt  }
0x74: {  	_ =	shalt  }
0x75: {  	_ =	shalt  }
0x76: {  	_ =	shalt  }
0x77: {  	_ =	shalt  }
0x78: {  	_ =	shalt  }
0x79: {  	_ =	shalt  }
0x7a: {  	_ =	shalt  }
0x7b: {  	_ =	shalt  }
0x7c: {  	_ =	shalt  }
0x7d: {  	_ =	shalt  }
0x7e: {  	_ =	shalt  }
0x7f: {  	_ =	shalt  }
0x80: {  	_ =	shalt  }
0x81: {  	_ =	shalt  }
0x82: {  	_ =	shalt  }
0x83: {  	_ =	shalt  }
0x84: {  	_ =	shalt  }
0x85: {  	_ =	shalt  }
0x86: {  	_ =	shalt  }
0x87: {  	_ =	shalt  }
.Lfunc_end0:
.L_simem_size_0:
called_computation_lowered:
.L_overlay_start_0:
0x88: {  	s2 =	sld [smem:$0x3FD9]  }
0x89: {  	s3 =	sld [smem:$0x3FFE];
	_ =	sdelay $0x1  }
0x8a: {  	s1 =	srdreg.scid  }
0x8b: {  	s0 =	sand.u32 $0x1, s1  }
0x8c: {  	s16 =	sshll.u32 s0, $0xA;
	s2 =	sadd.s32 s3, s2  }
0x8d: {  	s2 =	sadd.s32 s2, s16  }
0x8e: {  	[smem:$0x3FB8] =	sst s2  }
0x8f: {  	_ = 	snop  }
0x90: {  	(tm) =	ssettm $0x1  }
0x91: {  	s17 =	sld [smem:$0x3FFB];
	_ =	sdelay $0x3  }
0x92: {  	_ =	strace s17  }
0x93: {  	s2 =	sld [smem:$0x3FFC];
	_ =	sdelay $0x3  }
0x94: {  	_ =	strace s2  }
0x95: {  	s2 =	sld [smem:$0x3FFD];
	_ =	sdelay $0x3  }
0x96: {  	_ =	strace s2  }
0x97: {  	_ =	strace $0x8FFFFFFF  }
0x98: {  	s18 =	sld [smem:$0x3FDB];
	_ =	sdelay $0x1  }
0x99: {  	s19 =	simm.s32 $_scs_section_size  }
0x9a: {  	s4 =	simm.s32 $_size__tile_overlayer_lowered;
	s5 =	simm.s32 $_tile_overlayer_lowered  }
0x9b: {  	s22 =	simm.s32 $0x1BFF;
	s21 =	sshll.u32 s5, $0x1;
	s2 =	sadd.s32 s19, s18  }
0x9c: {  	s6 =	simm.s32 $0x0;
	s20 =	sshll.u32 s4, $0x1;
	s4 =	sadd.s32 s21, s2  }
0x9d: {  	[timem:s6], [sflag:s22] =	dma.local [hbm:s4], s20  }
0x9e: {  	_ =	swait.ge [sflag:s22], s20  }
0x9f: {  	s3 =	ssub.s32 $0x0, s20;
	[sflag:s22] =	ssyncset.done $0x0  }
0xa0: {  	[sflag:s22] =	ssyncadd.s32 s3;
	_ =	sdelay $0x1  }
0xa1: {  	s23 =	simm.s32 $0x1B8B  }
0xa2: {  	_ =	swait.ge [sflag:s23], $0x1  }
0xa3: {  	[sflag:s23] =	ssyncset.done $0x0  }
0xa4: {  	s25 =	simm.s32 $0x1B8E;
	s24 =	sld [smem:$0x3FFE];
	[sflag:s23] =	ssyncadd.s32 $0xFFFFFFFF  }
0xa5: {  	s26 =	simm.s32 $execute0_lowered;
	[smem:$0x3FD2] =	sst s25  }
0xa6: {  	s4 =	sshll.u32 s26, $0x1;
	_ =	strace $0x80000046;
	[dreg:$0x1] =	wrdreg $0xFFFFFFFF  }
0xa7: {  	s28 =	simm.s32 $_size_execute0_lowered;
	s2 =	sadd.s32 s2, s4;
	[dreg:$0x0] =	wrdreg $0x0  }
0xa8: {  	s4 =	sshll.u32 s28, $0x1;
	[dreg:$0x2] =	wrdreg s2  }
0xa9: {  	[dreg:$0x3] =	wrdreg s4  }
0xaa: {  	[dreg:$0x4] =	wrdreg $0xC0  }
0xab: {  	_ =	task [dreg:s6], $0x5FFFF  }
0xac: {  	[dreg:$0x1] =	wrdreg $0xFFFFFFFF  }
0xad: {  	[dreg:$0x0] =	wrdreg $0x60  }
0xae: {  	[dreg:$0x2] =	wrdreg s24  }
0xaf: {  	[dreg:$0x3] =	wrdreg $0x9  }
0xb0: {  	_ =	task.clear_ibuf [dreg:s6], $0x4FFFF;
	_ =	strace $0x90000046  }
0xb1: {  	s29 =	simm.s32 $0x9;
	_ =	strace $0x80000048  }
0xb2: {  	_ =	swait.ge [sflag:s29], $0x1  }
0xb3: {  	[sflag:s29] =	ssyncadd.s32 $0xFFFFFFFF  }
0xb4: {  	_ =	strace $0x90000048  }
0xb5: {  	_ =	sfence  }
0xb6: {  	s30 =	sld [smem:$0x0];
	_ =	sdelay $0x2  }
0xb7: {  	s31 =	sshll.u32 s1, $0xD;
	s1 =	sshrl.u32 s1, $0x2  }
0xb8: {  	s3 =	sand.u32 $0x4000, s31;
	s1 =	sadd.s32 s1, s30  }
0xb9: {  	s0 =	sor.u32 s3, s0;
	s1 =	sshll.u32 s1, $0x11  }
0xba: {  	s0 =	sor.u32 s1, s0  }
0xbb: {  	s0 =	sadd.s32 $0x8F2B, s0  }
0xbc: {  	[sflag:s0] =	ssyncadd.remote.s32 $0x1  }
0xbd: {  	_ =	sfence.sel $0xFFFF  }
0xbe: {  	[dreg:$0x0] =	wrdreg $0xFFFFFFFF;
	(pc) =	sbr.abs _section_cstart, $3  }
0xbf: {  	[dreg:$0x1] =	wrdreg $0xFFFFFFFF  }
0xc0: {  	_ =	task.clear_ibuf [dreg:s6], $0x2FFFF;
	_ =	strace $0x9FFFFFFF  }
0xc1: {  	(tm) =	ssettm $0x7FFFFFFF  }
tec
execute0_lowered:
.L_overlay_start_1:
0x0: {  	(tag) =	ssettag $0x1  }
0x1: {  	s1 =	srdreg.scid;
	s0 =	stileid.u32  }
0x2: {  	s6 =	sand.u32 $0x1, s1;
	s14 =	smul.u32 $0x1A00, s0  }
0x3: {  	s2 =	smul.u32 $0xD00, s6  }
0x4: {  	s5 =	rddreg [dreg:$0x0]  }
0x5: {  	s1 =	rddreg [dreg:$0x1];
	s4 =	sadd.s32 s2, s14;
	s2 =	simm.s32 $0x0  }
0x6: {  	s17 =	simm.s32 $0x180;
	[smem:$0x7FF] =	sst s2  }
0x7: {  	s18 =	simm.s32 $0x200;
	_ =	strace $0x80000047;
	[dreg:$0x8] =	wrdreg s17  }
0x8: {  	s19 =	simm.s32 $0x280;
	[dreg:$0x9] =	wrdreg s18  }
0x9: {  	s20 =	simm.s32 $0x300;
	[dreg:$0xa] =	wrdreg s19  }
0xa: {  	s21 =	simm.s32 $0x380;
	[dreg:$0xb] =	wrdreg s20  }
0xb: {  	s22 =	simm.s32 $0x400;
	s23 =	simm.s32 $0x480;
	[dreg:$0xc] =	wrdreg s21  }
0xc: {  	s24 =	simm.s32 $0x580;
	s26 =	simm.s32 $0x600;
	[dreg:$0xd] =	wrdreg s22  }
0xd: {  	s28 =	simm.s32 $0x680;
	s29 =	simm.s32 $0x700;
	[dreg:$0xe] =	wrdreg s23  }
0xe: {  	s30 =	simm.s32 $0x780;
	s31 =	simm.s32 $0x800;
	[dreg:$0xf] =	wrdreg s24  }
0xf: {  	s12 =	simm.s32 $0x880;
	s13 =	simm.s32 $0x1;
	[dreg:$0x10] =	wrdreg s26  }
0x10: {  	s7 =	sadd.s32 $0x2CFC00, s5;
	s6 =	ssub.s32 $0x2, s6;
	[dreg:$0x11] =	wrdreg s28  }
0x11: {  	s9 =	sadd.s32 $0x2E9C00, s5;
	s25 =	sshrl.u32 s6, $0x1;
	[dreg:$0x12] =	wrdreg s29  }
0x12: {  	s11 =	sadd.s32 $0x2CC800, s5;
	s6 =	ssub.s32 s6, s25;
	[dreg:$0x13] =	wrdreg s30  }
0x13: {  	s3 =	sor.u32 $0x80, s4;
	s4 =	sshrl.u32 s4, $0x3;
	[dreg:$0x14] =	wrdreg s31  }
0x14: {  	s8 =	sshrl.u32 s3, $0x3;
	s16 =	sadd.s32 s4, s9;
	[dreg:$0x15] =	wrdreg s12  }
0x15: {  	s14 =	simm.s32 $0x2;
	s10 =	sadd.s32 s8, s7;
	[dreg:$0x6] =	wrdreg s16  }
0x16: {  	s6 =	smax.u32 s6, $0x1;
	s15 =	sadd.s32 s8, s9;
	[dreg:$0x2] =	wrdreg s10  }
0x17: {  	s12 =	simm.s32 $0x980;
	s8 =	sadd.s32 s8, s11;
	[dreg:$0x3] =	wrdreg s15  }
0x18: {  	s17 =	simm.s32 $0x0;
	s7 =	sadd.s32 s4, s7;
	[dreg:$0x4] =	wrdreg s8  }
0x19: {  	s4 =	sadd.s32 s4, s11;
	s9 =	simm.s32 $0x100;
	[dreg:$0x5] =	wrdreg s7  }
0x1a: {  	s11 =	simm.s32 $0x500;
	s16 =	simm.s32 $0x3;
	[dreg:$0x7] =	wrdreg s4  }
0x1b: {  	s4 =	sadd.s32 $0x2400, s5;
	s5 =	sadd.s32 $0x27D200, s5;
	s7 =	simm.s32 $0x4  }
0x1c: {  	s8 =	simm.s32 $0x80;
	s10 =	simm.s32 $0x900;
	s15 =	simm.s32 $0x1A000  }
.LBB2_1:
0x1d: {  	s19 =	sadd.s32 $0xFFFFFF80, s3  }
0x1e: {  	s18 =	rddreg [dreg:$0x7];
	s19 =	sshrl.u32 s19, $0xC  }
0x1f: {  	s18 =	sadd.s32 $0x0, s18;
	s20 =	smul.u32 $0xC3500, s19  }
0x20: {  	[tilespmem:s2], [sflag:$0x4] =	stream.linear.gather [hbm4b:s18+s2], $0x80, $0x38;
	[tilespmem:$0xA00] =	vst v63  }
0x21: {  	_ =	swait.ge [sflag:s7], $0x80  }
0x22: {  	s28 =	sshrl.u32 s20, $0x3;
	[sflag:s7] =	ssyncset.done $0x0  }
0x23: {  	[sflag:s7] =	ssyncadd.s32 $0xFFFFFF80;
	s18 =	sadd.s32 s4, s28  }
0x24: {  	[tilespmem:s9], [sflag:$0x1] =	stream.indirect.gather [hbm4b:s18+s8], $0x1, s2, s8, $0xb8;
	[tilespmem:$0xA00] =	vst v63  }
0x25: {  	s29 =	rddreg [dreg:$0x8];
	s22 =	sadd.s32 $0x30D4, s18  }
0x26: {  	[tilespmem:s29], [sflag:$0x1] =	stream.indirect.gather [hbm4b:s22+s8], $0x1, s2, s8, $0xb8;
	[tilespmem:$0xA00] =	vst v63  }
0x27: {  	s21 =	rddreg [dreg:$0x9];
	s30 =	sadd.s32 $0x61A8, s18  }
0x28: {  	[tilespmem:s21], [sflag:$0x1] =	stream.indirect.gather [hbm4b:s30+s8], $0x1, s2, s8, $0xb8;
	[tilespmem:$0xA00] =	vst v63  }
0x29: {  	s31 =	rddreg [dreg:$0xa];
	s23 =	sadd.s32 $0x927C, s18  }
0x2a: {  	[tilespmem:s31], [sflag:$0x1] =	stream.indirect.gather [hbm4b:s23+s8], $0x1, s2, s8, $0xb8;
	[tilespmem:$0xA00] =	vst v63  }
0x2b: {  	s24 =	rddreg [dreg:$0xb];
	s25 =	sadd.s32 $0xC350, s18  }
0x2c: {  	[tilespmem:s24], [sflag:$0x1] =	stream.indirect.gather [hbm4b:s25+s8], $0x1, s2, s8, $0xb8;
	[tilespmem:$0xA00] =	vst v63  }
0x2d: {  	s26 =	rddreg [dreg:$0xc];
	s28 =	sadd.s32 $0xF424, s18  }
0x2e: {  	[tilespmem:s26], [sflag:$0x1] =	stream.indirect.gather [hbm4b:s28+s8], $0x1, s2, s8, $0xb8;
	[tilespmem:$0xA00] =	vst v63  }
0x2f: {  	s29 =	rddreg [dreg:$0xd];
	s30 =	sadd.s32 $0x124F8, s18  }
0x30: {  	[tilespmem:s29], [sflag:$0x1] =	stream.indirect.gather [hbm4b:s30+s8], $0x1, s2, s8, $0xb8;
	[tilespmem:$0xA00] =	vst v63  }
0x31: {  	s19 =	smul.u32 $0x30D4, s19;
	s18 =	sadd.s32 $0x155CC, s18;
	s31 =	rddreg [dreg:$0xe]  }
0x32: {  	[tilespmem:s31], [sflag:$0x1] =	stream.indirect.gather [hbm4b:s18+s8], $0x1, s2, s8, $0xb8;
	[tilespmem:$0xA00] =	vst v63  }
0x33: {  	s23 =	rddreg [dreg:$0x4];
	s24 =	sadd.s32 s5, s19;
	s19 =	sshrl.u32 s3, $0xC  }
0x34: {  	[tilespmem:s10], [sflag:$0x2] =	stream.indirect.gather [hbm4b:s24+s8], $0x1, s2, s8, $0xb8;
	[tilespmem:$0xA00] =	vst v63  }
0x35: {  	s25 =	sadd.s32 $0x0, s23;
	s26 =	smul.u32 $0xC3500, s19  }
0x36: {  	[tilespmem:s8], [sflag:$0x4] =	stream.linear.gather [hbm4b:s25+s2], $0x80, $0x38;
	[tilespmem:$0xA00] =	vst v63  }
0x37: {  	_ =	swait.ge [sflag:s7], $0x80  }
0x38: {  	s28 =	sshrl.u32 s26, $0x3;
	[sflag:s7] =	ssyncset.done $0x0  }
0x39: {  	s18 =	sadd.s32 s4, s28;
	[sflag:s7] =	ssyncadd.s32 $0xFFFFFF80  }
0x3a: {  	[tilespmem:s11], [sflag:$0x1] =	stream.indirect.gather [hbm4b:s18+s8], $0x1, s8, s8, $0xb8;
	[tilespmem:$0xA00] =	vst v63  }
0x3b: {  	s30 =	sadd.s32 $0x30D4, s18;
	s29 =	rddreg [dreg:$0xf]  }
0x3c: {  	[tilespmem:s29], [sflag:$0x1] =	stream.indirect.gather [hbm4b:s30+s8], $0x1, s8, s8, $0xb8;
	[tilespmem:$0xA00] =	vst v63  }
0x3d: {  	s23 =	sadd.s32 $0x61A8, s18;
	s31 =	rddreg [dreg:$0x10]  }
0x3e: {  	[tilespmem:s31], [sflag:$0x1] =	stream.indirect.gather [hbm4b:s23+s8], $0x1, s8, s8, $0xb8;
	[tilespmem:$0xA00] =	vst v63  }
0x3f: {  	s25 =	sadd.s32 $0x927C, s18;
	s24 =	rddreg [dreg:$0x11]  }
0x40: {  	[tilespmem:s24], [sflag:$0x1] =	stream.indirect.gather [hbm4b:s25+s8], $0x1, s8, s8, $0xb8;
	[tilespmem:$0xA00] =	vst v63  }
0x41: {  	s28 =	sadd.s32 $0xC350, s18;
	s26 =	rddreg [dreg:$0x12]  }
0x42: {  	[tilespmem:s26], [sflag:$0x1] =	stream.indirect.gather [hbm4b:s28+s8], $0x1, s8, s8, $0xb8;
	[tilespmem:$0xA00] =	vst v63  }
0x43: {  	s29 =	rddreg [dreg:$0x13];
	s30 =	sadd.s32 $0xF424, s18  }
0x44: {  	[tilespmem:s29], [sflag:$0x1] =	stream.indirect.gather [hbm4b:s30+s8], $0x1, s8, s8, $0xb8;
	[tilespmem:$0xA00] =	vst v63  }
0x45: {  	s21 =	sadd.s32 $0x124F8, s18;
	s31 =	rddreg [dreg:$0x14]  }
0x46: {  	[tilespmem:s31], [sflag:$0x1] =	stream.indirect.gather [hbm4b:s21+s8], $0x1, s8, s8, $0xb8;
	[tilespmem:$0xA00] =	vst v63  }
0x47: {  	s19 =	smul.u32 $0x30D4, s19;
	s18 =	sadd.s32 $0x155CC, s18;
	s23 =	rddreg [dreg:$0x15]  }
0x48: {  	[tilespmem:s23], [sflag:$0x1] =	stream.indirect.gather [hbm4b:s18+s8], $0x1, s8, s8, $0xb8;
	[tilespmem:$0xA00] =	vst v63  }
0x49: {  	s24 =	sadd.s32 s5, s19  }
0x4a: {  	[tilespmem:s12], [sflag:$0x2] =	stream.indirect.gather [hbm4b:s24+s8], $0x1, s8, s8, $0xb8;
	[tilespmem:$0xA00] =	vst v63  }
0x4b: {  	_ =	swait.ge [sflag:s13], $0x80  }
0x4c: {  	[sflag:s13] =	ssyncset.done $0x0  }
0x4d: {  	[sflag:s13] =	ssyncadd.s32 $0xFFFFFF80  }
0x4e: {  	_ =	swait.ge [sflag:s13], $0x80  }
0x4f: {  	[sflag:s13] =	ssyncset.done $0x0  }
0x50: {  	[sflag:s13] =	ssyncadd.s32 $0xFFFFFF80  }
0x51: {  	_ =	swait.ge [sflag:s13], $0x80  }
0x52: {  	[sflag:s13] =	ssyncset.done $0x0  }
0x53: {  	[sflag:s13] =	ssyncadd.s32 $0xFFFFFF80  }
0x54: {  	_ =	swait.ge [sflag:s13], $0x80  }
0x55: {  	[sflag:s13] =	ssyncset.done $0x0  }
0x56: {  	[sflag:s13] =	ssyncadd.s32 $0xFFFFFF80  }
0x57: {  	_ =	swait.ge [sflag:s13], $0x80  }
0x58: {  	[sflag:s13] =	ssyncset.done $0x0  }
0x59: {  	[sflag:s13] =	ssyncadd.s32 $0xFFFFFF80  }
0x5a: {  	_ =	swait.ge [sflag:s13], $0x80  }
0x5b: {  	[sflag:s13] =	ssyncset.done $0x0  }
0x5c: {  	[sflag:s13] =	ssyncadd.s32 $0xFFFFFF80  }
0x5d: {  	_ =	swait.ge [sflag:s13], $0x80  }
0x5e: {  	[sflag:s13] =	ssyncset.done $0x0  }
0x5f: {  	[sflag:s13] =	ssyncadd.s32 $0xFFFFFF80  }
0x60: {  	_ =	swait.ge [sflag:s13], $0x80  }
0x61: {  	[sflag:s13] =	ssyncset.done $0x0  }
0x62: {  	[sflag:s13] =	ssyncadd.s32 $0xFFFFFF80  }
0x63: {  	_ =	swait.ge [sflag:s14], $0x80  }
0x64: {  	s25 =	rddreg [dreg:$0x5];
	[sflag:s14] =	ssyncset.done $0x0  }
0x65: {  	s26 =	rddreg [dreg:$0x6];
	[sflag:s14] =	ssyncadd.s32 $0xFFFFFF80;
	s18 =	sadd.s32 $0x0, s25  }
0x66: {  	[hbm4b:s18+s8] =	stream.strided.scatter [tilespmem:s9], [sflag:$0x3], $0x400, s15, s8, $0x38;
	[tilespmem:$0xA00] =	vst v63  }
0x67: {  	s28 =	sadd.s32 $0x0, s26  }
0x68: {  	[hbm4b:s28+s2] =	stream.linear.scatter [tilespmem:s10], [sflag:$0x3], $0x80, $0x38;
	[tilespmem:$0xA00] =	vst v63  }
0x69: {  	_ =	swait.ge [sflag:s13], $0x80  }
0x6a: {  	[sflag:s13] =	ssyncset.done $0x0  }
0x6b: {  	[sflag:s13] =	ssyncadd.s32 $0xFFFFFF80  }
0x6c: {  	_ =	swait.ge [sflag:s13], $0x80  }
0x6d: {  	[sflag:s13] =	ssyncset.done $0x0  }
0x6e: {  	[sflag:s13] =	ssyncadd.s32 $0xFFFFFF80  }
0x6f: {  	_ =	swait.ge [sflag:s13], $0x80  }
0x70: {  	[sflag:s13] =	ssyncset.done $0x0  }
0x71: {  	[sflag:s13] =	ssyncadd.s32 $0xFFFFFF80  }
0x72: {  	_ =	swait.ge [sflag:s13], $0x80  }
0x73: {  	[sflag:s13] =	ssyncset.done $0x0  }
0x74: {  	[sflag:s13] =	ssyncadd.s32 $0xFFFFFF80  }
0x75: {  	_ =	swait.ge [sflag:s13], $0x80  }
0x76: {  	[sflag:s13] =	ssyncset.done $0x0  }
0x77: {  	[sflag:s13] =	ssyncadd.s32 $0xFFFFFF80  }
0x78: {  	_ =	swait.ge [sflag:s13], $0x80  }
0x79: {  	[sflag:s13] =	ssyncset.done $0x0  }
0x7a: {  	[sflag:s13] =	ssyncadd.s32 $0xFFFFFF80  }
0x7b: {  	_ =	swait.ge [sflag:s13], $0x80  }
0x7c: {  	[sflag:s13] =	ssyncset.done $0x0  }
0x7d: {  	[sflag:s13] =	ssyncadd.s32 $0xFFFFFF80  }
0x7e: {  	_ =	swait.ge [sflag:s13], $0x80  }
0x7f: {  	[sflag:s13] =	ssyncset.done $0x0  }
0x80: {  	[sflag:s13] =	ssyncadd.s32 $0xFFFFFF80  }
0x81: {  	_ =	swait.ge [sflag:s14], $0x80  }
0x82: {  	s29 =	rddreg [dreg:$0x2];
	[sflag:s14] =	ssyncset.done $0x0  }
0x83: {  	s30 =	rddreg [dreg:$0x3];
	[sflag:s14] =	ssyncadd.s32 $0xFFFFFF80;
	s18 =	sadd.s32 $0x0, s29  }
0x84: {  	[hbm4b:s18+s8] =	stream.strided.scatter [tilespmem:s11], [sflag:$0x3], $0x400, s15, s8, $0x38;
	[tilespmem:$0xA00] =	vst v63  }
0x85: {  	s31 =	sadd.s32 $0x0, s30  }
0x86: {  	[hbm4b:s31+s2] =	stream.linear.scatter [tilespmem:s12], [sflag:$0x3], $0x80, $0x38;
	[tilespmem:$0xA00] =	vst v63  }
0x87: {  	_ =	swait.ge [sflag:s16], $0x400  }
0x88: {  	[sflag:s16] =	ssyncset.done $0x0  }
0x89: {  	[sflag:s16] =	ssyncadd.s32 $0xFFFFFC00  }
0x8a: {  	_ =	swait.ge [sflag:s16], $0x80  }
0x8b: {  	[sflag:s16] =	ssyncset.done $0x0  }
0x8c: {  	[sflag:s16] =	ssyncadd.s32 $0xFFFFFF80  }
0x8d: {  	_ =	swait.ge [sflag:s16], $0x400  }
0x8e: {  	[sflag:s16] =	ssyncset.done $0x0  }
0x8f: {  	s20 =	simm.s32 $0x40;
	[sflag:s16] =	ssyncadd.s32 $0xFFFFFC00  }
0x90: {  	s19 =	smov.u32 s3;
	s18 =	simm.s32 $0x20;
	_ =	swait.ge [sflag:s16], $0x80  }
.LBB2_2:
0x91: {  	s19 =	sadd.s32 $0x100, s19  }
0x92: {  	s22 =	rddreg [dreg:$0x7];
	[sflag:s16] =	ssyncset.done $0x0;
	s21 =	sadd.s32 $0xFFFFFF80, s19  }
0x93: {  	[sflag:s16] =	ssyncadd.s32 $0xFFFFFF80;
	s22 =	sadd.s32 s18, s22;
	s23 =	sshrl.u32 s21, $0xC  }
0x94: {  	[tilespmem:s2], [sflag:$0x4] =	stream.linear.gather [hbm4b:s22+s2], $0x80, $0x38;
	[tilespmem:$0xA00] =	vst v63  }
0x95: {  	s24 =	smul.u32 $0xC3500, s23  }
0x96: {  	_ =	swait.ge [sflag:s7], $0x80  }
0x97: {  	[sflag:s7] =	ssyncset.done $0x0;
	s30 =	sshrl.u32 s24, $0x3  }
0x98: {  	[sflag:s7] =	ssyncadd.s32 $0xFFFFFF80;
	s22 =	sadd.s32 s4, s30  }
0x99: {  	[tilespmem:s9], [sflag:$0x1] =	stream.indirect.gather [hbm4b:s22+s8], $0x1, s2, s8, $0xb8;
	[tilespmem:$0xA00] =	vst v63  }
0x9a: {  	s31 =	rddreg [dreg:$0x8];
	s26 =	sadd.s32 $0x30D4, s22  }
0x9b: {  	[tilespmem:s31], [sflag:$0x1] =	stream.indirect.gather [hbm4b:s26+s8], $0x1, s2, s8, $0xb8;
	[tilespmem:$0xA00] =	vst v63  }
0x9c: {  	s25 =	rddreg [dreg:$0x9];
	s28 =	sadd.s32 $0x61A8, s22  }
0x9d: {  	[tilespmem:s25], [sflag:$0x1] =	stream.indirect.gather [hbm4b:s28+s8], $0x1, s2, s8, $0xb8;
	[tilespmem:$0xA00] =	vst v63  }
0x9e: {  	s29 =	rddreg [dreg:$0xa];
	s26 =	sadd.s32 $0x927C, s22  }
0x9f: {  	[tilespmem:s29], [sflag:$0x1] =	stream.indirect.gather [hbm4b:s26+s8], $0x1, s2, s8, $0xb8;
	[tilespmem:$0xA00] =	vst v63  }
0xa0: {  	s30 =	rddreg [dreg:$0xb];
	s31 =	sadd.s32 $0xC350, s22  }
0xa1: {  	[tilespmem:s30], [sflag:$0x1] =	stream.indirect.gather [hbm4b:s31+s8], $0x1, s2, s8, $0xb8;
	[tilespmem:$0xA00] =	vst v63  }
0xa2: {  	s24 =	sadd.s32 $0xF424, s22;
	s28 =	rddreg [dreg:$0xc]  }
0xa3: {  	[tilespmem:s28], [sflag:$0x1] =	stream.indirect.gather [hbm4b:s24+s8], $0x1, s2, s8, $0xb8;
	[tilespmem:$0xA00] =	vst v63  }
0xa4: {  	s29 =	rddreg [dreg:$0xd];
	s30 =	sadd.s32 $0x124F8, s22  }
0xa5: {  	[tilespmem:s29], [sflag:$0x1] =	stream.indirect.gather [hbm4b:s30+s8], $0x1, s2, s8, $0xb8;
	[tilespmem:$0xA00] =	vst v63  }
0xa6: {  	s23 =	smul.u32 $0x30D4, s23;
	s31 =	rddreg [dreg:$0xe];
	s22 =	sadd.s32 $0x155CC, s22  }
0xa7: {  	[tilespmem:s31], [sflag:$0x1] =	stream.indirect.gather [hbm4b:s22+s8], $0x1, s2, s8, $0xb8;
	[tilespmem:$0xA00] =	vst v63  }
0xa8: {  	s25 =	rddreg [dreg:$0x4];
	s28 =	sadd.s32 s5, s23;
	s29 =	sshrl.u32 s19, $0xC  }
0xa9: {  	[tilespmem:s10], [sflag:$0x2] =	stream.indirect.gather [hbm4b:s28+s8], $0x1, s2, s8, $0xb8;
	[tilespmem:$0xA00] =	vst v63  }
0xaa: {  	s30 =	sadd.s32 s18, s25;
	s31 =	smul.u32 $0xC3500, s29  }
0xab: {  	[tilespmem:s8], [sflag:$0x4] =	stream.linear.gather [hbm4b:s30+s2], $0x80, $0x38;
	[tilespmem:$0xA00] =	vst v63  }
0xac: {  	_ =	swait.ge [sflag:s7], $0x80  }
0xad: {  	s24 =	sshrl.u32 s31, $0x3;
	[sflag:s7] =	ssyncset.done $0x0  }
0xae: {  	s22 =	sadd.s32 s4, s24;
	[sflag:s7] =	ssyncadd.s32 $0xFFFFFF80  }
0xaf: {  	[tilespmem:s11], [sflag:$0x1] =	stream.indirect.gather [hbm4b:s22+s8], $0x1, s8, s8, $0xb8;
	[tilespmem:$0xA00] =	vst v63  }
0xb0: {  	s30 =	sadd.s32 $0x30D4, s22;
	s25 =	rddreg [dreg:$0xf]  }
0xb1: {  	[tilespmem:s25], [sflag:$0x1] =	stream.indirect.gather [hbm4b:s30+s8], $0x1, s8, s8, $0xb8;
	[tilespmem:$0xA00] =	vst v63  }
0xb2: {  	s31 =	sadd.s32 $0x61A8, s22;
	s26 =	rddreg [dreg:$0x10]  }
0xb3: {  	[tilespmem:s26], [sflag:$0x1] =	stream.indirect.gather [hbm4b:s31+s8], $0x1, s8, s8, $0xb8;
	[tilespmem:$0xA00] =	vst v63  }
0xb4: {  	s23 =	smul.u32 $0x30D4, s29;
	s29 =	rddreg [dreg:$0x11];
	s25 =	sadd.s32 $0x927C, s22  }
0xb5: {  	[tilespmem:s29], [sflag:$0x1] =	stream.indirect.gather [hbm4b:s25+s8], $0x1, s8, s8, $0xb8;
	[tilespmem:$0xA00] =	vst v63  }
0xb6: {  	s30 =	rddreg [dreg:$0x12];
	s31 =	sadd.s32 $0xC350, s22  }
0xb7: {  	[tilespmem:s30], [sflag:$0x1] =	stream.indirect.gather [hbm4b:s31+s8], $0x1, s8, s8, $0xb8;
	[tilespmem:$0xA00] =	vst v63  }
0xb8: {  	s24 =	sadd.s32 $0xF424, s22;
	s28 =	rddreg [dreg:$0x13]  }
0xb9: {  	[tilespmem:s28], [sflag:$0x1] =	stream.indirect.gather [hbm4b:s24+s8], $0x1, s8, s8, $0xb8;
	[tilespmem:$0xA00] =	vst v63  }
0xba: {  	s29 =	rddreg [dreg:$0x14];
	s30 =	sadd.s32 $0x124F8, s22  }
0xbb: {  	[tilespmem:s29], [sflag:$0x1] =	stream.indirect.gather [hbm4b:s30+s8], $0x1, s8, s8, $0xb8;
	[tilespmem:$0xA00] =	vst v63  }
0xbc: {  	s31 =	rddreg [dreg:$0x15];
	s22 =	sadd.s32 $0x155CC, s22  }
0xbd: {  	[tilespmem:s31], [sflag:$0x1] =	stream.indirect.gather [hbm4b:s22+s8], $0x1, s8, s8, $0xb8;
	[tilespmem:$0xA00] =	vst v63  }
0xbe: {  	s23 =	sadd.s32 s5, s23  }
0xbf: {  	[tilespmem:s12], [sflag:$0x2] =	stream.indirect.gather [hbm4b:s23+s8], $0x1, s8, s8, $0xb8;
	[tilespmem:$0xA00] =	vst v63  }
0xc0: {  	_ =	swait.ge [sflag:s13], $0x80  }
0xc1: {  	[sflag:s13] =	ssyncset.done $0x0  }
0xc2: {  	[sflag:s13] =	ssyncadd.s32 $0xFFFFFF80  }
0xc3: {  	_ =	swait.ge [sflag:s13], $0x80  }
0xc4: {  	[sflag:s13] =	ssyncset.done $0x0  }
0xc5: {  	[sflag:s13] =	ssyncadd.s32 $0xFFFFFF80  }
0xc6: {  	_ =	swait.ge [sflag:s13], $0x80  }
0xc7: {  	[sflag:s13] =	ssyncset.done $0x0  }
0xc8: {  	[sflag:s13] =	ssyncadd.s32 $0xFFFFFF80  }
0xc9: {  	_ =	swait.ge [sflag:s13], $0x80  }
0xca: {  	[sflag:s13] =	ssyncset.done $0x0  }
0xcb: {  	[sflag:s13] =	ssyncadd.s32 $0xFFFFFF80  }
0xcc: {  	_ =	swait.ge [sflag:s13], $0x80  }
0xcd: {  	[sflag:s13] =	ssyncset.done $0x0  }
0xce: {  	[sflag:s13] =	ssyncadd.s32 $0xFFFFFF80  }
0xcf: {  	_ =	swait.ge [sflag:s13], $0x80  }
0xd0: {  	[sflag:s13] =	ssyncset.done $0x0  }
0xd1: {  	[sflag:s13] =	ssyncadd.s32 $0xFFFFFF80  }
0xd2: {  	_ =	swait.ge [sflag:s13], $0x80  }
0xd3: {  	[sflag:s13] =	ssyncset.done $0x0  }
0xd4: {  	[sflag:s13] =	ssyncadd.s32 $0xFFFFFF80  }
0xd5: {  	_ =	swait.ge [sflag:s13], $0x80  }
0xd6: {  	[sflag:s13] =	ssyncset.done $0x0  }
0xd7: {  	[sflag:s13] =	ssyncadd.s32 $0xFFFFFF80  }
0xd8: {  	_ =	swait.ge [sflag:s14], $0x80  }
0xd9: {  	s25 =	rddreg [dreg:$0x5];
	[sflag:s14] =	ssyncset.done $0x0  }
0xda: {  	s26 =	rddreg [dreg:$0x6];
	[sflag:s14] =	ssyncadd.s32 $0xFFFFFF80;
	s22 =	sadd.s32 s18, s25  }
0xdb: {  	[hbm4b:s22+s8] =	stream.strided.scatter [tilespmem:s9], [sflag:$0x3], $0x400, s15, s8, $0x38;
	[tilespmem:$0xA00] =	vst v63  }
0xdc: {  	s28 =	sadd.s32 s18, s26  }
0xdd: {  	[hbm4b:s28+s2] =	stream.linear.scatter [tilespmem:s10], [sflag:$0x3], $0x80, $0x38;
	[tilespmem:$0xA00] =	vst v63  }
0xde: {  	_ =	swait.ge [sflag:s13], $0x80  }
0xdf: {  	[sflag:s13] =	ssyncset.done $0x0  }
0xe0: {  	[sflag:s13] =	ssyncadd.s32 $0xFFFFFF80  }
0xe1: {  	_ =	swait.ge [sflag:s13], $0x80  }
0xe2: {  	[sflag:s13] =	ssyncset.done $0x0  }
0xe3: {  	[sflag:s13] =	ssyncadd.s32 $0xFFFFFF80  }
0xe4: {  	_ =	swait.ge [sflag:s13], $0x80  }
0xe5: {  	[sflag:s13] =	ssyncset.done $0x0  }
0xe6: {  	[sflag:s13] =	ssyncadd.s32 $0xFFFFFF80  }
0xe7: {  	_ =	swait.ge [sflag:s13], $0x80  }
0xe8: {  	[sflag:s13] =	ssyncset.done $0x0  }
0xe9: {  	[sflag:s13] =	ssyncadd.s32 $0xFFFFFF80  }
0xea: {  	_ =	swait.ge [sflag:s13], $0x80  }
0xeb: {  	[sflag:s13] =	ssyncset.done $0x0  }
0xec: {  	[sflag:s13] =	ssyncadd.s32 $0xFFFFFF80  }
0xed: {  	_ =	swait.ge [sflag:s13], $0x80  }
0xee: {  	[sflag:s13] =	ssyncset.done $0x0  }
0xef: {  	[sflag:s13] =	ssyncadd.s32 $0xFFFFFF80  }
0xf0: {  	_ =	swait.ge [sflag:s13], $0x80  }
0xf1: {  	[sflag:s13] =	ssyncset.done $0x0  }
0xf2: {  	[sflag:s13] =	ssyncadd.s32 $0xFFFFFF80  }
0xf3: {  	_ =	swait.ge [sflag:s13], $0x80  }
0xf4: {  	[sflag:s13] =	ssyncset.done $0x0  }
0xf5: {  	[sflag:s13] =	ssyncadd.s32 $0xFFFFFF80  }
0xf6: {  	_ =	swait.ge [sflag:s14], $0x80  }
0xf7: {  	s29 =	rddreg [dreg:$0x2];
	[sflag:s14] =	ssyncset.done $0x0  }
0xf8: {  	s30 =	rddreg [dreg:$0x3];
	[sflag:s14] =	ssyncadd.s32 $0xFFFFFF80;
	s22 =	sadd.s32 s18, s29  }
0xf9: {  	[hbm4b:s22+s8] =	stream.strided.scatter [tilespmem:s11], [sflag:$0x3], $0x400, s15, s8, $0x38;
	[tilespmem:$0xA00] =	vst v63  }
0xfa: {  	s31 =	sadd.s32 s18, s30  }
0xfb: {  	[hbm4b:s31+s2] =	stream.linear.scatter [tilespmem:s12], [sflag:$0x3], $0x80, $0x38;
	[tilespmem:$0xA00] =	vst v63  }
0xfc: {  	_ =	swait.ge [sflag:s16], $0x400  }
0xfd: {  	[sflag:s16] =	ssyncset.done $0x0  }
0xfe: {  	[sflag:s16] =	ssyncadd.s32 $0xFFFFFC00  }
0xff: {  	_ =	swait.ge [sflag:s16], $0x80  }
0x100: {  	p0 =	sne.s32 s20, $0x180;
	[sflag:s16] =	ssyncset.done $0x0  }
.Ltmp0:
0x101: {  	[sflag:s16] =	ssyncadd.s32 $0xFFFFFF80;
	(pc) =	sbr.rel @p0 .LBB2_2-.Ltmp0, $4  }
0x102: {  	_ =	swait.ge [sflag:s16], $0x400  }
0x103: {  	[sflag:s16] =	ssyncset.done $0x0  }
0x104: {  	s21 =	smov.u32 s20;
	[sflag:s16] =	ssyncadd.s32 $0xFFFFFC00  }
0x105: {  	s20 =	sadd.s32 $0x20, s20;
	s18 =	smov.u32 s21;
	_ =	swait.ge [sflag:s16], $0x80  }
0x106: {  	s19 =	sadd.s32 $0x100, s19  }
0x107: {  	s20 =	rddreg [dreg:$0x7];
	[sflag:s16] =	ssyncset.done $0x0;
	s21 =	sadd.s32 $0xFFFFFF80, s19  }
0x108: {  	[sflag:s16] =	ssyncadd.s32 $0xFFFFFF80;
	s20 =	sadd.s32 s18, s20;
	s21 =	sshrl.u32 s21, $0xC  }
0x109: {  	[tilespmem:s2], [sflag:$0x4] =	stream.linear.gather [hbm4b:s20+s2], $0x80, $0x38;
	[tilespmem:$0xA00] =	vst v63  }
0x10a: {  	s22 =	smul.u32 $0xC3500, s21  }
0x10b: {  	_ =	swait.ge [sflag:s7], $0x80  }
0x10c: {  	[sflag:s7] =	ssyncset.done $0x0;
	s25 =	sshrl.u32 s22, $0x3  }
0x10d: {  	[sflag:s7] =	ssyncadd.s32 $0xFFFFFF80;
	s20 =	sadd.s32 s4, s25  }
0x10e: {  	[tilespmem:s9], [sflag:$0x1] =	stream.indirect.gather [hbm4b:s20+s8], $0x1, s2, s8, $0xb8;
	[tilespmem:$0xA00] =	vst v63  }
0x10f: {  	s26 =	rddreg [dreg:$0x8];
	s24 =	sadd.s32 $0x30D4, s20  }
0x110: {  	[tilespmem:s26], [sflag:$0x1] =	stream.indirect.gather [hbm4b:s24+s8], $0x1, s2, s8, $0xb8;
	[tilespmem:$0xA00] =	vst v63  }
0x111: {  	s23 =	rddreg [dreg:$0x9];
	s28 =	sadd.s32 $0x61A8, s20  }
0x112: {  	[tilespmem:s23], [sflag:$0x1] =	stream.indirect.gather [hbm4b:s28+s8], $0x1, s2, s8, $0xb8;
	[tilespmem:$0xA00] =	vst v63  }
0x113: {  	s29 =	rddreg [dreg:$0xa];
	s30 =	sadd.s32 $0x927C, s20  }
0x114: {  	[tilespmem:s29], [sflag:$0x1] =	stream.indirect.gather [hbm4b:s30+s8], $0x1, s2, s8, $0xb8;
	[tilespmem:$0xA00] =	vst v63  }
0x115: {  	s31 =	rddreg [dreg:$0xb];
	s25 =	sadd.s32 $0xC350, s20  }
0x116: {  	[tilespmem:s31], [sflag:$0x1] =	stream.indirect.gather [hbm4b:s25+s8], $0x1, s2, s8, $0xb8;
	[tilespmem:$0xA00] =	vst v63  }
0x117: {  	s26 =	rddreg [dreg:$0xc];
	s28 =	sadd.s32 $0xF424, s20  }
0x118: {  	[tilespmem:s26], [sflag:$0x1] =	stream.indirect.gather [hbm4b:s28+s8], $0x1, s2, s8, $0xb8;
	[tilespmem:$0xA00] =	vst v63  }
0x119: {  	s29 =	rddreg [dreg:$0xd];
	s30 =	sadd.s32 $0x124F8, s20  }
0x11a: {  	[tilespmem:s29], [sflag:$0x1] =	stream.indirect.gather [hbm4b:s30+s8], $0x1, s2, s8, $0xb8;
	[tilespmem:$0xA00] =	vst v63  }
0x11b: {  	s21 =	smul.u32 $0x30D4, s21;
	s20 =	sadd.s32 $0x155CC, s20;
	s31 =	rddreg [dreg:$0xe]  }
0x11c: {  	[tilespmem:s31], [sflag:$0x1] =	stream.indirect.gather [hbm4b:s20+s8], $0x1, s2, s8, $0xb8;
	[tilespmem:$0xA00] =	vst v63  }
0x11d: {  	s19 =	sshrl.u32 s19, $0xC;
	s24 =	sadd.s32 s5, s21;
	s23 =	rddreg [dreg:$0x4]  }
0x11e: {  	[tilespmem:s10], [sflag:$0x2] =	stream.indirect.gather [hbm4b:s24+s8], $0x1, s2, s8, $0xb8;
	[tilespmem:$0xA00] =	vst v63  }
0x11f: {  	s25 =	sadd.s32 s18, s23;
	s26 =	smul.u32 $0xC3500, s19  }
0x120: {  	[tilespmem:s8], [sflag:$0x4] =	stream.linear.gather [hbm4b:s25+s2], $0x80, $0x38;
	[tilespmem:$0xA00] =	vst v63  }
0x121: {  	_ =	swait.ge [sflag:s7], $0x80  }
0x122: {  	s28 =	sshrl.u32 s26, $0x3;
	[sflag:s7] =	ssyncset.done $0x0  }
0x123: {  	s20 =	sadd.s32 s4, s28;
	[sflag:s7] =	ssyncadd.s32 $0xFFFFFF80  }
0x124: {  	[tilespmem:s11], [sflag:$0x1] =	stream.indirect.gather [hbm4b:s20+s8], $0x1, s8, s8, $0xb8;
	[tilespmem:$0xA00] =	vst v63  }
0x125: {  	s30 =	sadd.s32 $0x30D4, s20;
	s29 =	rddreg [dreg:$0xf]  }
0x126: {  	[tilespmem:s29], [sflag:$0x1] =	stream.indirect.gather [hbm4b:s30+s8], $0x1, s8, s8, $0xb8;
	[tilespmem:$0xA00] =	vst v63  }
0x127: {  	s22 =	sadd.s32 $0x61A8, s20;
	s31 =	rddreg [dreg:$0x10]  }
0x128: {  	[tilespmem:s31], [sflag:$0x1] =	stream.indirect.gather [hbm4b:s22+s8], $0x1, s8, s8, $0xb8;
	[tilespmem:$0xA00] =	vst v63  }
0x129: {  	s25 =	sadd.s32 $0x927C, s20;
	s24 =	rddreg [dreg:$0x11]  }
0x12a: {  	[tilespmem:s24], [sflag:$0x1] =	stream.indirect.gather [hbm4b:s25+s8], $0x1, s8, s8, $0xb8;
	[tilespmem:$0xA00] =	vst v63  }
0x12b: {  	s28 =	sadd.s32 $0xC350, s20;
	s26 =	rddreg [dreg:$0x12]  }
0x12c: {  	[tilespmem:s26], [sflag:$0x1] =	stream.indirect.gather [hbm4b:s28+s8], $0x1, s8, s8, $0xb8;
	[tilespmem:$0xA00] =	vst v63  }
0x12d: {  	s29 =	rddreg [dreg:$0x13];
	s30 =	sadd.s32 $0xF424, s20  }
0x12e: {  	[tilespmem:s29], [sflag:$0x1] =	stream.indirect.gather [hbm4b:s30+s8], $0x1, s8, s8, $0xb8;
	[tilespmem:$0xA00] =	vst v63  }
0x12f: {  	s31 =	rddreg [dreg:$0x14];
	s22 =	sadd.s32 $0x124F8, s20  }
0x130: {  	[tilespmem:s31], [sflag:$0x1] =	stream.indirect.gather [hbm4b:s22+s8], $0x1, s8, s8, $0xb8;
	[tilespmem:$0xA00] =	vst v63  }
0x131: {  	s19 =	smul.u32 $0x30D4, s19;
	s20 =	sadd.s32 $0x155CC, s20;
	s24 =	rddreg [dreg:$0x15]  }
0x132: {  	[tilespmem:s24], [sflag:$0x1] =	stream.indirect.gather [hbm4b:s20+s8], $0x1, s8, s8, $0xb8;
	[tilespmem:$0xA00] =	vst v63  }
0x133: {  	s19 =	sadd.s32 s5, s19  }
0x134: {  	[tilespmem:s12], [sflag:$0x2] =	stream.indirect.gather [hbm4b:s19+s8], $0x1, s8, s8, $0xb8;
	[tilespmem:$0xA00] =	vst v63  }
0x135: {  	_ =	swait.ge [sflag:s13], $0x80  }
0x136: {  	[sflag:s13] =	ssyncset.done $0x0  }
0x137: {  	[sflag:s13] =	ssyncadd.s32 $0xFFFFFF80  }
0x138: {  	_ =	swait.ge [sflag:s13], $0x80  }
0x139: {  	[sflag:s13] =	ssyncset.done $0x0  }
0x13a: {  	[sflag:s13] =	ssyncadd.s32 $0xFFFFFF80  }
0x13b: {  	_ =	swait.ge [sflag:s13], $0x80  }
0x13c: {  	[sflag:s13] =	ssyncset.done $0x0  }
0x13d: {  	[sflag:s13] =	ssyncadd.s32 $0xFFFFFF80  }
0x13e: {  	_ =	swait.ge [sflag:s13], $0x80  }
0x13f: {  	[sflag:s13] =	ssyncset.done $0x0  }
0x140: {  	[sflag:s13] =	ssyncadd.s32 $0xFFFFFF80  }
0x141: {  	_ =	swait.ge [sflag:s13], $0x80  }
0x142: {  	[sflag:s13] =	ssyncset.done $0x0  }
0x143: {  	[sflag:s13] =	ssyncadd.s32 $0xFFFFFF80  }
0x144: {  	_ =	swait.ge [sflag:s13], $0x80  }
0x145: {  	[sflag:s13] =	ssyncset.done $0x0  }
0x146: {  	[sflag:s13] =	ssyncadd.s32 $0xFFFFFF80  }
0x147: {  	_ =	swait.ge [sflag:s13], $0x80  }
0x148: {  	[sflag:s13] =	ssyncset.done $0x0  }
0x149: {  	[sflag:s13] =	ssyncadd.s32 $0xFFFFFF80  }
0x14a: {  	_ =	swait.ge [sflag:s13], $0x80  }
0x14b: {  	[sflag:s13] =	ssyncset.done $0x0  }
0x14c: {  	[sflag:s13] =	ssyncadd.s32 $0xFFFFFF80  }
0x14d: {  	_ =	swait.ge [sflag:s14], $0x80  }
0x14e: {  	s25 =	rddreg [dreg:$0x5];
	[sflag:s14] =	ssyncset.done $0x0  }
0x14f: {  	s26 =	rddreg [dreg:$0x6];
	[sflag:s14] =	ssyncadd.s32 $0xFFFFFF80;
	s19 =	sadd.s32 s18, s25  }
0x150: {  	[hbm4b:s19+s8] =	stream.strided.scatter [tilespmem:s9], [sflag:$0x3], $0x400, s15, s8, $0x38;
	[tilespmem:$0xA00] =	vst v63  }
0x151: {  	s28 =	sadd.s32 s18, s26  }
0x152: {  	[hbm4b:s28+s2] =	stream.linear.scatter [tilespmem:s10], [sflag:$0x3], $0x80, $0x38;
	[tilespmem:$0xA00] =	vst v63  }
0x153: {  	_ =	swait.ge [sflag:s13], $0x80  }
0x154: {  	[sflag:s13] =	ssyncset.done $0x0  }
0x155: {  	[sflag:s13] =	ssyncadd.s32 $0xFFFFFF80  }
0x156: {  	_ =	swait.ge [sflag:s13], $0x80  }
0x157: {  	[sflag:s13] =	ssyncset.done $0x0  }
0x158: {  	[sflag:s13] =	ssyncadd.s32 $0xFFFFFF80  }
0x159: {  	_ =	swait.ge [sflag:s13], $0x80  }
0x15a: {  	[sflag:s13] =	ssyncset.done $0x0  }
0x15b: {  	[sflag:s13] =	ssyncadd.s32 $0xFFFFFF80  }
0x15c: {  	_ =	swait.ge [sflag:s13], $0x80  }
0x15d: {  	[sflag:s13] =	ssyncset.done $0x0  }
0x15e: {  	[sflag:s13] =	ssyncadd.s32 $0xFFFFFF80  }
0x15f: {  	_ =	swait.ge [sflag:s13], $0x80  }
0x160: {  	[sflag:s13] =	ssyncset.done $0x0  }
0x161: {  	[sflag:s13] =	ssyncadd.s32 $0xFFFFFF80  }
0x162: {  	_ =	swait.ge [sflag:s13], $0x80  }
0x163: {  	[sflag:s13] =	ssyncset.done $0x0  }
0x164: {  	[sflag:s13] =	ssyncadd.s32 $0xFFFFFF80  }
0x165: {  	_ =	swait.ge [sflag:s13], $0x80  }
0x166: {  	[sflag:s13] =	ssyncset.done $0x0  }
0x167: {  	[sflag:s13] =	ssyncadd.s32 $0xFFFFFF80  }
0x168: {  	_ =	swait.ge [sflag:s13], $0x80  }
0x169: {  	[sflag:s13] =	ssyncset.done $0x0  }
0x16a: {  	[sflag:s13] =	ssyncadd.s32 $0xFFFFFF80  }
0x16b: {  	_ =	swait.ge [sflag:s14], $0x80  }
0x16c: {  	s29 =	rddreg [dreg:$0x2];
	[sflag:s14] =	ssyncset.done $0x0  }
0x16d: {  	s30 =	rddreg [dreg:$0x3];
	[sflag:s14] =	ssyncadd.s32 $0xFFFFFF80;
	s19 =	sadd.s32 s18, s29  }
0x16e: {  	[hbm4b:s19+s8] =	stream.strided.scatter [tilespmem:s11], [sflag:$0x3], $0x400, s15, s8, $0x38;
	[tilespmem:$0xA00] =	vst v63  }
0x16f: {  	s31 =	sadd.s32 s18, s30  }
0x170: {  	[hbm4b:s31+s2] =	stream.linear.scatter [tilespmem:s12], [sflag:$0x3], $0x80, $0x38;
	[tilespmem:$0xA00] =	vst v63  }
0x171: {  	_ =	swait.ge [sflag:s16], $0x400  }
0x172: {  	[sflag:s16] =	ssyncset.done $0x0  }
0x173: {  	[sflag:s16] =	ssyncadd.s32 $0xFFFFFC00  }
0x174: {  	_ =	swait.ge [sflag:s16], $0x80  }
0x175: {  	[sflag:s16] =	ssyncset.done $0x0  }
0x176: {  	s17 =	sadd.s32 $0x1, s17;
	[sflag:s16] =	ssyncadd.s32 $0xFFFFFF80  }
0x177: {  	p0 =	sne.s32 s17, s6;
	_ =	swait.ge [sflag:s16], $0x400  }
.Ltmp1:
0x178: {  	[sflag:s16] =	ssyncset.done $0x0;
	(pc) =	sbr.rel @p0 .LBB2_1-.Ltmp1, $4  }
0x179: {  	[sflag:s16] =	ssyncadd.s32 $0xFFFFFC00  }
0x17a: {  	_ =	swait.ge [sflag:s16], $0x80  }
0x17b: {  	[sflag:s16] =	ssyncset.done $0x0  }
0x17c: {  	[sflag:s16] =	ssyncadd.s32 $0xFFFFFF80  }
0x17d: {  	_ =	sfence.sel $0x180000  }
0x17e: {  	[bflag:$0x0] =	sbarrier.arrive $0xFFFF  }
0x17f: {  	p0 =	sne.s32 s0, $0x0;
	_ =	strace $0x90000047  }
0x180: {  	s0 =	sadd.s32 @!p0 $0x100000, s1;
	[bflag:$0x2] =	sbarrier.arrive $0xFFFF  }
0x181: {  	[sflag:s0] =	ssyncadd.tile.s32 @!p0 $0x1;
	_ =	shalt  }
.Lfunc_end2:
_tile_overlayer_lowered:
.L_overlay_start_2:
0x182: {  	(tag) =	ssettag $0x2  }
0x183: {  	s0 =	rddreg [dreg:$0x0];
	s2 =	stileid.u32  }
0x184: {  	s1 =	rddreg [dreg:$0x1];
	p0 =	sne.s32 s2, $0x0  }
0x185: {  	s3 =	rddreg [dreg:$0x2];
	[bflag:$0x3] =	sbarrier.arrive $0xFFFF;
	s2 =	simm.s32 @!p0 $0x1C04  }
0x186: {  	[timem:s3], [sflag:s2] =	dma.local @!p0 [hbm:s0], s1  }
0x187: {  	s0 =	simm.s32 @!p0 $0x4  }
0x188: {  	_ =	swait.ge @!p0 [sflag:s0], s1  }
0x189: {  	s1 =	ssub.s32 @!p0 $0x0, s1;
	[sflag:s0] =	ssyncset.done @!p0 $0x0  }
0x18a: {  	[sflag:s0] =	ssyncadd.s32 @!p0 s1  }
0x18b: {  	[bflag:$0x3] =	sbarrier.arrive $0xFFFF  }
0x18c: {  	_ =	shalt  }

</sc_bundles>
